<compile_context>
chip_gen: v7x
topology: tpu7x:2x2x1
jax: 0.10.2.dev20260603
libtpu: 0.0.44.dev20260713+nightly
codegen_flags: <defaults>
</compile_context>

<pallas_src>
import functools

import jax
import jax.numpy as jnp
from jax import lax
from jax.experimental import pallas as pl
from jax.experimental.pallas import tpu as pltpu
from jax.experimental.pallas import tpu_sc as plsc

N = 10000
E = 320000
D = 128
NPAD = 10240
NC, NS = 2, 16
NW = NC * NS
EPW = E // NW
CHUNK = 120
NCH = -(-EPW // CHUNK)
EPWP = NCH * CHUNK
RPS = NPAD // NS

_MESH = plsc.VectorSubcoreMesh(core_axis_name="c", subcore_axis_name="s")


def _zero_f32_buf(buf, nrows, ncols):
    def zr(i, _):
        for j in range(ncols // 16):
            buf[i, pl.ds(j * 16, 16)] = jnp.zeros((16,), jnp.float32)
        return _
    lax.fori_loop(0, nrows, zr, None)


def _prop_body(g_hbm, row_hbm, col_hbm, out_hbm, acc, ri, ci, rows, gsem):
    cid = lax.axis_index("c")
    sid = lax.axis_index("s")
    w = cid * NS + sid

    _zero_f32_buf(rows, CHUNK, D)
    base = sid * RPS
    for k in range(RPS // CHUNK):
        pltpu.sync_copy(rows, acc.at[pl.ds(base + k * CHUNK, CHUNK)])
    rem = RPS % CHUNK
    if rem:
        pltpu.sync_copy(rows.at[pl.ds(0, rem)],
                        acc.at[pl.ds(base + (RPS // CHUNK) * CHUNK, rem)])

    pltpu.sync_copy(row_hbm.at[w], ri)
    pltpu.sync_copy(col_hbm.at[w], ci)

    plsc.subcore_barrier()

    def body(c, carry):
        pltpu.async_copy(g_hbm.at[ri.at[c]], rows, gsem).wait()
        pltpu.sync_copy(rows, acc.at[ci.at[c]], add=True)
        return carry

    lax.fori_loop(0, NCH, body, None)

    plsc.subcore_barrier()

    pltpu.sync_copy(acc.at[pl.ds(base, RPS)], out_hbm.at[cid, pl.ds(base, RPS)])


@functools.partial(
    pl.kernel,
    out_type=jax.ShapeDtypeStruct((NC, NPAD, D), jnp.float32),
    mesh=_MESH,
    scratch_types=[
        pltpu.VMEM_SHARED((NPAD, D), jnp.float32),
        pltpu.VMEM((NCH, CHUNK), jnp.int32),
        pltpu.VMEM((NCH, CHUNK), jnp.int32),
        pltpu.VMEM((CHUNK, D), jnp.float32),
        pltpu.SemaphoreType.DMA,
    ],
)
def _sc_propagate(g_hbm, row_hbm, col_hbm, out_hbm, acc, ri, ci, rows, gsem):
    _prop_body(g_hbm, row_hbm, col_hbm, out_hbm, acc, ri, ci, rows, gsem)


def _deg_body(row_hbm, out_hbm, dacc, ri, ones_v, zbuf):
    cid = lax.axis_index("c")
    sid = lax.axis_index("s")
    w = cid * NS + sid

    _zero_f32_buf(zbuf, 128, 16)
    base = sid * RPS
    for k in range(RPS // 128):
        pltpu.sync_copy(zbuf, dacc.at[pl.ds(base + k * 128, 128)])

    def fill(i, _):
        ones_v[i, pl.ds(0, 16)] = jnp.ones((16,), jnp.float32)
        return _
    lax.fori_loop(0, CHUNK, fill, None)

    pltpu.sync_copy(row_hbm.at[w], ri)

    plsc.subcore_barrier()

    def body(c, carry):
        pltpu.sync_copy(ones_v, dacc.at[ri.at[c]], add=True)
        return carry

    lax.fori_loop(0, NCH, body, None)

    plsc.subcore_barrier()

    pltpu.sync_copy(dacc.at[pl.ds(base, RPS)], out_hbm.at[cid, pl.ds(base, RPS)])


@functools.partial(
    pl.kernel,
    out_type=jax.ShapeDtypeStruct((NC, NPAD, 16), jnp.float32),
    mesh=_MESH,
    scratch_types=[
        pltpu.VMEM_SHARED((NPAD, 16), jnp.float32),
        pltpu.VMEM((NCH, CHUNK), jnp.int32),
        pltpu.VMEM((CHUNK, 16), jnp.float32),
        pltpu.VMEM((128, 16), jnp.float32),
    ],
)
def _sc_degree(row_hbm, out_hbm, dacc, ri, ones_v, zbuf):
    _deg_body(row_hbm, out_hbm, dacc, ri, ones_v, zbuf)



BLK = 2048
GRID = NPAD // BLK


def _row_spec():
    return pl.BlockSpec((BLK, D), lambda i: (i, 0))


def _full_spec():
    return pl.BlockSpec((D, D), lambda i: (0, 0))


def _bias_spec():
    return pl.BlockSpec((1, D), lambda i: (0, 0))


def _pair_spec():
    return pl.BlockSpec((NC, BLK, D), lambda i: (0, i, 0))


def _lin_body(x_ref, wt_ref, b_ref, s_ref, o_ref):
    xl = jnp.dot(x_ref[...], wt_ref[...], preferred_element_type=jnp.float32)
    o_ref[...] = s_ref[...] * (xl + b_ref[...])


_tc_lin = pl.pallas_call(
    _lin_body,
    grid=(GRID,),
    in_specs=[_row_spec(), _full_spec(), _bias_spec(), _row_spec()],
    out_specs=_row_spec(),
    out_shape=jax.ShapeDtypeStruct((NPAD, D), jnp.float32),
)


def _mid_body(p_ref, g0_ref, s_ref, h_ref, g1_ref):
    t = p_ref[0] + p_ref[1] + g0_ref[...]
    h = s_ref[...] * t
    h_ref[...] = h
    g1_ref[...] = s_ref[...] * h


_tc_mid = pl.pallas_call(
    _mid_body,
    grid=(GRID,),
    in_specs=[_pair_spec(), _row_spec(), _row_spec()],
    out_specs=[_row_spec(), _row_spec()],
    out_shape=[
        jax.ShapeDtypeStruct((NPAD, D), jnp.float32),
        jax.ShapeDtypeStruct((NPAD, D), jnp.float32),
    ],
)


def _relu_lin_body(hw_ref, p_ref, g1_ref, h1_ref, s_ref, wt_ref, b_ref, o_ref):
    h2 = s_ref[...] * (p_ref[0] + p_ref[1] + g1_ref[...])
    o = hw_ref[0] * h1_ref[...] + hw_ref[1] * h2
    o = jnp.maximum(o, 0.0)
    xl = jnp.dot(o, wt_ref[...], preferred_element_type=jnp.float32)
    o_ref[...] = s_ref[...] * (xl + b_ref[...])


_tc_relu_lin = pl.pallas_call(
    _relu_lin_body,
    grid=(GRID,),
    in_specs=[
        pl.BlockSpec(memory_space=pltpu.SMEM),
        _pair_spec(),
        _row_spec(),
        _row_spec(),
        _row_spec(),
        _full_spec(),
        _bias_spec(),
    ],
    out_specs=_row_spec(),
    out_shape=jax.ShapeDtypeStruct((NPAD, D), jnp.float32),
)


def _final_body(hw_ref, p_ref, g1_ref, h1_ref, s_ref, o_ref):
    h2 = s_ref[...] * (p_ref[0] + p_ref[1] + g1_ref[...])
    o_ref[...] = hw_ref[0] * h1_ref[...] + hw_ref[1] * h2


_tc_final = pl.pallas_call(
    _final_body,
    grid=(GRID,),
    in_specs=[
        pl.BlockSpec(memory_space=pltpu.SMEM),
        _pair_spec(),
        _row_spec(),
        _row_spec(),
        _row_spec(),
    ],
    out_specs=_row_spec(),
    out_shape=jax.ShapeDtypeStruct((NPAD, D), jnp.float32),
)


def kernel(x, edge_index, W1, b1, hw1, W2, b2, hw2):
    if EPWP > EPW:
        pad = N + jnp.arange(NW * (EPWP - EPW), dtype=jnp.int32) % (NPAD - N)
        pad = pad.reshape(NW, EPWP - EPW)
        row_p = jnp.concatenate([edge_index[0].reshape(NW, EPW), pad], axis=1)
        col_p = jnp.concatenate([edge_index[1].reshape(NW, EPW), pad], axis=1)
    else:
        row_p = edge_index[0]
        col_p = edge_index[1]
    row3 = row_p.reshape(NW, NCH, CHUNK)
    col3 = col_p.reshape(NW, NCH, CHUNK)

    xp = jnp.pad(x, ((0, NPAD - N), (0, 0)))
    b1r = b1.reshape(1, D)
    b2r = b2.reshape(1, D)
    wt1 = W1.T
    wt2 = W2.T

    dparts = _sc_degree(row3)
    deg = dparts[0, :, 0] + dparts[1, :, 0] + 1.0
    s = lax.rsqrt(deg)
    S = jnp.broadcast_to(s[:, None], (NPAD, D))

    g0 = _tc_lin(xp, wt1, b1r, S)
    p = _sc_propagate(g0, row3, col3)
    h1, g1 = _tc_mid(p, g0, S)
    p = _sc_propagate(g1, row3, col3)
    g0b = _tc_relu_lin(hw1, p, g1, h1, S, wt2, b2r)
    p = _sc_propagate(g0b, row3, col3)
    h1b, g1b = _tc_mid(p, g0b, S)
    p = _sc_propagate(g1b, row3, col3)
    out = _tc_final(hw2, p, g1b, h1b, S)
    return out[:N]

# --- scband reference (transcript-rebuilt; emitter-appended) ---
"""Pipeline reference for scband-multi-hop-gcn-44203803410934 (READ-ONLY COPY).

The authoritative reference and input builder live on the scoring server;
editing this copy changes nothing except your own understanding.
"""

import jax, jax.numpy as jnp
import numpy as np

N = 10000
E = 320000
D = 128
HOPS = 2


def setup_inputs(seed: int = 0) -> dict:
    key = jax.random.key(seed)
    ks = jax.random.split(key, 10)
    x = jax.random.normal(ks[0], (N, D), dtype=jnp.float32)
    edge_index = jax.random.randint(ks[1], (2, E), 0, N, dtype=jnp.int32)
    s = 1.0 / np.sqrt(D)
    W1 = jax.random.uniform(ks[2], (D, D), jnp.float32, -s, s)
    b1 = jax.random.uniform(ks[3], (D,), jnp.float32, -s, s)
    hw1 = jax.random.normal(ks[4], (HOPS,), dtype=jnp.float32)
    W2 = jax.random.uniform(ks[5], (D, D), jnp.float32, -s, s)
    b2 = jax.random.uniform(ks[6], (D,), jnp.float32, -s, s)
    hw2 = jax.random.normal(ks[7], (HOPS,), dtype=jnp.float32)
    return {"x": x, "edge_index": edge_index, "W1": W1, "b1": b1, "hw1": hw1, "W2": W2, "b2": b2, "hw2": hw2}


def _conv(x, edge_index, W, b, hw):
    n = x.shape[0]
    loop = jnp.arange(n, dtype=edge_index.dtype)
    row = jnp.concatenate([edge_index[0], loop])
    col = jnp.concatenate([edge_index[1], loop])
    deg = jnp.zeros((n,), dtype=x.dtype).at[row].add(1.0)
    deg_inv_sqrt = deg ** -0.5
    norm = deg_inv_sqrt[row] * deg_inv_sqrt[col]
    xl = x @ W.T + b
    out = jnp.zeros_like(xl)
    h = xl
    for k in range(HOPS):
        msg = norm[:, None] * h[row]
        h = jax.ops.segment_sum(msg, col, num_segments=n)
        out = out + hw[k] * h
    return out


def reference(x, edge_index, W1, b1, hw1, W2, b2, hw2):
    h = _conv(x, edge_index, W1, b1, hw1)
    h = jax.nn.relu(h)
    # dropout is identity in eval mode
    out = _conv(h, edge_index, W2, b2, hw2)
    return out

if __name__ == "__main__":
    import jax
    _d = setup_inputs()
    print(jax.jit(kernel)(*tuple(_d.values())))

</pallas_src>

<mosaic_0001>
#map = affine_map<(d0, d1) -> (0, 0, 0)>
module attributes {stable_mosaic.version = 14 : i64} {
  func.func @_sc_degree(%arg0: i32, %arg1: i32, %arg2: memref<32x84x120xi32, #tpu.memory_space<hbm>>, %arg3: memref<2x10240x16xf32, #tpu.memory_space<hbm>>, %arg4: memref<10240x16xf32, #tpu.memory_space<vmem_shared>>, %arg5: memref<84x120xi32, #tpu.memory_space<vmem>>, %arg6: memref<120x16xf32, #tpu.memory_space<vmem>>, %arg7: memref<128x16xf32, #tpu.memory_space<vmem>>) attributes {dimension_semantics = [#tpu.dimension_semantics<core_parallel>, #tpu.dimension_semantics<subcore_parallel>], iteration_bounds = array<i64: 2, 16>, scalar_prefetch = 0 : i64, scratch_operands = 4 : i64, tpu.core_type = #tpu.core_type<sc_vector_subcore>, window_params = [{transform_indices = #map}, {transform_indices = #map}]} {
    %mul3A = arith.constant 16 : i32
    %mul3A_0 = arith.muli %arg0, %mul3A : i32
    %add3A = arith.addi %mul3A_0, %arg1 : i32
    %scan3A = arith.constant 0 : i32
    %scan3A_1 = arith.constant 128 : i32
    %scan3A_2 = arith.addi %scan3A, %scan3A_1 : i32
    %scan3A_3 = arith.constant 1 : i32
    scf.for %scan3A_28 = %scan3A to %scan3A_2 step %scan3A_3  : i32 {
      %broadcast_in_dim3A = arith.constant 0.000000e+00 : f32
      %broadcast_in_dim3A_29 = vector.broadcast %broadcast_in_dim3A : f32 to vector<16xf32>
      %swap3A = arith.index_cast %scan3A_28 : i32 to index
      %swap3A_30 = arith.constant 0 : index
      %swap3A_31 = tpu.vector_load %arg7[%swap3A, %swap3A_30] {strides = array<i32>} : memref<128x16xf32, #tpu.memory_space<vmem>>, vector<1x16xf32>,
      %swap3A_32 = vector.shape_cast %swap3A_31 : vector<1x16xf32> to vector<16xf32>
      %swap3A_33 = vector.shape_cast %broadcast_in_dim3A_29 : vector<16xf32> to vector<1x16xf32>
      tpu.vector_store %arg7[%swap3A, %swap3A_30], %swap3A_33 {strides = array<i32>} : memref<128x16xf32, #tpu.memory_space<vmem>>, vector<1x16xf32>,
    }
    %scan3A_4 = arith.constant 128 : i32
    %mul3A_5 = arith.constant 640 : i32
    %mul3A_6 = arith.muli %arg1, %mul3A_5 : i32
    %add3A_7 = arith.constant 0 : i32
    %add3A_8 = arith.addi %mul3A_6, %add3A_7 : i32
    "tpu.region"() ({
      %run_scoped3A = tpu.sem_alloc : memref<!tpu.dma_semaphore, #tpu.memory_space<semaphore_mem>>
      %dma_start3A = arith.constant 0 : i32
      %dma_start3A_28 = tpu.memref_slice %arg4[%add3A_8, %dma_start3A] : memref<10240x16xf32, #tpu.memory_space<vmem_shared>> -> memref<128x16xf32, #tpu.memory_space<vmem_shared>>
      %dma_start3A_29 = arith.constant 0 : i32
      %dma_start3A_30 = tpu.memref_slice %arg4[%add3A_8, %dma_start3A_29] : memref<10240x16xf32, #tpu.memory_space<vmem_shared>> -> memref<128x16xf32, #tpu.memory_space<vmem_shared>>
      tpu.enqueue_dma source(%arg7 : memref<128x16xf32, #tpu.memory_space<vmem>>) target(%dma_start3A_30 : memref<128x16xf32, #tpu.memory_space<vmem_shared>>) target_semaphore(%run_scoped3A : memref<!tpu.dma_semaphore, #tpu.memory_space<semaphore_mem>>)
      %dma_wait3A = arith.constant 0 : i32
      %dma_wait3A_31 = tpu.memref_slice %arg4[%add3A_8, %dma_wait3A] : memref<10240x16xf32, #tpu.memory_space<vmem_shared>> -> memref<128x16xf32, #tpu.memory_space<vmem_shared>>
      %dma_wait3A_32 = arith.constant 0 : i32
      %dma_wait3A_33 = tpu.memref_slice %arg4[%add3A_8, %dma_wait3A_32] : memref<10240x16xf32, #tpu.memory_space<vmem_shared>> -> memref<128x16xf32, #tpu.memory_space<vmem_shared>>
      tpu.wait_dma2 semaphore(%run_scoped3A : memref<!tpu.dma_semaphore, #tpu.memory_space<semaphore_mem>>) src(%arg7 : memref<128x16xf32, #tpu.memory_space<vmem>>) dst(%dma_wait3A_33 : memref<128x16xf32, #tpu.memory_space<vmem_shared>>)
      tpu.yield
    }) : () -> ()
    %add3A_9 = arith.constant 128 : i32
    %add3A_10 = arith.addi %mul3A_6, %add3A_9 : i32
    "tpu.region"() ({
      %run_scoped3A = tpu.sem_alloc : memref<!tpu.dma_semaphore, #tpu.memory_space<semaphore_mem>>
      %dma_start3A = arith.constant 0 : i32
      %dma_start3A_28 = tpu.memref_slice %arg4[%add3A_10, %dma_start3A] : memref<10240x16xf32, #tpu.memory_space<vmem_shared>> -> memref<128x16xf32, #tpu.memory_space<vmem_shared>>
      %dma_start3A_29 = arith.constant 0 : i32
      %dma_start3A_30 = tpu.memref_slice %arg4[%add3A_10, %dma_start3A_29] : memref<10240x16xf32, #tpu.memory_space<vmem_shared>> -> memref<128x16xf32, #tpu.memory_space<vmem_shared>>
      tpu.enqueue_dma source(%arg7 : memref<128x16xf32, #tpu.memory_space<vmem>>) target(%dma_start3A_30 : memref<128x16xf32, #tpu.memory_space<vmem_shared>>) target_semaphore(%run_scoped3A : memref<!tpu.dma_semaphore, #tpu.memory_space<semaphore_mem>>)
      %dma_wait3A = arith.constant 0 : i32
      %dma_wait3A_31 = tpu.memref_slice %arg4[%add3A_10, %dma_wait3A] : memref<10240x16xf32, #tpu.memory_space<vmem_shared>> -> memref<128x16xf32, #tpu.memory_space<vmem_shared>>
      %dma_wait3A_32 = arith.constant 0 : i32
      %dma_wait3A_33 = tpu.memref_slice %arg4[%add3A_10, %dma_wait3A_32] : memref<10240x16xf32, #tpu.memory_space<vmem_shared>> -> memref<128x16xf32, #tpu.memory_space<vmem_shared>>
      tpu.wait_dma2 semaphore(%run_scoped3A : memref<!tpu.dma_semaphore, #tpu.memory_space<semaphore_mem>>) src(%arg7 : memref<128x16xf32, #tpu.memory_space<vmem>>) dst(%dma_wait3A_33 : memref<128x16xf32, #tpu.memory_space<vmem_shared>>)
      tpu.yield
    }) : () -> ()
    %add3A_11 = arith.constant 256 : i32
    %add3A_12 = arith.addi %mul3A_6, %add3A_11 : i32
    "tpu.region"() ({
      %run_scoped3A = tpu.sem_alloc : memref<!tpu.dma_semaphore, #tpu.memory_space<semaphore_mem>>
      %dma_start3A = arith.constant 0 : i32
      %dma_start3A_28 = tpu.memref_slice %arg4[%add3A_12, %dma_start3A] : memref<10240x16xf32, #tpu.memory_space<vmem_shared>> -> memref<128x16xf32, #tpu.memory_space<vmem_shared>>
      %dma_start3A_29 = arith.constant 0 : i32
      %dma_start3A_30 = tpu.memref_slice %arg4[%add3A_12, %dma_start3A_29] : memref<10240x16xf32, #tpu.memory_space<vmem_shared>> -> memref<128x16xf32, #tpu.memory_space<vmem_shared>>
      tpu.enqueue_dma source(%arg7 : memref<128x16xf32, #tpu.memory_space<vmem>>) target(%dma_start3A_30 : memref<128x16xf32, #tpu.memory_space<vmem_shared>>) target_semaphore(%run_scoped3A : memref<!tpu.dma_semaphore, #tpu.memory_space<semaphore_mem>>)
      %dma_wait3A = arith.constant 0 : i32
      %dma_wait3A_31 = tpu.memref_slice %arg4[%add3A_12, %dma_wait3A] : memref<10240x16xf32, #tpu.memory_space<vmem_shared>> -> memref<128x16xf32, #tpu.memory_space<vmem_shared>>
      %dma_wait3A_32 = arith.constant 0 : i32
      %dma_wait3A_33 = tpu.memref_slice %arg4[%add3A_12, %dma_wait3A_32] : memref<10240x16xf32, #tpu.memory_space<vmem_shared>> -> memref<128x16xf32, #tpu.memory_space<vmem_shared>>
      tpu.wait_dma2 semaphore(%run_scoped3A : memref<!tpu.dma_semaphore, #tpu.memory_space<semaphore_mem>>) src(%arg7 : memref<128x16xf32, #tpu.memory_space<vmem>>) dst(%dma_wait3A_33 : memref<128x16xf32, #tpu.memory_space<vmem_shared>>)
      tpu.yield
    }) : () -> ()
    %add3A_13 = arith.constant 384 : i32
    %add3A_14 = arith.addi %mul3A_6, %add3A_13 : i32
    "tpu.region"() ({
      %run_scoped3A = tpu.sem_alloc : memref<!tpu.dma_semaphore, #tpu.memory_space<semaphore_mem>>
      %dma_start3A = arith.constant 0 : i32
      %dma_start3A_28 = tpu.memref_slice %arg4[%add3A_14, %dma_start3A] : memref<10240x16xf32, #tpu.memory_space<vmem_shared>> -> memref<128x16xf32, #tpu.memory_space<vmem_shared>>
      %dma_start3A_29 = arith.constant 0 : i32
      %dma_start3A_30 = tpu.memref_slice %arg4[%add3A_14, %dma_start3A_29] : memref<10240x16xf32, #tpu.memory_space<vmem_shared>> -> memref<128x16xf32, #tpu.memory_space<vmem_shared>>
      tpu.enqueue_dma source(%arg7 : memref<128x16xf32, #tpu.memory_space<vmem>>) target(%dma_start3A_30 : memref<128x16xf32, #tpu.memory_space<vmem_shared>>) target_semaphore(%run_scoped3A : memref<!tpu.dma_semaphore, #tpu.memory_space<semaphore_mem>>)
      %dma_wait3A = arith.constant 0 : i32
      %dma_wait3A_31 = tpu.memref_slice %arg4[%add3A_14, %dma_wait3A] : memref<10240x16xf32, #tpu.memory_space<vmem_shared>> -> memref<128x16xf32, #tpu.memory_space<vmem_shared>>
      %dma_wait3A_32 = arith.constant 0 : i32
      %dma_wait3A_33 = tpu.memref_slice %arg4[%add3A_14, %dma_wait3A_32] : memref<10240x16xf32, #tpu.memory_space<vmem_shared>> -> memref<128x16xf32, #tpu.memory_space<vmem_shared>>
      tpu.wait_dma2 semaphore(%run_scoped3A : memref<!tpu.dma_semaphore, #tpu.memory_space<semaphore_mem>>) src(%arg7 : memref<128x16xf32, #tpu.memory_space<vmem>>) dst(%dma_wait3A_33 : memref<128x16xf32, #tpu.memory_space<vmem_shared>>)
      tpu.yield
    }) : () -> ()
    %add3A_15 = arith.constant 512 : i32
    %add3A_16 = arith.addi %mul3A_6, %add3A_15 : i32
    "tpu.region"() ({
      %run_scoped3A = tpu.sem_alloc : memref<!tpu.dma_semaphore, #tpu.memory_space<semaphore_mem>>
      %dma_start3A = arith.constant 0 : i32
      %dma_start3A_28 = tpu.memref_slice %arg4[%add3A_16, %dma_start3A] : memref<10240x16xf32, #tpu.memory_space<vmem_shared>> -> memref<128x16xf32, #tpu.memory_space<vmem_shared>>
      %dma_start3A_29 = arith.constant 0 : i32
      %dma_start3A_30 = tpu.memref_slice %arg4[%add3A_16, %dma_start3A_29] : memref<10240x16xf32, #tpu.memory_space<vmem_shared>> -> memref<128x16xf32, #tpu.memory_space<vmem_shared>>
      tpu.enqueue_dma source(%arg7 : memref<128x16xf32, #tpu.memory_space<vmem>>) target(%dma_start3A_30 : memref<128x16xf32, #tpu.memory_space<vmem_shared>>) target_semaphore(%run_scoped3A : memref<!tpu.dma_semaphore, #tpu.memory_space<semaphore_mem>>)
      %dma_wait3A = arith.constant 0 : i32
      %dma_wait3A_31 = tpu.memref_slice %arg4[%add3A_16, %dma_wait3A] : memref<10240x16xf32, #tpu.memory_space<vmem_shared>> -> memref<128x16xf32, #tpu.memory_space<vmem_shared>>
      %dma_wait3A_32 = arith.constant 0 : i32
      %dma_wait3A_33 = tpu.memref_slice %arg4[%add3A_16, %dma_wait3A_32] : memref<10240x16xf32, #tpu.memory_space<vmem_shared>> -> memref<128x16xf32, #tpu.memory_space<vmem_shared>>
      tpu.wait_dma2 semaphore(%run_scoped3A : memref<!tpu.dma_semaphore, #tpu.memory_space<semaphore_mem>>) src(%arg7 : memref<128x16xf32, #tpu.memory_space<vmem>>) dst(%dma_wait3A_33 : memref<128x16xf32, #tpu.memory_space<vmem_shared>>)
      tpu.yield
    }) : () -> ()
    %scan3A_17 = arith.constant 0 : i32
    %scan3A_18 = arith.constant 120 : i32
    %scan3A_19 = arith.addi %scan3A_17, %scan3A_18 : i32
    %scan3A_20 = arith.constant 1 : i32
    scf.for %scan3A_28 = %scan3A_17 to %scan3A_19 step %scan3A_20  : i32 {
      %broadcast_in_dim3A = arith.constant 1.000000e+00 : f32
      %broadcast_in_dim3A_29 = vector.broadcast %broadcast_in_dim3A : f32 to vector<16xf32>
      %swap3A = arith.index_cast %scan3A_28 : i32 to index
      %swap3A_30 = arith.constant 0 : index
      %swap3A_31 = tpu.vector_load %arg6[%swap3A, %swap3A_30] {strides = array<i32>} : memref<120x16xf32, #tpu.memory_space<vmem>>, vector<1x16xf32>,
      %swap3A_32 = vector.shape_cast %swap3A_31 : vector<1x16xf32> to vector<16xf32>
      %swap3A_33 = vector.shape_cast %broadcast_in_dim3A_29 : vector<16xf32> to vector<1x16xf32>
      tpu.vector_store %arg6[%swap3A, %swap3A_30], %swap3A_33 {strides = array<i32>} : memref<120x16xf32, #tpu.memory_space<vmem>>, vector<1x16xf32>,
    }
    %scan3A_21 = arith.constant 120 : i32
    "tpu.region"() ({
      %run_scoped3A = tpu.sem_alloc : memref<!tpu.dma_semaphore, #tpu.memory_space<semaphore_mem>>
      %dma_start3A = arith.constant 0 : i32
      %dma_start3A_28 = arith.constant 0 : i32
      %dma_start3A_29 = tpu.memref_slice %arg2[%add3A, %dma_start3A, %dma_start3A_28] : memref<32x84x120xi32, #tpu.memory_space<hbm>> -> memref<1x84x120xi32, #tpu.memory_space<hbm>>
      %dma_start3A_30 = tpu.memref_squeeze %dma_start3A_29 : memref<1x84x120xi32, #tpu.memory_space<hbm>> -> memref<84x120xi32, #tpu.memory_space<hbm>>
      %dma_start3A_31 = arith.constant 0 : i32
      %dma_start3A_32 = arith.constant 0 : i32
      %dma_start3A_33 = tpu.memref_slice %arg2[%add3A, %dma_start3A_31, %dma_start3A_32] : memref<32x84x120xi32, #tpu.memory_space<hbm>> -> memref<1x84x120xi32, #tpu.memory_space<hbm>>
      %dma_start3A_34 = tpu.memref_squeeze %dma_start3A_33 : memref<1x84x120xi32, #tpu.memory_space<hbm>> -> memref<84x120xi32, #tpu.memory_space<hbm>>
      tpu.enqueue_dma source(%dma_start3A_34 : memref<84x120xi32, #tpu.memory_space<hbm>>) target(%arg5 : memref<84x120xi32, #tpu.memory_space<vmem>>) target_semaphore(%run_scoped3A : memref<!tpu.dma_semaphore, #tpu.memory_space<semaphore_mem>>)
      %dma_wait3A = arith.constant 0 : i32
      %dma_wait3A_35 = arith.constant 0 : i32
      %dma_wait3A_36 = tpu.memref_slice %arg2[%add3A, %dma_wait3A, %dma_wait3A_35] : memref<32x84x120xi32, #tpu.memory_space<hbm>> -> memref<1x84x120xi32, #tpu.memory_space<hbm>>
      %dma_wait3A_37 = tpu.memref_squeeze %dma_wait3A_36 : memref<1x84x120xi32, #tpu.memory_space<hbm>> -> memref<84x120xi32, #tpu.memory_space<hbm>>
      %dma_wait3A_38 = arith.constant 0 : i32
      %dma_wait3A_39 = arith.constant 0 : i32
      %dma_wait3A_40 = tpu.memref_slice %arg2[%add3A, %dma_wait3A_38, %dma_wait3A_39] : memref<32x84x120xi32, #tpu.memory_space<hbm>> -> memref<1x84x120xi32, #tpu.memory_space<hbm>>
      %dma_wait3A_41 = tpu.memref_squeeze %dma_wait3A_40 : memref<1x84x120xi32, #tpu.memory_space<hbm>> -> memref<84x120xi32, #tpu.memory_space<hbm>>
      tpu.wait_dma2 semaphore(%run_scoped3A : memref<!tpu.dma_semaphore, #tpu.memory_space<semaphore_mem>>) src(%dma_wait3A_41 : memref<84x120xi32, #tpu.memory_space<hbm>>) dst(%arg5 : memref<84x120xi32, #tpu.memory_space<vmem>>)
      tpu.yield
    }) : () -> ()
    %barrier3A = arith.constant 0 : index
    tpu.barrier barrier_id(%barrier3A)
    %scan3A_22 = arith.constant 0 : i32
    %scan3A_23 = arith.constant 84 : i32
    %scan3A_24 = arith.addi %scan3A_22, %scan3A_23 : i32
    %scan3A_25 = arith.constant 1 : i32
    scf.for %scan3A_28 = %scan3A_22 to %scan3A_24 step %scan3A_25  : i32 {
      "tpu.region"() ({
        %run_scoped3A = tpu.sem_alloc : memref<!tpu.dma_semaphore, #tpu.memory_space<semaphore_mem>>
        %dma_start3A = arith.constant 0 : i32
        %dma_start3A_29 = tpu.memref_slice %arg5[%scan3A_28, %dma_start3A] : memref<84x120xi32, #tpu.memory_space<vmem>> -> memref<1x120xi32, #tpu.memory_space<vmem>>
        %dma_start3A_30 = tpu.memref_squeeze %dma_start3A_29 : memref<1x120xi32, #tpu.memory_space<vmem>> -> memref<120xi32, #tpu.memory_space<vmem>>
        %dma_start3A_31 = arith.constant 0 : i32
        %dma_start3A_32 = arith.constant 0 : i32
        %dma_start3A_33 = tpu.memref_slice %arg4[%dma_start3A_31, %dma_start3A_32] : memref<10240x16xf32, #tpu.memory_space<vmem_shared>> -> memref<10240x16xf32, #tpu.memory_space<vmem_shared>>
        tpu.enqueue_indirect_dma source(%arg6 : memref<120x16xf32, #tpu.memory_space<vmem>>) target(%dma_start3A_33 : memref<10240x16xf32, #tpu.memory_space<vmem_shared>>) offsets(%dma_start3A_30 : memref<120xi32, #tpu.memory_space<vmem>>) semaphore(%run_scoped3A : memref<!tpu.dma_semaphore, #tpu.memory_space<semaphore_mem>>) {add = true}
        %dma_wait3A = arith.constant 0 : i32
        %dma_wait3A_34 = tpu.memref_slice %arg5[%scan3A_28, %dma_wait3A] : memref<84x120xi32, #tpu.memory_space<vmem>> -> memref<1x120xi32, #tpu.memory_space<vmem>>
        %dma_wait3A_35 = tpu.memref_squeeze %dma_wait3A_34 : memref<1x120xi32, #tpu.memory_space<vmem>> -> memref<120xi32, #tpu.memory_space<vmem>>
        %dma_wait3A_36 = arith.constant 0 : i32
        %dma_wait3A_37 = arith.constant 0 : i32
        %dma_wait3A_38 = tpu.memref_slice %arg4[%dma_wait3A_36, %dma_wait3A_37] : memref<10240x16xf32, #tpu.memory_space<vmem_shared>> -> memref<10240x16xf32, #tpu.memory_space<vmem_shared>>
        tpu.wait_indirect_dma semaphore(%run_scoped3A : memref<!tpu.dma_semaphore, #tpu.memory_space<semaphore_mem>>) src(%arg6 : memref<120x16xf32, #tpu.memory_space<vmem>>) dst(%dma_wait3A_38 : memref<10240x16xf32, #tpu.memory_space<vmem_shared>>)
        tpu.yield
      }) : () -> ()
    }
    %scan3A_26 = arith.constant 84 : i32
    %barrier3A_27 = arith.constant 0 : index
    tpu.barrier barrier_id(%barrier3A_27)
    "tpu.region"() ({
      %run_scoped3A = tpu.sem_alloc : memref<!tpu.dma_semaphore, #tpu.memory_space<semaphore_mem>>
      %dma_start3A = arith.constant 0 : i32
      %dma_start3A_28 = tpu.memref_slice %arg3[%arg0, %mul3A_6, %dma_start3A] : memref<2x10240x16xf32, #tpu.memory_space<hbm>> -> memref<1x640x16xf32, #tpu.memory_space<hbm>>
      %dma_start3A_29 = tpu.memref_squeeze %dma_start3A_28 : memref<1x640x16xf32, #tpu.memory_space<hbm>> -> memref<640x16xf32, #tpu.memory_space<hbm>>
      %dma_start3A_30 = arith.constant 0 : i32
      %dma_start3A_31 = tpu.memref_slice %arg4[%mul3A_6, %dma_start3A_30] : memref<10240x16xf32, #tpu.memory_space<vmem_shared>> -> memref<640x16xf32, #tpu.memory_space<vmem_shared>>
      tpu.enqueue_dma source(%dma_start3A_31 : memref<640x16xf32, #tpu.memory_space<vmem_shared>>) target(%dma_start3A_29 : memref<640x16xf32, #tpu.memory_space<hbm>>) target_semaphore(%run_scoped3A : memref<!tpu.dma_semaphore, #tpu.memory_space<semaphore_mem>>)
      %dma_wait3A = arith.constant 0 : i32
      %dma_wait3A_32 = tpu.memref_slice %arg3[%arg0, %mul3A_6, %dma_wait3A] : memref<2x10240x16xf32, #tpu.memory_space<hbm>> -> memref<1x640x16xf32, #tpu.memory_space<hbm>>
      %dma_wait3A_33 = tpu.memref_squeeze %dma_wait3A_32 : memref<1x640x16xf32, #tpu.memory_space<hbm>> -> memref<640x16xf32, #tpu.memory_space<hbm>>
      %dma_wait3A_34 = arith.constant 0 : i32
      %dma_wait3A_35 = tpu.memref_slice %arg4[%mul3A_6, %dma_wait3A_34] : memref<10240x16xf32, #tpu.memory_space<vmem_shared>> -> memref<640x16xf32, #tpu.memory_space<vmem_shared>>
      tpu.wait_dma2 semaphore(%run_scoped3A : memref<!tpu.dma_semaphore, #tpu.memory_space<semaphore_mem>>) src(%dma_wait3A_35 : memref<640x16xf32, #tpu.memory_space<vmem_shared>>) dst(%dma_wait3A_33 : memref<640x16xf32, #tpu.memory_space<hbm>>)
      tpu.yield
    }) : () -> ()
    return
  }
}

#map = affine_map<(d0, d1) -> (0, 0)>
#map1 = affine_map<(d0, d1) -> (0, 0, 0)>
module attributes {stable_mosaic.version = 14 : i64} {
  func.func @_sc_propagate(%arg0: i32, %arg1: i32, %arg2: memref<10240x128xf32, #tpu.memory_space<hbm>>, %arg3: memref<32x84x120xi32, #tpu.memory_space<hbm>>, %arg4: memref<32x84x120xi32, #tpu.memory_space<hbm>>, %arg5: memref<2x10240x128xf32, #tpu.memory_space<hbm>>, %arg6: memref<10240x128xf32, #tpu.memory_space<vmem_shared>>, %arg7: memref<84x120xi32, #tpu.memory_space<vmem>>, %arg8: memref<84x120xi32, #tpu.memory_space<vmem>>, %arg9: memref<120x128xf32, #tpu.memory_space<vmem>>, %arg10: memref<!tpu.dma_semaphore, #tpu.memory_space<semaphore_mem>>) attributes {dimension_semantics = [#tpu.dimension_semantics<core_parallel>, #tpu.dimension_semantics<subcore_parallel>], iteration_bounds = array<i64: 2, 16>, scalar_prefetch = 0 : i64, scratch_operands = 5 : i64, tpu.core_type = #tpu.core_type<sc_vector_subcore>, window_params = [{transform_indices = #map}, {transform_indices = #map1}, {transform_indices = #map1}, {transform_indices = #map1}]} {
    %mul3A = arith.constant 16 : i32
    %mul3A_0 = arith.muli %arg0, %mul3A : i32
    %add3A = arith.addi %mul3A_0, %arg1 : i32
    %scan3A = arith.constant 0 : i32
    %scan3A_1 = arith.constant 120 : i32
    %scan3A_2 = arith.addi %scan3A, %scan3A_1 : i32
    %scan3A_3 = arith.constant 1 : i32
    scf.for %scan3A_25 = %scan3A to %scan3A_2 step %scan3A_3  : i32 {
      %broadcast_in_dim3A = arith.constant 0.000000e+00 : f32
      %broadcast_in_dim3A_26 = vector.broadcast %broadcast_in_dim3A : f32 to vector<16xf32>
      %swap3A = arith.index_cast %scan3A_25 : i32 to index
      %swap3A_27 = arith.constant 0 : index
      %swap3A_28 = tpu.vector_load %arg9[%swap3A, %swap3A_27] {strides = array<i32>} : memref<120x128xf32, #tpu.memory_space<vmem>>, vector<1x16xf32>,
      %swap3A_29 = vector.shape_cast %swap3A_28 : vector<1x16xf32> to vector<16xf32>
      %swap3A_30 = vector.shape_cast %broadcast_in_dim3A_26 : vector<16xf32> to vector<1x16xf32>
      tpu.vector_store %arg9[%swap3A, %swap3A_27], %swap3A_30 {strides = array<i32>} : memref<120x128xf32, #tpu.memory_space<vmem>>, vector<1x16xf32>,
      %broadcast_in_dim3A_31 = arith.constant 0.000000e+00 : f32
      %broadcast_in_dim3A_32 = vector.broadcast %broadcast_in_dim3A_31 : f32 to vector<16xf32>
      %swap3A_33 = arith.index_cast %scan3A_25 : i32 to index
      %swap3A_34 = arith.constant 16 : index
      %swap3A_35 = tpu.vector_load %arg9[%swap3A_33, %swap3A_34] {strides = array<i32>} : memref<120x128xf32, #tpu.memory_space<vmem>>, vector<1x16xf32>,
      %swap3A_36 = vector.shape_cast %swap3A_35 : vector<1x16xf32> to vector<16xf32>
      %swap3A_37 = vector.shape_cast %broadcast_in_dim3A_32 : vector<16xf32> to vector<1x16xf32>
      tpu.vector_store %arg9[%swap3A_33, %swap3A_34], %swap3A_37 {strides = array<i32>} : memref<120x128xf32, #tpu.memory_space<vmem>>, vector<1x16xf32>,
      %broadcast_in_dim3A_38 = arith.constant 0.000000e+00 : f32
      %broadcast_in_dim3A_39 = vector.broadcast %broadcast_in_dim3A_38 : f32 to vector<16xf32>
      %swap3A_40 = arith.index_cast %scan3A_25 : i32 to index
      %swap3A_41 = arith.constant 32 : index
      %swap3A_42 = tpu.vector_load %arg9[%swap3A_40, %swap3A_41] {strides = array<i32>} : memref<120x128xf32, #tpu.memory_space<vmem>>, vector<1x16xf32>,
      %swap3A_43 = vector.shape_cast %swap3A_42 : vector<1x16xf32> to vector<16xf32>
      %swap3A_44 = vector.shape_cast %broadcast_in_dim3A_39 : vector<16xf32> to vector<1x16xf32>
      tpu.vector_store %arg9[%swap3A_40, %swap3A_41], %swap3A_44 {strides = array<i32>} : memref<120x128xf32, #tpu.memory_space<vmem>>, vector<1x16xf32>,
      %broadcast_in_dim3A_45 = arith.constant 0.000000e+00 : f32
      %broadcast_in_dim3A_46 = vector.broadcast %broadcast_in_dim3A_45 : f32 to vector<16xf32>
      %swap3A_47 = arith.index_cast %scan3A_25 : i32 to index
      %swap3A_48 = arith.constant 48 : index
      %swap3A_49 = tpu.vector_load %arg9[%swap3A_47, %swap3A_48] {strides = array<i32>} : memref<120x128xf32, #tpu.memory_space<vmem>>, vector<1x16xf32>,
      %swap3A_50 = vector.shape_cast %swap3A_49 : vector<1x16xf32> to vector<16xf32>
      %swap3A_51 = vector.shape_cast %broadcast_in_dim3A_46 : vector<16xf32> to vector<1x16xf32>
      tpu.vector_store %arg9[%swap3A_47, %swap3A_48], %swap3A_51 {strides = array<i32>} : memref<120x128xf32, #tpu.memory_space<vmem>>, vector<1x16xf32>,
      %broadcast_in_dim3A_52 = arith.constant 0.000000e+00 : f32
      %broadcast_in_dim3A_53 = vector.broadcast %broadcast_in_dim3A_52 : f32 to vector<16xf32>
      %swap3A_54 = arith.index_cast %scan3A_25 : i32 to index
      %swap3A_55 = arith.constant 64 : index
      %swap3A_56 = tpu.vector_load %arg9[%swap3A_54, %swap3A_55] {strides = array<i32>} : memref<120x128xf32, #tpu.memory_space<vmem>>, vector<1x16xf32>,
      %swap3A_57 = vector.shape_cast %swap3A_56 : vector<1x16xf32> to vector<16xf32>
      %swap3A_58 = vector.shape_cast %broadcast_in_dim3A_53 : vector<16xf32> to vector<1x16xf32>
      tpu.vector_store %arg9[%swap3A_54, %swap3A_55], %swap3A_58 {strides = array<i32>} : memref<120x128xf32, #tpu.memory_space<vmem>>, vector<1x16xf32>,
      %broadcast_in_dim3A_59 = arith.constant 0.000000e+00 : f32
      %broadcast_in_dim3A_60 = vector.broadcast %broadcast_in_dim3A_59 : f32 to vector<16xf32>
      %swap3A_61 = arith.index_cast %scan3A_25 : i32 to index
      %swap3A_62 = arith.constant 80 : index
      %swap3A_63 = tpu.vector_load %arg9[%swap3A_61, %swap3A_62] {strides = array<i32>} : memref<120x128xf32, #tpu.memory_space<vmem>>, vector<1x16xf32>,
      %swap3A_64 = vector.shape_cast %swap3A_63 : vector<1x16xf32> to vector<16xf32>
      %swap3A_65 = vector.shape_cast %broadcast_in_dim3A_60 : vector<16xf32> to vector<1x16xf32>
      tpu.vector_store %arg9[%swap3A_61, %swap3A_62], %swap3A_65 {strides = array<i32>} : memref<120x128xf32, #tpu.memory_space<vmem>>, vector<1x16xf32>,
      %broadcast_in_dim3A_66 = arith.constant 0.000000e+00 : f32
      %broadcast_in_dim3A_67 = vector.broadcast %broadcast_in_dim3A_66 : f32 to vector<16xf32>
      %swap3A_68 = arith.index_cast %scan3A_25 : i32 to index
      %swap3A_69 = arith.constant 96 : index
      %swap3A_70 = tpu.vector_load %arg9[%swap3A_68, %swap3A_69] {strides = array<i32>} : memref<120x128xf32, #tpu.memory_space<vmem>>, vector<1x16xf32>,
      %swap3A_71 = vector.shape_cast %swap3A_70 : vector<1x16xf32> to vector<16xf32>
      %swap3A_72 = vector.shape_cast %broadcast_in_dim3A_67 : vector<16xf32> to vector<1x16xf32>
      tpu.vector_store %arg9[%swap3A_68, %swap3A_69], %swap3A_72 {strides = array<i32>} : memref<120x128xf32, #tpu.memory_space<vmem>>, vector<1x16xf32>,
      %broadcast_in_dim3A_73 = arith.constant 0.000000e+00 : f32
      %broadcast_in_dim3A_74 = vector.broadcast %broadcast_in_dim3A_73 : f32 to vector<16xf32>
      %swap3A_75 = arith.index_cast %scan3A_25 : i32 to index
      %swap3A_76 = arith.constant 112 : index
      %swap3A_77 = tpu.vector_load %arg9[%swap3A_75, %swap3A_76] {strides = array<i32>} : memref<120x128xf32, #tpu.memory_space<vmem>>, vector<1x16xf32>,
      %swap3A_78 = vector.shape_cast %swap3A_77 : vector<1x16xf32> to vector<16xf32>
      %swap3A_79 = vector.shape_cast %broadcast_in_dim3A_74 : vector<16xf32> to vector<1x16xf32>
      tpu.vector_store %arg9[%swap3A_75, %swap3A_76], %swap3A_79 {strides = array<i32>} : memref<120x128xf32, #tpu.memory_space<vmem>>, vector<1x16xf32>,
    }
    %scan3A_4 = arith.constant 120 : i32
    %mul3A_5 = arith.constant 640 : i32
    %mul3A_6 = arith.muli %arg1, %mul3A_5 : i32
    %add3A_7 = arith.constant 0 : i32
    %add3A_8 = arith.addi %mul3A_6, %add3A_7 : i32
    "tpu.region"() ({
      %run_scoped3A = tpu.sem_alloc : memref<!tpu.dma_semaphore, #tpu.memory_space<semaphore_mem>>
      %dma_start3A = arith.constant 0 : i32
      %dma_start3A_25 = tpu.memref_slice %arg6[%add3A_8, %dma_start3A] : memref<10240x128xf32, #tpu.memory_space<vmem_shared>> -> memref<120x128xf32, #tpu.memory_space<vmem_shared>>
      %dma_start3A_26 = arith.constant 0 : i32
      %dma_start3A_27 = tpu.memref_slice %arg6[%add3A_8, %dma_start3A_26] : memref<10240x128xf32, #tpu.memory_space<vmem_shared>> -> memref<120x128xf32, #tpu.memory_space<vmem_shared>>
      tpu.enqueue_dma source(%arg9 : memref<120x128xf32, #tpu.memory_space<vmem>>) target(%dma_start3A_27 : memref<120x128xf32, #tpu.memory_space<vmem_shared>>) target_semaphore(%run_scoped3A : memref<!tpu.dma_semaphore, #tpu.memory_space<semaphore_mem>>)
      %dma_wait3A = arith.constant 0 : i32
      %dma_wait3A_28 = tpu.memref_slice %arg6[%add3A_8, %dma_wait3A] : memref<10240x128xf32, #tpu.memory_space<vmem_shared>> -> memref<120x128xf32, #tpu.memory_space<vmem_shared>>
      %dma_wait3A_29 = arith.constant 0 : i32
      %dma_wait3A_30 = tpu.memref_slice %arg6[%add3A_8, %dma_wait3A_29] : memref<10240x128xf32, #tpu.memory_space<vmem_shared>> -> memref<120x128xf32, #tpu.memory_space<vmem_shared>>
      tpu.wait_dma2 semaphore(%run_scoped3A : memref<!tpu.dma_semaphore, #tpu.memory_space<semaphore_mem>>) src(%arg9 : memref<120x128xf32, #tpu.memory_space<vmem>>) dst(%dma_wait3A_30 : memref<120x128xf32, #tpu.memory_space<vmem_shared>>)
      tpu.yield
    }) : () -> ()
    %add3A_9 = arith.constant 120 : i32
    %add3A_10 = arith.addi %mul3A_6, %add3A_9 : i32
    "tpu.region"() ({
      %run_scoped3A = tpu.sem_alloc : memref<!tpu.dma_semaphore, #tpu.memory_space<semaphore_mem>>
      %dma_start3A = arith.constant 0 : i32
      %dma_start3A_25 = tpu.memref_slice %arg6[%add3A_10, %dma_start3A] : memref<10240x128xf32, #tpu.memory_space<vmem_shared>> -> memref<120x128xf32, #tpu.memory_space<vmem_shared>>
      %dma_start3A_26 = arith.constant 0 : i32
      %dma_start3A_27 = tpu.memref_slice %arg6[%add3A_10, %dma_start3A_26] : memref<10240x128xf32, #tpu.memory_space<vmem_shared>> -> memref<120x128xf32, #tpu.memory_space<vmem_shared>>
      tpu.enqueue_dma source(%arg9 : memref<120x128xf32, #tpu.memory_space<vmem>>) target(%dma_start3A_27 : memref<120x128xf32, #tpu.memory_space<vmem_shared>>) target_semaphore(%run_scoped3A : memref<!tpu.dma_semaphore, #tpu.memory_space<semaphore_mem>>)
      %dma_wait3A = arith.constant 0 : i32
      %dma_wait3A_28 = tpu.memref_slice %arg6[%add3A_10, %dma_wait3A] : memref<10240x128xf32, #tpu.memory_space<vmem_shared>> -> memref<120x128xf32, #tpu.memory_space<vmem_shared>>
      %dma_wait3A_29 = arith.constant 0 : i32
      %dma_wait3A_30 = tpu.memref_slice %arg6[%add3A_10, %dma_wait3A_29] : memref<10240x128xf32, #tpu.memory_space<vmem_shared>> -> memref<120x128xf32, #tpu.memory_space<vmem_shared>>
      tpu.wait_dma2 semaphore(%run_scoped3A : memref<!tpu.dma_semaphore, #tpu.memory_space<semaphore_mem>>) src(%arg9 : memref<120x128xf32, #tpu.memory_space<vmem>>) dst(%dma_wait3A_30 : memref<120x128xf32, #tpu.memory_space<vmem_shared>>)
      tpu.yield
    }) : () -> ()
    %add3A_11 = arith.constant 240 : i32
    %add3A_12 = arith.addi %mul3A_6, %add3A_11 : i32
    "tpu.region"() ({
      %run_scoped3A = tpu.sem_alloc : memref<!tpu.dma_semaphore, #tpu.memory_space<semaphore_mem>>
      %dma_start3A = arith.constant 0 : i32
      %dma_start3A_25 = tpu.memref_slice %arg6[%add3A_12, %dma_start3A] : memref<10240x128xf32, #tpu.memory_space<vmem_shared>> -> memref<120x128xf32, #tpu.memory_space<vmem_shared>>
      %dma_start3A_26 = arith.constant 0 : i32
      %dma_start3A_27 = tpu.memref_slice %arg6[%add3A_12, %dma_start3A_26] : memref<10240x128xf32, #tpu.memory_space<vmem_shared>> -> memref<120x128xf32, #tpu.memory_space<vmem_shared>>
      tpu.enqueue_dma source(%arg9 : memref<120x128xf32, #tpu.memory_space<vmem>>) target(%dma_start3A_27 : memref<120x128xf32, #tpu.memory_space<vmem_shared>>) target_semaphore(%run_scoped3A : memref<!tpu.dma_semaphore, #tpu.memory_space<semaphore_mem>>)
      %dma_wait3A = arith.constant 0 : i32
      %dma_wait3A_28 = tpu.memref_slice %arg6[%add3A_12, %dma_wait3A] : memref<10240x128xf32, #tpu.memory_space<vmem_shared>> -> memref<120x128xf32, #tpu.memory_space<vmem_shared>>
      %dma_wait3A_29 = arith.constant 0 : i32
      %dma_wait3A_30 = tpu.memref_slice %arg6[%add3A_12, %dma_wait3A_29] : memref<10240x128xf32, #tpu.memory_space<vmem_shared>> -> memref<120x128xf32, #tpu.memory_space<vmem_shared>>
      tpu.wait_dma2 semaphore(%run_scoped3A : memref<!tpu.dma_semaphore, #tpu.memory_space<semaphore_mem>>) src(%arg9 : memref<120x128xf32, #tpu.memory_space<vmem>>) dst(%dma_wait3A_30 : memref<120x128xf32, #tpu.memory_space<vmem_shared>>)
      tpu.yield
    }) : () -> ()
    %add3A_13 = arith.constant 360 : i32
    %add3A_14 = arith.addi %mul3A_6, %add3A_13 : i32
    "tpu.region"() ({
      %run_scoped3A = tpu.sem_alloc : memref<!tpu.dma_semaphore, #tpu.memory_space<semaphore_mem>>
      %dma_start3A = arith.constant 0 : i32
      %dma_start3A_25 = tpu.memref_slice %arg6[%add3A_14, %dma_start3A] : memref<10240x128xf32, #tpu.memory_space<vmem_shared>> -> memref<120x128xf32, #tpu.memory_space<vmem_shared>>
      %dma_start3A_26 = arith.constant 0 : i32
      %dma_start3A_27 = tpu.memref_slice %arg6[%add3A_14, %dma_start3A_26] : memref<10240x128xf32, #tpu.memory_space<vmem_shared>> -> memref<120x128xf32, #tpu.memory_space<vmem_shared>>
      tpu.enqueue_dma source(%arg9 : memref<120x128xf32, #tpu.memory_space<vmem>>) target(%dma_start3A_27 : memref<120x128xf32, #tpu.memory_space<vmem_shared>>) target_semaphore(%run_scoped3A : memref<!tpu.dma_semaphore, #tpu.memory_space<semaphore_mem>>)
      %dma_wait3A = arith.constant 0 : i32
      %dma_wait3A_28 = tpu.memref_slice %arg6[%add3A_14, %dma_wait3A] : memref<10240x128xf32, #tpu.memory_space<vmem_shared>> -> memref<120x128xf32, #tpu.memory_space<vmem_shared>>
      %dma_wait3A_29 = arith.constant 0 : i32
      %dma_wait3A_30 = tpu.memref_slice %arg6[%add3A_14, %dma_wait3A_29] : memref<10240x128xf32, #tpu.memory_space<vmem_shared>> -> memref<120x128xf32, #tpu.memory_space<vmem_shared>>
      tpu.wait_dma2 semaphore(%run_scoped3A : memref<!tpu.dma_semaphore, #tpu.memory_space<semaphore_mem>>) src(%arg9 : memref<120x128xf32, #tpu.memory_space<vmem>>) dst(%dma_wait3A_30 : memref<120x128xf32, #tpu.memory_space<vmem_shared>>)
      tpu.yield
    }) : () -> ()
    %add3A_15 = arith.constant 480 : i32
    %add3A_16 = arith.addi %mul3A_6, %add3A_15 : i32
    "tpu.region"() ({
      %run_scoped3A = tpu.sem_alloc : memref<!tpu.dma_semaphore, #tpu.memory_space<semaphore_mem>>
      %dma_start3A = arith.constant 0 : i32
      %dma_start3A_25 = tpu.memref_slice %arg6[%add3A_16, %dma_start3A] : memref<10240x128xf32, #tpu.memory_space<vmem_shared>> -> memref<120x128xf32, #tpu.memory_space<vmem_shared>>
      %dma_start3A_26 = arith.constant 0 : i32
      %dma_start3A_27 = tpu.memref_slice %arg6[%add3A_16, %dma_start3A_26] : memref<10240x128xf32, #tpu.memory_space<vmem_shared>> -> memref<120x128xf32, #tpu.memory_space<vmem_shared>>
      tpu.enqueue_dma source(%arg9 : memref<120x128xf32, #tpu.memory_space<vmem>>) target(%dma_start3A_27 : memref<120x128xf32, #tpu.memory_space<vmem_shared>>) target_semaphore(%run_scoped3A : memref<!tpu.dma_semaphore, #tpu.memory_space<semaphore_mem>>)
      %dma_wait3A = arith.constant 0 : i32
      %dma_wait3A_28 = tpu.memref_slice %arg6[%add3A_16, %dma_wait3A] : memref<10240x128xf32, #tpu.memory_space<vmem_shared>> -> memref<120x128xf32, #tpu.memory_space<vmem_shared>>
      %dma_wait3A_29 = arith.constant 0 : i32
      %dma_wait3A_30 = tpu.memref_slice %arg6[%add3A_16, %dma_wait3A_29] : memref<10240x128xf32, #tpu.memory_space<vmem_shared>> -> memref<120x128xf32, #tpu.memory_space<vmem_shared>>
      tpu.wait_dma2 semaphore(%run_scoped3A : memref<!tpu.dma_semaphore, #tpu.memory_space<semaphore_mem>>) src(%arg9 : memref<120x128xf32, #tpu.memory_space<vmem>>) dst(%dma_wait3A_30 : memref<120x128xf32, #tpu.memory_space<vmem_shared>>)
      tpu.yield
    }) : () -> ()
    %add3A_17 = arith.constant 600 : i32
    %add3A_18 = arith.addi %mul3A_6, %add3A_17 : i32
    "tpu.region"() ({
      %run_scoped3A = tpu.sem_alloc : memref<!tpu.dma_semaphore, #tpu.memory_space<semaphore_mem>>
      %dma_start3A = arith.constant 0 : i32
      %dma_start3A_25 = arith.constant 0 : i32
      %dma_start3A_26 = tpu.memref_slice %arg9[%dma_start3A, %dma_start3A_25] : memref<120x128xf32, #tpu.memory_space<vmem>> -> memref<40x128xf32, #tpu.memory_space<vmem>>
      %dma_start3A_27 = arith.constant 0 : i32
      %dma_start3A_28 = tpu.memref_slice %arg6[%add3A_18, %dma_start3A_27] : memref<10240x128xf32, #tpu.memory_space<vmem_shared>> -> memref<40x128xf32, #tpu.memory_space<vmem_shared>>
      %dma_start3A_29 = arith.constant 0 : i32
      %dma_start3A_30 = tpu.memref_slice %arg6[%add3A_18, %dma_start3A_29] : memref<10240x128xf32, #tpu.memory_space<vmem_shared>> -> memref<40x128xf32, #tpu.memory_space<vmem_shared>>
      %dma_start3A_31 = arith.constant 0 : i32
      %dma_start3A_32 = arith.constant 0 : i32
      %dma_start3A_33 = tpu.memref_slice %arg9[%dma_start3A_31, %dma_start3A_32] : memref<120x128xf32, #tpu.memory_space<vmem>> -> memref<40x128xf32, #tpu.memory_space<vmem>>
      tpu.enqueue_dma source(%dma_start3A_33 : memref<40x128xf32, #tpu.memory_space<vmem>>) target(%dma_start3A_30 : memref<40x128xf32, #tpu.memory_space<vmem_shared>>) target_semaphore(%run_scoped3A : memref<!tpu.dma_semaphore, #tpu.memory_space<semaphore_mem>>)
      %dma_wait3A = arith.constant 0 : i32
      %dma_wait3A_34 = arith.constant 0 : i32
      %dma_wait3A_35 = tpu.memref_slice %arg9[%dma_wait3A, %dma_wait3A_34] : memref<120x128xf32, #tpu.memory_space<vmem>> -> memref<40x128xf32, #tpu.memory_space<vmem>>
      %dma_wait3A_36 = arith.constant 0 : i32
      %dma_wait3A_37 = tpu.memref_slice %arg6[%add3A_18, %dma_wait3A_36] : memref<10240x128xf32, #tpu.memory_space<vmem_shared>> -> memref<40x128xf32, #tpu.memory_space<vmem_shared>>
      %dma_wait3A_38 = arith.constant 0 : i32
      %dma_wait3A_39 = tpu.memref_slice %arg6[%add3A_18, %dma_wait3A_38] : memref<10240x128xf32, #tpu.memory_space<vmem_shared>> -> memref<40x128xf32, #tpu.memory_space<vmem_shared>>
      %dma_wait3A_40 = arith.constant 0 : i32
      %dma_wait3A_41 = arith.constant 0 : i32
      %dma_wait3A_42 = tpu.memref_slice %arg9[%dma_wait3A_40, %dma_wait3A_41] : memref<120x128xf32, #tpu.memory_space<vmem>> -> memref<40x128xf32, #tpu.memory_space<vmem>>
      tpu.wait_dma2 semaphore(%run_scoped3A : memref<!tpu.dma_semaphore, #tpu.memory_space<semaphore_mem>>) src(%dma_wait3A_42 : memref<40x128xf32, #tpu.memory_space<vmem>>) dst(%dma_wait3A_39 : memref<40x128xf32, #tpu.memory_space<vmem_shared>>)
      tpu.yield
    }) : () -> ()
    "tpu.region"() ({
      %run_scoped3A = tpu.sem_alloc : memref<!tpu.dma_semaphore, #tpu.memory_space<semaphore_mem>>
      %dma_start3A = arith.constant 0 : i32
      %dma_start3A_25 = arith.constant 0 : i32
      %dma_start3A_26 = tpu.memref_slice %arg3[%add3A, %dma_start3A, %dma_start3A_25] : memref<32x84x120xi32, #tpu.memory_space<hbm>> -> memref<1x84x120xi32, #tpu.memory_space<hbm>>
      %dma_start3A_27 = tpu.memref_squeeze %dma_start3A_26 : memref<1x84x120xi32, #tpu.memory_space<hbm>> -> memref<84x120xi32, #tpu.memory_space<hbm>>
      %dma_start3A_28 = arith.constant 0 : i32
      %dma_start3A_29 = arith.constant 0 : i32
      %dma_start3A_30 = tpu.memref_slice %arg3[%add3A, %dma_start3A_28, %dma_start3A_29] : memref<32x84x120xi32, #tpu.memory_space<hbm>> -> memref<1x84x120xi32, #tpu.memory_space<hbm>>
      %dma_start3A_31 = tpu.memref_squeeze %dma_start3A_30 : memref<1x84x120xi32, #tpu.memory_space<hbm>> -> memref<84x120xi32, #tpu.memory_space<hbm>>
      tpu.enqueue_dma source(%dma_start3A_31 : memref<84x120xi32, #tpu.memory_space<hbm>>) target(%arg7 : memref<84x120xi32, #tpu.memory_space<vmem>>) target_semaphore(%run_scoped3A : memref<!tpu.dma_semaphore, #tpu.memory_space<semaphore_mem>>)
      %dma_wait3A = arith.constant 0 : i32
      %dma_wait3A_32 = arith.constant 0 : i32
      %dma_wait3A_33 = tpu.memref_slice %arg3[%add3A, %dma_wait3A, %dma_wait3A_32] : memref<32x84x120xi32, #tpu.memory_space<hbm>> -> memref<1x84x120xi32, #tpu.memory_space<hbm>>
      %dma_wait3A_34 = tpu.memref_squeeze %dma_wait3A_33 : memref<1x84x120xi32, #tpu.memory_space<hbm>> -> memref<84x120xi32, #tpu.memory_space<hbm>>
      %dma_wait3A_35 = arith.constant 0 : i32
      %dma_wait3A_36 = arith.constant 0 : i32
      %dma_wait3A_37 = tpu.memref_slice %arg3[%add3A, %dma_wait3A_35, %dma_wait3A_36] : memref<32x84x120xi32, #tpu.memory_space<hbm>> -> memref<1x84x120xi32, #tpu.memory_space<hbm>>
      %dma_wait3A_38 = tpu.memref_squeeze %dma_wait3A_37 : memref<1x84x120xi32, #tpu.memory_space<hbm>> -> memref<84x120xi32, #tpu.memory_space<hbm>>
      tpu.wait_dma2 semaphore(%run_scoped3A : memref<!tpu.dma_semaphore, #tpu.memory_space<semaphore_mem>>) src(%dma_wait3A_38 : memref<84x120xi32, #tpu.memory_space<hbm>>) dst(%arg7 : memref<84x120xi32, #tpu.memory_space<vmem>>)
      tpu.yield
    }) : () -> ()
    "tpu.region"() ({
      %run_scoped3A = tpu.sem_alloc : memref<!tpu.dma_semaphore, #tpu.memory_space<semaphore_mem>>
      %dma_start3A = arith.constant 0 : i32
      %dma_start3A_25 = arith.constant 0 : i32
      %dma_start3A_26 = tpu.memref_slice %arg4[%add3A, %dma_start3A, %dma_start3A_25] : memref<32x84x120xi32, #tpu.memory_space<hbm>> -> memref<1x84x120xi32, #tpu.memory_space<hbm>>
      %dma_start3A_27 = tpu.memref_squeeze %dma_start3A_26 : memref<1x84x120xi32, #tpu.memory_space<hbm>> -> memref<84x120xi32, #tpu.memory_space<hbm>>
      %dma_start3A_28 = arith.constant 0 : i32
      %dma_start3A_29 = arith.constant 0 : i32
      %dma_start3A_30 = tpu.memref_slice %arg4[%add3A, %dma_start3A_28, %dma_start3A_29] : memref<32x84x120xi32, #tpu.memory_space<hbm>> -> memref<1x84x120xi32, #tpu.memory_space<hbm>>
      %dma_start3A_31 = tpu.memref_squeeze %dma_start3A_30 : memref<1x84x120xi32, #tpu.memory_space<hbm>> -> memref<84x120xi32, #tpu.memory_space<hbm>>
      tpu.enqueue_dma source(%dma_start3A_31 : memref<84x120xi32, #tpu.memory_space<hbm>>) target(%arg8 : memref<84x120xi32, #tpu.memory_space<vmem>>) target_semaphore(%run_scoped3A : memref<!tpu.dma_semaphore, #tpu.memory_space<semaphore_mem>>)
      %dma_wait3A = arith.constant 0 : i32
      %dma_wait3A_32 = arith.constant 0 : i32
      %dma_wait3A_33 = tpu.memref_slice %arg4[%add3A, %dma_wait3A, %dma_wait3A_32] : memref<32x84x120xi32, #tpu.memory_space<hbm>> -> memref<1x84x120xi32, #tpu.memory_space<hbm>>
      %dma_wait3A_34 = tpu.memref_squeeze %dma_wait3A_33 : memref<1x84x120xi32, #tpu.memory_space<hbm>> -> memref<84x120xi32, #tpu.memory_space<hbm>>
      %dma_wait3A_35 = arith.constant 0 : i32
      %dma_wait3A_36 = arith.constant 0 : i32
      %dma_wait3A_37 = tpu.memref_slice %arg4[%add3A, %dma_wait3A_35, %dma_wait3A_36] : memref<32x84x120xi32, #tpu.memory_space<hbm>> -> memref<1x84x120xi32, #tpu.memory_space<hbm>>
      %dma_wait3A_38 = tpu.memref_squeeze %dma_wait3A_37 : memref<1x84x120xi32, #tpu.memory_space<hbm>> -> memref<84x120xi32, #tpu.memory_space<hbm>>
      tpu.wait_dma2 semaphore(%run_scoped3A : memref<!tpu.dma_semaphore, #tpu.memory_space<semaphore_mem>>) src(%dma_wait3A_38 : memref<84x120xi32, #tpu.memory_space<hbm>>) dst(%arg8 : memref<84x120xi32, #tpu.memory_space<vmem>>)
      tpu.yield
    }) : () -> ()
    %barrier3A = arith.constant 0 : index
    tpu.barrier barrier_id(%barrier3A)
    %scan3A_19 = arith.constant 0 : i32
    %scan3A_20 = arith.constant 84 : i32
    %scan3A_21 = arith.addi %scan3A_19, %scan3A_20 : i32
    %scan3A_22 = arith.constant 1 : i32
    scf.for %scan3A_25 = %scan3A_19 to %scan3A_21 step %scan3A_22  : i32 {
      %dma_start3A = arith.constant 0 : i32
      %dma_start3A_26 = tpu.memref_slice %arg7[%scan3A_25, %dma_start3A] : memref<84x120xi32, #tpu.memory_space<vmem>> -> memref<1x120xi32, #tpu.memory_space<vmem>>
      %dma_start3A_27 = tpu.memref_squeeze %dma_start3A_26 : memref<1x120xi32, #tpu.memory_space<vmem>> -> memref<120xi32, #tpu.memory_space<vmem>>
      %dma_start3A_28 = arith.constant 0 : i32
      %dma_start3A_29 = arith.constant 0 : i32
      %dma_start3A_30 = tpu.memref_slice %arg2[%dma_start3A_28, %dma_start3A_29] : memref<10240x128xf32, #tpu.memory_space<hbm>> -> memref<10240x128xf32, #tpu.memory_space<hbm>>
      tpu.enqueue_indirect_dma source(%dma_start3A_30 : memref<10240x128xf32, #tpu.memory_space<hbm>>) target(%arg9 : memref<120x128xf32, #tpu.memory_space<vmem>>) offsets(%dma_start3A_27 : memref<120xi32, #tpu.memory_space<vmem>>) semaphore(%arg10 : memref<!tpu.dma_semaphore, #tpu.memory_space<semaphore_mem>>)
      %dma_wait3A = arith.constant 0 : i32
      %dma_wait3A_31 = tpu.memref_slice %arg7[%scan3A_25, %dma_wait3A] : memref<84x120xi32, #tpu.memory_space<vmem>> -> memref<1x120xi32, #tpu.memory_space<vmem>>
      %dma_wait3A_32 = tpu.memref_squeeze %dma_wait3A_31 : memref<1x120xi32, #tpu.memory_space<vmem>> -> memref<120xi32, #tpu.memory_space<vmem>>
      %dma_wait3A_33 = arith.constant 0 : i32
      %dma_wait3A_34 = arith.constant 0 : i32
      %dma_wait3A_35 = tpu.memref_slice %arg2[%dma_wait3A_33, %dma_wait3A_34] : memref<10240x128xf32, #tpu.memory_space<hbm>> -> memref<10240x128xf32, #tpu.memory_space<hbm>>
      tpu.wait_indirect_dma semaphore(%arg10 : memref<!tpu.dma_semaphore, #tpu.memory_space<semaphore_mem>>) src(%dma_wait3A_35 : memref<10240x128xf32, #tpu.memory_space<hbm>>) dst(%arg9 : memref<120x128xf32, #tpu.memory_space<vmem>>)
      "tpu.region"() ({
        %run_scoped3A = tpu.sem_alloc : memref<!tpu.dma_semaphore, #tpu.memory_space<semaphore_mem>>
        %dma_start3A_36 = arith.constant 0 : i32
        %dma_start3A_37 = tpu.memref_slice %arg8[%scan3A_25, %dma_start3A_36] : memref<84x120xi32, #tpu.memory_space<vmem>> -> memref<1x120xi32, #tpu.memory_space<vmem>>
        %dma_start3A_38 = tpu.memref_squeeze %dma_start3A_37 : memref<1x120xi32, #tpu.memory_space<vmem>> -> memref<120xi32, #tpu.memory_space<vmem>>
        %dma_start3A_39 = arith.constant 0 : i32
        %dma_start3A_40 = arith.constant 0 : i32
        %dma_start3A_41 = tpu.memref_slice %arg6[%dma_start3A_39, %dma_start3A_40] : memref<10240x128xf32, #tpu.memory_space<vmem_shared>> -> memref<10240x128xf32, #tpu.memory_space<vmem_shared>>
        tpu.enqueue_indirect_dma source(%arg9 : memref<120x128xf32, #tpu.memory_space<vmem>>) target(%dma_start3A_41 : memref<10240x128xf32, #tpu.memory_space<vmem_shared>>) offsets(%dma_start3A_38 : memref<120xi32, #tpu.memory_space<vmem>>) semaphore(%run_scoped3A : memref<!tpu.dma_semaphore, #tpu.memory_space<semaphore_mem>>) {add = true}
        %dma_wait3A_42 = arith.constant 0 : i32
        %dma_wait3A_43 = tpu.memref_slice %arg8[%scan3A_25, %dma_wait3A_42] : memref<84x120xi32, #tpu.memory_space<vmem>> -> memref<1x120xi32, #tpu.memory_space<vmem>>
        %dma_wait3A_44 = tpu.memref_squeeze %dma_wait3A_43 : memref<1x120xi32, #tpu.memory_space<vmem>> -> memref<120xi32, #tpu.memory_space<vmem>>
        %dma_wait3A_45 = arith.constant 0 : i32
        %dma_wait3A_46 = arith.constant 0 : i32
        %dma_wait3A_47 = tpu.memref_slice %arg6[%dma_wait3A_45, %dma_wait3A_46] : memref<10240x128xf32, #tpu.memory_space<vmem_shared>> -> memref<10240x128xf32, #tpu.memory_space<vmem_shared>>
        tpu.wait_indirect_dma semaphore(%run_scoped3A : memref<!tpu.dma_semaphore, #tpu.memory_space<semaphore_mem>>) src(%arg9 : memref<120x128xf32, #tpu.memory_space<vmem>>) dst(%dma_wait3A_47 : memref<10240x128xf32, #tpu.memory_space<vmem_shared>>)
        tpu.yield
      }) : () -> ()
    }
    %scan3A_23 = arith.constant 84 : i32
    %barrier3A_24 = arith.constant 0 : index
    tpu.barrier barrier_id(%barrier3A_24)
    "tpu.region"() ({
      %run_scoped3A = tpu.sem_alloc : memref<!tpu.dma_semaphore, #tpu.memory_space<semaphore_mem>>
      %dma_start3A = arith.constant 0 : i32
      %dma_start3A_25 = tpu.memref_slice %arg5[%arg0, %mul3A_6, %dma_start3A] : memref<2x10240x128xf32, #tpu.memory_space<hbm>> -> memref<1x640x128xf32, #tpu.memory_space<hbm>>
      %dma_start3A_26 = tpu.memref_squeeze %dma_start3A_25 : memref<1x640x128xf32, #tpu.memory_space<hbm>> -> memref<640x128xf32, #tpu.memory_space<hbm>>
      %dma_start3A_27 = arith.constant 0 : i32
      %dma_start3A_28 = tpu.memref_slice %arg6[%mul3A_6, %dma_start3A_27] : memref<10240x128xf32, #tpu.memory_space<vmem_shared>> -> memref<640x128xf32, #tpu.memory_space<vmem_shared>>
      tpu.enqueue_dma source(%dma_start3A_28 : memref<640x128xf32, #tpu.memory_space<vmem_shared>>) target(%dma_start3A_26 : memref<640x128xf32, #tpu.memory_space<hbm>>) target_semaphore(%run_scoped3A : memref<!tpu.dma_semaphore, #tpu.memory_space<semaphore_mem>>)
      %dma_wait3A = arith.constant 0 : i32
      %dma_wait3A_29 = tpu.memref_slice %arg5[%arg0, %mul3A_6, %dma_wait3A] : memref<2x10240x128xf32, #tpu.memory_space<hbm>> -> memref<1x640x128xf32, #tpu.memory_space<hbm>>
      %dma_wait3A_30 = tpu.memref_squeeze %dma_wait3A_29 : memref<1x640x128xf32, #tpu.memory_space<hbm>> -> memref<640x128xf32, #tpu.memory_space<hbm>>
      %dma_wait3A_31 = arith.constant 0 : i32
      %dma_wait3A_32 = tpu.memref_slice %arg6[%mul3A_6, %dma_wait3A_31] : memref<10240x128xf32, #tpu.memory_space<vmem_shared>> -> memref<640x128xf32, #tpu.memory_space<vmem_shared>>
      tpu.wait_dma2 semaphore(%run_scoped3A : memref<!tpu.dma_semaphore, #tpu.memory_space<semaphore_mem>>) src(%dma_wait3A_32 : memref<640x128xf32, #tpu.memory_space<vmem_shared>>) dst(%dma_wait3A_30 : memref<640x128xf32, #tpu.memory_space<hbm>>)
      tpu.yield
    }) : () -> ()
    return
  }
}

#map = affine_map<(d0, d1) -> (0, 0)>
#map1 = affine_map<(d0, d1) -> (0, 0, 0)>
module attributes {stable_mosaic.version = 14 : i64} {
  func.func @_sc_propagate(%arg0: i32, %arg1: i32, %arg2: memref<10240x128xf32, #tpu.memory_space<hbm>>, %arg3: memref<32x84x120xi32, #tpu.memory_space<hbm>>, %arg4: memref<32x84x120xi32, #tpu.memory_space<hbm>>, %arg5: memref<2x10240x128xf32, #tpu.memory_space<hbm>>, %arg6: memref<10240x128xf32, #tpu.memory_space<vmem_shared>>, %arg7: memref<84x120xi32, #tpu.memory_space<vmem>>, %arg8: memref<84x120xi32, #tpu.memory_space<vmem>>, %arg9: memref<120x128xf32, #tpu.memory_space<vmem>>, %arg10: memref<!tpu.dma_semaphore, #tpu.memory_space<semaphore_mem>>) attributes {dimension_semantics = [#tpu.dimension_semantics<core_parallel>, #tpu.dimension_semantics<subcore_parallel>], iteration_bounds = array<i64: 2, 16>, scalar_prefetch = 0 : i64, scratch_operands = 5 : i64, tpu.core_type = #tpu.core_type<sc_vector_subcore>, window_params = [{transform_indices = #map}, {transform_indices = #map1}, {transform_indices = #map1}, {transform_indices = #map1}]} {
    %mul3A = arith.constant 16 : i32
    %mul3A_0 = arith.muli %arg0, %mul3A : i32
    %add3A = arith.addi %mul3A_0, %arg1 : i32
    %scan3A = arith.constant 0 : i32
    %scan3A_1 = arith.constant 120 : i32
    %scan3A_2 = arith.addi %scan3A, %scan3A_1 : i32
    %scan3A_3 = arith.constant 1 : i32
    scf.for %scan3A_25 = %scan3A to %scan3A_2 step %scan3A_3  : i32 {
      %broadcast_in_dim3A = arith.constant 0.000000e+00 : f32
      %broadcast_in_dim3A_26 = vector.broadcast %broadcast_in_dim3A : f32 to vector<16xf32>
      %swap3A = arith.index_cast %scan3A_25 : i32 to index
      %swap3A_27 = arith.constant 0 : index
      %swap3A_28 = tpu.vector_load %arg9[%swap3A, %swap3A_27] {strides = array<i32>} : memref<120x128xf32, #tpu.memory_space<vmem>>, vector<1x16xf32>,
      %swap3A_29 = vector.shape_cast %swap3A_28 : vector<1x16xf32> to vector<16xf32>
      %swap3A_30 = vector.shape_cast %broadcast_in_dim3A_26 : vector<16xf32> to vector<1x16xf32>
      tpu.vector_store %arg9[%swap3A, %swap3A_27], %swap3A_30 {strides = array<i32>} : memref<120x128xf32, #tpu.memory_space<vmem>>, vector<1x16xf32>,
      %broadcast_in_dim3A_31 = arith.constant 0.000000e+00 : f32
      %broadcast_in_dim3A_32 = vector.broadcast %broadcast_in_dim3A_31 : f32 to vector<16xf32>
      %swap3A_33 = arith.index_cast %scan3A_25 : i32 to index
      %swap3A_34 = arith.constant 16 : index
      %swap3A_35 = tpu.vector_load %arg9[%swap3A_33, %swap3A_34] {strides = array<i32>} : memref<120x128xf32, #tpu.memory_space<vmem>>, vector<1x16xf32>,
      %swap3A_36 = vector.shape_cast %swap3A_35 : vector<1x16xf32> to vector<16xf32>
      %swap3A_37 = vector.shape_cast %broadcast_in_dim3A_32 : vector<16xf32> to vector<1x16xf32>
      tpu.vector_store %arg9[%swap3A_33, %swap3A_34], %swap3A_37 {strides = array<i32>} : memref<120x128xf32, #tpu.memory_space<vmem>>, vector<1x16xf32>,
      %broadcast_in_dim3A_38 = arith.constant 0.000000e+00 : f32
      %broadcast_in_dim3A_39 = vector.broadcast %broadcast_in_dim3A_38 : f32 to vector<16xf32>
      %swap3A_40 = arith.index_cast %scan3A_25 : i32 to index
      %swap3A_41 = arith.constant 32 : index
      %swap3A_42 = tpu.vector_load %arg9[%swap3A_40, %swap3A_41] {strides = array<i32>} : memref<120x128xf32, #tpu.memory_space<vmem>>, vector<1x16xf32>,
      %swap3A_43 = vector.shape_cast %swap3A_42 : vector<1x16xf32> to vector<16xf32>
      %swap3A_44 = vector.shape_cast %broadcast_in_dim3A_39 : vector<16xf32> to vector<1x16xf32>
      tpu.vector_store %arg9[%swap3A_40, %swap3A_41], %swap3A_44 {strides = array<i32>} : memref<120x128xf32, #tpu.memory_space<vmem>>, vector<1x16xf32>,
      %broadcast_in_dim3A_45 = arith.constant 0.000000e+00 : f32
      %broadcast_in_dim3A_46 = vector.broadcast %broadcast_in_dim3A_45 : f32 to vector<16xf32>
      %swap3A_47 = arith.index_cast %scan3A_25 : i32 to index
      %swap3A_48 = arith.constant 48 : index
      %swap3A_49 = tpu.vector_load %arg9[%swap3A_47, %swap3A_48] {strides = array<i32>} : memref<120x128xf32, #tpu.memory_space<vmem>>, vector<1x16xf32>,
      %swap3A_50 = vector.shape_cast %swap3A_49 : vector<1x16xf32> to vector<16xf32>
      %swap3A_51 = vector.shape_cast %broadcast_in_dim3A_46 : vector<16xf32> to vector<1x16xf32>
      tpu.vector_store %arg9[%swap3A_47, %swap3A_48], %swap3A_51 {strides = array<i32>} : memref<120x128xf32, #tpu.memory_space<vmem>>, vector<1x16xf32>,
      %broadcast_in_dim3A_52 = arith.constant 0.000000e+00 : f32
      %broadcast_in_dim3A_53 = vector.broadcast %broadcast_in_dim3A_52 : f32 to vector<16xf32>
      %swap3A_54 = arith.index_cast %scan3A_25 : i32 to index
      %swap3A_55 = arith.constant 64 : index
      %swap3A_56 = tpu.vector_load %arg9[%swap3A_54, %swap3A_55] {strides = array<i32>} : memref<120x128xf32, #tpu.memory_space<vmem>>, vector<1x16xf32>,
      %swap3A_57 = vector.shape_cast %swap3A_56 : vector<1x16xf32> to vector<16xf32>
      %swap3A_58 = vector.shape_cast %broadcast_in_dim3A_53 : vector<16xf32> to vector<1x16xf32>
      tpu.vector_store %arg9[%swap3A_54, %swap3A_55], %swap3A_58 {strides = array<i32>} : memref<120x128xf32, #tpu.memory_space<vmem>>, vector<1x16xf32>,
      %broadcast_in_dim3A_59 = arith.constant 0.000000e+00 : f32
      %broadcast_in_dim3A_60 = vector.broadcast %broadcast_in_dim3A_59 : f32 to vector<16xf32>
      %swap3A_61 = arith.index_cast %scan3A_25 : i32 to index
      %swap3A_62 = arith.constant 80 : index
      %swap3A_63 = tpu.vector_load %arg9[%swap3A_61, %swap3A_62] {strides = array<i32>} : memref<120x128xf32, #tpu.memory_space<vmem>>, vector<1x16xf32>,
      %swap3A_64 = vector.shape_cast %swap3A_63 : vector<1x16xf32> to vector<16xf32>
      %swap3A_65 = vector.shape_cast %broadcast_in_dim3A_60 : vector<16xf32> to vector<1x16xf32>
      tpu.vector_store %arg9[%swap3A_61, %swap3A_62], %swap3A_65 {strides = array<i32>} : memref<120x128xf32, #tpu.memory_space<vmem>>, vector<1x16xf32>,
      %broadcast_in_dim3A_66 = arith.constant 0.000000e+00 : f32
      %broadcast_in_dim3A_67 = vector.broadcast %broadcast_in_dim3A_66 : f32 to vector<16xf32>
      %swap3A_68 = arith.index_cast %scan3A_25 : i32 to index
      %swap3A_69 = arith.constant 96 : index
      %swap3A_70 = tpu.vector_load %arg9[%swap3A_68, %swap3A_69] {strides = array<i32>} : memref<120x128xf32, #tpu.memory_space<vmem>>, vector<1x16xf32>,
      %swap3A_71 = vector.shape_cast %swap3A_70 : vector<1x16xf32> to vector<16xf32>
      %swap3A_72 = vector.shape_cast %broadcast_in_dim3A_67 : vector<16xf32> to vector<1x16xf32>
      tpu.vector_store %arg9[%swap3A_68, %swap3A_69], %swap3A_72 {strides = array<i32>} : memref<120x128xf32, #tpu.memory_space<vmem>>, vector<1x16xf32>,
      %broadcast_in_dim3A_73 = arith.constant 0.000000e+00 : f32
      %broadcast_in_dim3A_74 = vector.broadcast %broadcast_in_dim3A_73 : f32 to vector<16xf32>
      %swap3A_75 = arith.index_cast %scan3A_25 : i32 to index
      %swap3A_76 = arith.constant 112 : index
      %swap3A_77 = tpu.vector_load %arg9[%swap3A_75, %swap3A_76] {strides = array<i32>} : memref<120x128xf32, #tpu.memory_space<vmem>>, vector<1x16xf32>,
      %swap3A_78 = vector.shape_cast %swap3A_77 : vector<1x16xf32> to vector<16xf32>
      %swap3A_79 = vector.shape_cast %broadcast_in_dim3A_74 : vector<16xf32> to vector<1x16xf32>
      tpu.vector_store %arg9[%swap3A_75, %swap3A_76], %swap3A_79 {strides = array<i32>} : memref<120x128xf32, #tpu.memory_space<vmem>>, vector<1x16xf32>,
    }
    %scan3A_4 = arith.constant 120 : i32
    %mul3A_5 = arith.constant 640 : i32
    %mul3A_6 = arith.muli %arg1, %mul3A_5 : i32
    %add3A_7 = arith.constant 0 : i32
    %add3A_8 = arith.addi %mul3A_6, %add3A_7 : i32
    "tpu.region"() ({
      %run_scoped3A = tpu.sem_alloc : memref<!tpu.dma_semaphore, #tpu.memory_space<semaphore_mem>>
      %dma_start3A = arith.constant 0 : i32
      %dma_start3A_25 = tpu.memref_slice %arg6[%add3A_8, %dma_start3A] : memref<10240x128xf32, #tpu.memory_space<vmem_shared>> -> memref<120x128xf32, #tpu.memory_space<vmem_shared>>
      %dma_start3A_26 = arith.constant 0 : i32
      %dma_start3A_27 = tpu.memref_slice %arg6[%add3A_8, %dma_start3A_26] : memref<10240x128xf32, #tpu.memory_space<vmem_shared>> -> memref<120x128xf32, #tpu.memory_space<vmem_shared>>
      tpu.enqueue_dma source(%arg9 : memref<120x128xf32, #tpu.memory_space<vmem>>) target(%dma_start3A_27 : memref<120x128xf32, #tpu.memory_space<vmem_shared>>) target_semaphore(%run_scoped3A : memref<!tpu.dma_semaphore, #tpu.memory_space<semaphore_mem>>)
      %dma_wait3A = arith.constant 0 : i32
      %dma_wait3A_28 = tpu.memref_slice %arg6[%add3A_8, %dma_wait3A] : memref<10240x128xf32, #tpu.memory_space<vmem_shared>> -> memref<120x128xf32, #tpu.memory_space<vmem_shared>>
      %dma_wait3A_29 = arith.constant 0 : i32
      %dma_wait3A_30 = tpu.memref_slice %arg6[%add3A_8, %dma_wait3A_29] : memref<10240x128xf32, #tpu.memory_space<vmem_shared>> -> memref<120x128xf32, #tpu.memory_space<vmem_shared>>
      tpu.wait_dma2 semaphore(%run_scoped3A : memref<!tpu.dma_semaphore, #tpu.memory_space<semaphore_mem>>) src(%arg9 : memref<120x128xf32, #tpu.memory_space<vmem>>) dst(%dma_wait3A_30 : memref<120x128xf32, #tpu.memory_space<vmem_shared>>)
      tpu.yield
    }) : () -> ()
    %add3A_9 = arith.constant 120 : i32
    %add3A_10 = arith.addi %mul3A_6, %add3A_9 : i32
    "tpu.region"() ({
      %run_scoped3A = tpu.sem_alloc : memref<!tpu.dma_semaphore, #tpu.memory_space<semaphore_mem>>
      %dma_start3A = arith.constant 0 : i32
      %dma_start3A_25 = tpu.memref_slice %arg6[%add3A_10, %dma_start3A] : memref<10240x128xf32, #tpu.memory_space<vmem_shared>> -> memref<120x128xf32, #tpu.memory_space<vmem_shared>>
      %dma_start3A_26 = arith.constant 0 : i32
      %dma_start3A_27 = tpu.memref_slice %arg6[%add3A_10, %dma_start3A_26] : memref<10240x128xf32, #tpu.memory_space<vmem_shared>> -> memref<120x128xf32, #tpu.memory_space<vmem_shared>>
      tpu.enqueue_dma source(%arg9 : memref<120x128xf32, #tpu.memory_space<vmem>>) target(%dma_start3A_27 : memref<120x128xf32, #tpu.memory_space<vmem_shared>>) target_semaphore(%run_scoped3A : memref<!tpu.dma_semaphore, #tpu.memory_space<semaphore_mem>>)
      %dma_wait3A = arith.constant 0 : i32
      %dma_wait3A_28 = tpu.memref_slice %arg6[%add3A_10, %dma_wait3A] : memref<10240x128xf32, #tpu.memory_space<vmem_shared>> -> memref<120x128xf32, #tpu.memory_space<vmem_shared>>
      %dma_wait3A_29 = arith.constant 0 : i32
      %dma_wait3A_30 = tpu.memref_slice %arg6[%add3A_10, %dma_wait3A_29] : memref<10240x128xf32, #tpu.memory_space<vmem_shared>> -> memref<120x128xf32, #tpu.memory_space<vmem_shared>>
      tpu.wait_dma2 semaphore(%run_scoped3A : memref<!tpu.dma_semaphore, #tpu.memory_space<semaphore_mem>>) src(%arg9 : memref<120x128xf32, #tpu.memory_space<vmem>>) dst(%dma_wait3A_30 : memref<120x128xf32, #tpu.memory_space<vmem_shared>>)
      tpu.yield
    }) : () -> ()
    %add3A_11 = arith.constant 240 : i32
    %add3A_12 = arith.addi %mul3A_6, %add3A_11 : i32
    "tpu.region"() ({
      %run_scoped3A = tpu.sem_alloc : memref<!tpu.dma_semaphore, #tpu.memory_space<semaphore_mem>>
      %dma_start3A = arith.constant 0 : i32
      %dma_start3A_25 = tpu.memref_slice %arg6[%add3A_12, %dma_start3A] : memref<10240x128xf32, #tpu.memory_space<vmem_shared>> -> memref<120x128xf32, #tpu.memory_space<vmem_shared>>
      %dma_start3A_26 = arith.constant 0 : i32
      %dma_start3A_27 = tpu.memref_slice %arg6[%add3A_12, %dma_start3A_26] : memref<10240x128xf32, #tpu.memory_space<vmem_shared>> -> memref<120x128xf32, #tpu.memory_space<vmem_shared>>
      tpu.enqueue_dma source(%arg9 : memref<120x128xf32, #tpu.memory_space<vmem>>) target(%dma_start3A_27 : memref<120x128xf32, #tpu.memory_space<vmem_shared>>) target_semaphore(%run_scoped3A : memref<!tpu.dma_semaphore, #tpu.memory_space<semaphore_mem>>)
      %dma_wait3A = arith.constant 0 : i32
      %dma_wait3A_28 = tpu.memref_slice %arg6[%add3A_12, %dma_wait3A] : memref<10240x128xf32, #tpu.memory_space<vmem_shared>> -> memref<120x128xf32, #tpu.memory_space<vmem_shared>>
      %dma_wait3A_29 = arith.constant 0 : i32
      %dma_wait3A_30 = tpu.memref_slice %arg6[%add3A_12, %dma_wait3A_29] : memref<10240x128xf32, #tpu.memory_space<vmem_shared>> -> memref<120x128xf32, #tpu.memory_space<vmem_shared>>
      tpu.wait_dma2 semaphore(%run_scoped3A : memref<!tpu.dma_semaphore, #tpu.memory_space<semaphore_mem>>) src(%arg9 : memref<120x128xf32, #tpu.memory_space<vmem>>) dst(%dma_wait3A_30 : memref<120x128xf32, #tpu.memory_space<vmem_shared>>)
      tpu.yield
    }) : () -> ()
    %add3A_13 = arith.constant 360 : i32
    %add3A_14 = arith.addi %mul3A_6, %add3A_13 : i32
    "tpu.region"() ({
      %run_scoped3A = tpu.sem_alloc : memref<!tpu.dma_semaphore, #tpu.memory_space<semaphore_mem>>
      %dma_start3A = arith.constant 0 : i32
      %dma_start3A_25 = tpu.memref_slice %arg6[%add3A_14, %dma_start3A] : memref<10240x128xf32, #tpu.memory_space<vmem_shared>> -> memref<120x128xf32, #tpu.memory_space<vmem_shared>>
      %dma_start3A_26 = arith.constant 0 : i32
      %dma_start3A_27 = tpu.memref_slice %arg6[%add3A_14, %dma_start3A_26] : memref<10240x128xf32, #tpu.memory_space<vmem_shared>> -> memref<120x128xf32, #tpu.memory_space<vmem_shared>>
      tpu.enqueue_dma source(%arg9 : memref<120x128xf32, #tpu.memory_space<vmem>>) target(%dma_start3A_27 : memref<120x128xf32, #tpu.memory_space<vmem_shared>>) target_semaphore(%run_scoped3A : memref<!tpu.dma_semaphore, #tpu.memory_space<semaphore_mem>>)
      %dma_wait3A = arith.constant 0 : i32
      %dma_wait3A_28 = tpu.memref_slice %arg6[%add3A_14, %dma_wait3A] : memref<10240x128xf32, #tpu.memory_space<vmem_shared>> -> memref<120x128xf32, #tpu.memory_space<vmem_shared>>
      %dma_wait3A_29 = arith.constant 0 : i32
      %dma_wait3A_30 = tpu.memref_slice %arg6[%add3A_14, %dma_wait3A_29] : memref<10240x128xf32, #tpu.memory_space<vmem_shared>> -> memref<120x128xf32, #tpu.memory_space<vmem_shared>>
      tpu.wait_dma2 semaphore(%run_scoped3A : memref<!tpu.dma_semaphore, #tpu.memory_space<semaphore_mem>>) src(%arg9 : memref<120x128xf32, #tpu.memory_space<vmem>>) dst(%dma_wait3A_30 : memref<120x128xf32, #tpu.memory_space<vmem_shared>>)
      tpu.yield
    }) : () -> ()
    %add3A_15 = arith.constant 480 : i32
    %add3A_16 = arith.addi %mul3A_6, %add3A_15 : i32
    "tpu.region"() ({
      %run_scoped3A = tpu.sem_alloc : memref<!tpu.dma_semaphore, #tpu.memory_space<semaphore_mem>>
      %dma_start3A = arith.constant 0 : i32
      %dma_start3A_25 = tpu.memref_slice %arg6[%add3A_16, %dma_start3A] : memref<10240x128xf32, #tpu.memory_space<vmem_shared>> -> memref<120x128xf32, #tpu.memory_space<vmem_shared>>
      %dma_start3A_26 = arith.constant 0 : i32
      %dma_start3A_27 = tpu.memref_slice %arg6[%add3A_16, %dma_start3A_26] : memref<10240x128xf32, #tpu.memory_space<vmem_shared>> -> memref<120x128xf32, #tpu.memory_space<vmem_shared>>
      tpu.enqueue_dma source(%arg9 : memref<120x128xf32, #tpu.memory_space<vmem>>) target(%dma_start3A_27 : memref<120x128xf32, #tpu.memory_space<vmem_shared>>) target_semaphore(%run_scoped3A : memref<!tpu.dma_semaphore, #tpu.memory_space<semaphore_mem>>)
      %dma_wait3A = arith.constant 0 : i32
      %dma_wait3A_28 = tpu.memref_slice %arg6[%add3A_16, %dma_wait3A] : memref<10240x128xf32, #tpu.memory_space<vmem_shared>> -> memref<120x128xf32, #tpu.memory_space<vmem_shared>>
      %dma_wait3A_29 = arith.constant 0 : i32
      %dma_wait3A_30 = tpu.memref_slice %arg6[%add3A_16, %dma_wait3A_29] : memref<10240x128xf32, #tpu.memory_space<vmem_shared>> -> memref<120x128xf32, #tpu.memory_space<vmem_shared>>
      tpu.wait_dma2 semaphore(%run_scoped3A : memref<!tpu.dma_semaphore, #tpu.memory_space<semaphore_mem>>) src(%arg9 : memref<120x128xf32, #tpu.memory_space<vmem>>) dst(%dma_wait3A_30 : memref<120x128xf32, #tpu.memory_space<vmem_shared>>)
      tpu.yield
    }) : () -> ()
    %add3A_17 = arith.constant 600 : i32
    %add3A_18 = arith.addi %mul3A_6, %add3A_17 : i32
    "tpu.region"() ({
      %run_scoped3A = tpu.sem_alloc : memref<!tpu.dma_semaphore, #tpu.memory_space<semaphore_mem>>
      %dma_start3A = arith.constant 0 : i32
      %dma_start3A_25 = arith.constant 0 : i32
      %dma_start3A_26 = tpu.memref_slice %arg9[%dma_start3A, %dma_start3A_25] : memref<120x128xf32, #tpu.memory_space<vmem>> -> memref<40x128xf32, #tpu.memory_space<vmem>>
      %dma_start3A_27 = arith.constant 0 : i32
      %dma_start3A_28 = tpu.memref_slice %arg6[%add3A_18, %dma_start3A_27] : memref<10240x128xf32, #tpu.memory_space<vmem_shared>> -> memref<40x128xf32, #tpu.memory_space<vmem_shared>>
      %dma_start3A_29 = arith.constant 0 : i32
      %dma_start3A_30 = tpu.memref_slice %arg6[%add3A_18, %dma_start3A_29] : memref<10240x128xf32, #tpu.memory_space<vmem_shared>> -> memref<40x128xf32, #tpu.memory_space<vmem_shared>>
      %dma_start3A_31 = arith.constant 0 : i32
      %dma_start3A_32 = arith.constant 0 : i32
      %dma_start3A_33 = tpu.memref_slice %arg9[%dma_start3A_31, %dma_start3A_32] : memref<120x128xf32, #tpu.memory_space<vmem>> -> memref<40x128xf32, #tpu.memory_space<vmem>>
      tpu.enqueue_dma source(%dma_start3A_33 : memref<40x128xf32, #tpu.memory_space<vmem>>) target(%dma_start3A_30 : memref<40x128xf32, #tpu.memory_space<vmem_shared>>) target_semaphore(%run_scoped3A : memref<!tpu.dma_semaphore, #tpu.memory_space<semaphore_mem>>)
      %dma_wait3A = arith.constant 0 : i32
      %dma_wait3A_34 = arith.constant 0 : i32
      %dma_wait3A_35 = tpu.memref_slice %arg9[%dma_wait3A, %dma_wait3A_34] : memref<120x128xf32, #tpu.memory_space<vmem>> -> memref<40x128xf32, #tpu.memory_space<vmem>>
      %dma_wait3A_36 = arith.constant 0 : i32
      %dma_wait3A_37 = tpu.memref_slice %arg6[%add3A_18, %dma_wait3A_36] : memref<10240x128xf32, #tpu.memory_space<vmem_shared>> -> memref<40x128xf32, #tpu.memory_space<vmem_shared>>
      %dma_wait3A_38 = arith.constant 0 : i32
      %dma_wait3A_39 = tpu.memref_slice %arg6[%add3A_18, %dma_wait3A_38] : memref<10240x128xf32, #tpu.memory_space<vmem_shared>> -> memref<40x128xf32, #tpu.memory_space<vmem_shared>>
      %dma_wait3A_40 = arith.constant 0 : i32
      %dma_wait3A_41 = arith.constant 0 : i32
      %dma_wait3A_42 = tpu.memref_slice %arg9[%dma_wait3A_40, %dma_wait3A_41] : memref<120x128xf32, #tpu.memory_space<vmem>> -> memref<40x128xf32, #tpu.memory_space<vmem>>
      tpu.wait_dma2 semaphore(%run_scoped3A : memref<!tpu.dma_semaphore, #tpu.memory_space<semaphore_mem>>) src(%dma_wait3A_42 : memref<40x128xf32, #tpu.memory_space<vmem>>) dst(%dma_wait3A_39 : memref<40x128xf32, #tpu.memory_space<vmem_shared>>)
      tpu.yield
    }) : () -> ()
    "tpu.region"() ({
      %run_scoped3A = tpu.sem_alloc : memref<!tpu.dma_semaphore, #tpu.memory_space<semaphore_mem>>
      %dma_start3A = arith.constant 0 : i32
      %dma_start3A_25 = arith.constant 0 : i32
      %dma_start3A_26 = tpu.memref_slice %arg3[%add3A, %dma_start3A, %dma_start3A_25] : memref<32x84x120xi32, #tpu.memory_space<hbm>> -> memref<1x84x120xi32, #tpu.memory_space<hbm>>
      %dma_start3A_27 = tpu.memref_squeeze %dma_start3A_26 : memref<1x84x120xi32, #tpu.memory_space<hbm>> -> memref<84x120xi32, #tpu.memory_space<hbm>>
      %dma_start3A_28 = arith.constant 0 : i32
      %dma_start3A_29 = arith.constant 0 : i32
      %dma_start3A_30 = tpu.memref_slice %arg3[%add3A, %dma_start3A_28, %dma_start3A_29] : memref<32x84x120xi32, #tpu.memory_space<hbm>> -> memref<1x84x120xi32, #tpu.memory_space<hbm>>
      %dma_start3A_31 = tpu.memref_squeeze %dma_start3A_30 : memref<1x84x120xi32, #tpu.memory_space<hbm>> -> memref<84x120xi32, #tpu.memory_space<hbm>>
      tpu.enqueue_dma source(%dma_start3A_31 : memref<84x120xi32, #tpu.memory_space<hbm>>) target(%arg7 : memref<84x120xi32, #tpu.memory_space<vmem>>) target_semaphore(%run_scoped3A : memref<!tpu.dma_semaphore, #tpu.memory_space<semaphore_mem>>)
      %dma_wait3A = arith.constant 0 : i32
      %dma_wait3A_32 = arith.constant 0 : i32
      %dma_wait3A_33 = tpu.memref_slice %arg3[%add3A, %dma_wait3A, %dma_wait3A_32] : memref<32x84x120xi32, #tpu.memory_space<hbm>> -> memref<1x84x120xi32, #tpu.memory_space<hbm>>
      %dma_wait3A_34 = tpu.memref_squeeze %dma_wait3A_33 : memref<1x84x120xi32, #tpu.memory_space<hbm>> -> memref<84x120xi32, #tpu.memory_space<hbm>>
      %dma_wait3A_35 = arith.constant 0 : i32
      %dma_wait3A_36 = arith.constant 0 : i32
      %dma_wait3A_37 = tpu.memref_slice %arg3[%add3A, %dma_wait3A_35, %dma_wait3A_36] : memref<32x84x120xi32, #tpu.memory_space<hbm>> -> memref<1x84x120xi32, #tpu.memory_space<hbm>>
      %dma_wait3A_38 = tpu.memref_squeeze %dma_wait3A_37 : memref<1x84x120xi32, #tpu.memory_space<hbm>> -> memref<84x120xi32, #tpu.memory_space<hbm>>
      tpu.wait_dma2 semaphore(%run_scoped3A : memref<!tpu.dma_semaphore, #tpu.memory_space<semaphore_mem>>) src(%dma_wait3A_38 : memref<84x120xi32, #tpu.memory_space<hbm>>) dst(%arg7 : memref<84x120xi32, #tpu.memory_space<vmem>>)
      tpu.yield
    }) : () -> ()
    "tpu.region"() ({
      %run_scoped3A = tpu.sem_alloc : memref<!tpu.dma_semaphore, #tpu.memory_space<semaphore_mem>>
      %dma_start3A = arith.constant 0 : i32
      %dma_start3A_25 = arith.constant 0 : i32
      %dma_start3A_26 = tpu.memref_slice %arg4[%add3A, %dma_start3A, %dma_start3A_25] : memref<32x84x120xi32, #tpu.memory_space<hbm>> -> memref<1x84x120xi32, #tpu.memory_space<hbm>>
      %dma_start3A_27 = tpu.memref_squeeze %dma_start3A_26 : memref<1x84x120xi32, #tpu.memory_space<hbm>> -> memref<84x120xi32, #tpu.memory_space<hbm>>
      %dma_start3A_28 = arith.constant 0 : i32
      %dma_start3A_29 = arith.constant 0 : i32
      %dma_start3A_30 = tpu.memref_slice %arg4[%add3A, %dma_start3A_28, %dma_start3A_29] : memref<32x84x120xi32, #tpu.memory_space<hbm>> -> memref<1x84x120xi32, #tpu.memory_space<hbm>>
      %dma_start3A_31 = tpu.memref_squeeze %dma_start3A_30 : memref<1x84x120xi32, #tpu.memory_space<hbm>> -> memref<84x120xi32, #tpu.memory_space<hbm>>
      tpu.enqueue_dma source(%dma_start3A_31 : memref<84x120xi32, #tpu.memory_space<hbm>>) target(%arg8 : memref<84x120xi32, #tpu.memory_space<vmem>>) target_semaphore(%run_scoped3A : memref<!tpu.dma_semaphore, #tpu.memory_space<semaphore_mem>>)
      %dma_wait3A = arith.constant 0 : i32
      %dma_wait3A_32 = arith.constant 0 : i32
      %dma_wait3A_33 = tpu.memref_slice %arg4[%add3A, %dma_wait3A, %dma_wait3A_32] : memref<32x84x120xi32, #tpu.memory_space<hbm>> -> memref<1x84x120xi32, #tpu.memory_space<hbm>>
      %dma_wait3A_34 = tpu.memref_squeeze %dma_wait3A_33 : memref<1x84x120xi32, #tpu.memory_space<hbm>> -> memref<84x120xi32, #tpu.memory_space<hbm>>
      %dma_wait3A_35 = arith.constant 0 : i32
      %dma_wait3A_36 = arith.constant 0 : i32
      %dma_wait3A_37 = tpu.memref_slice %arg4[%add3A, %dma_wait3A_35, %dma_wait3A_36] : memref<32x84x120xi32, #tpu.memory_space<hbm>> -> memref<1x84x120xi32, #tpu.memory_space<hbm>>
      %dma_wait3A_38 = tpu.memref_squeeze %dma_wait3A_37 : memref<1x84x120xi32, #tpu.memory_space<hbm>> -> memref<84x120xi32, #tpu.memory_space<hbm>>
      tpu.wait_dma2 semaphore(%run_scoped3A : memref<!tpu.dma_semaphore, #tpu.memory_space<semaphore_mem>>) src(%dma_wait3A_38 : memref<84x120xi32, #tpu.memory_space<hbm>>) dst(%arg8 : memref<84x120xi32, #tpu.memory_space<vmem>>)
      tpu.yield
    }) : () -> ()
    %barrier3A = arith.constant 0 : index
    tpu.barrier barrier_id(%barrier3A)
    %scan3A_19 = arith.constant 0 : i32
    %scan3A_20 = arith.constant 84 : i32
    %scan3A_21 = arith.addi %scan3A_19, %scan3A_20 : i32
    %scan3A_22 = arith.constant 1 : i32
    scf.for %scan3A_25 = %scan3A_19 to %scan3A_21 step %scan3A_22  : i32 {
      %dma_start3A = arith.constant 0 : i32
      %dma_start3A_26 = tpu.memref_slice %arg7[%scan3A_25, %dma_start3A] : memref<84x120xi32, #tpu.memory_space<vmem>> -> memref<1x120xi32, #tpu.memory_space<vmem>>
      %dma_start3A_27 = tpu.memref_squeeze %dma_start3A_26 : memref<1x120xi32, #tpu.memory_space<vmem>> -> memref<120xi32, #tpu.memory_space<vmem>>
      %dma_start3A_28 = arith.constant 0 : i32
      %dma_start3A_29 = arith.constant 0 : i32
      %dma_start3A_30 = tpu.memref_slice %arg2[%dma_start3A_28, %dma_start3A_29] : memref<10240x128xf32, #tpu.memory_space<hbm>> -> memref<10240x128xf32, #tpu.memory_space<hbm>>
      tpu.enqueue_indirect_dma source(%dma_start3A_30 : memref<10240x128xf32, #tpu.memory_space<hbm>>) target(%arg9 : memref<120x128xf32, #tpu.memory_space<vmem>>) offsets(%dma_start3A_27 : memref<120xi32, #tpu.memory_space<vmem>>) semaphore(%arg10 : memref<!tpu.dma_semaphore, #tpu.memory_space<semaphore_mem>>)
      %dma_wait3A = arith.constant 0 : i32
      %dma_wait3A_31 = tpu.memref_slice %arg7[%scan3A_25, %dma_wait3A] : memref<84x120xi32, #tpu.memory_space<vmem>> -> memref<1x120xi32, #tpu.memory_space<vmem>>
      %dma_wait3A_32 = tpu.memref_squeeze %dma_wait3A_31 : memref<1x120xi32, #tpu.memory_space<vmem>> -> memref<120xi32, #tpu.memory_space<vmem>>
      %dma_wait3A_33 = arith.constant 0 : i32
      %dma_wait3A_34 = arith.constant 0 : i32
      %dma_wait3A_35 = tpu.memref_slice %arg2[%dma_wait3A_33, %dma_wait3A_34] : memref<10240x128xf32, #tpu.memory_space<hbm>> -> memref<10240x128xf32, #tpu.memory_space<hbm>>
      tpu.wait_indirect_dma semaphore(%arg10 : memref<!tpu.dma_semaphore, #tpu.memory_space<semaphore_mem>>) src(%dma_wait3A_35 : memref<10240x128xf32, #tpu.memory_space<hbm>>) dst(%arg9 : memref<120x128xf32, #tpu.memory_space<vmem>>)
      "tpu.region"() ({
        %run_scoped3A = tpu.sem_alloc : memref<!tpu.dma_semaphore, #tpu.memory_space<semaphore_mem>>
        %dma_start3A_36 = arith.constant 0 : i32
        %dma_start3A_37 = tpu.memref_slice %arg8[%scan3A_25, %dma_start3A_36] : memref<84x120xi32, #tpu.memory_space<vmem>> -> memref<1x120xi32, #tpu.memory_space<vmem>>
        %dma_start3A_38 = tpu.memref_squeeze %dma_start3A_37 : memref<1x120xi32, #tpu.memory_space<vmem>> -> memref<120xi32, #tpu.memory_space<vmem>>
        %dma_start3A_39 = arith.constant 0 : i32
        %dma_start3A_40 = arith.constant 0 : i32
        %dma_start3A_41 = tpu.memref_slice %arg6[%dma_start3A_39, %dma_start3A_40] : memref<10240x128xf32, #tpu.memory_space<vmem_shared>> -> memref<10240x128xf32, #tpu.memory_space<vmem_shared>>
        tpu.enqueue_indirect_dma source(%arg9 : memref<120x128xf32, #tpu.memory_space<vmem>>) target(%dma_start3A_41 : memref<10240x128xf32, #tpu.memory_space<vmem_shared>>) offsets(%dma_start3A_38 : memref<120xi32, #tpu.memory_space<vmem>>) semaphore(%run_scoped3A : memref<!tpu.dma_semaphore, #tpu.memory_space<semaphore_mem>>) {add = true}
        %dma_wait3A_42 = arith.constant 0 : i32
        %dma_wait3A_43 = tpu.memref_slice %arg8[%scan3A_25, %dma_wait3A_42] : memref<84x120xi32, #tpu.memory_space<vmem>> -> memref<1x120xi32, #tpu.memory_space<vmem>>
        %dma_wait3A_44 = tpu.memref_squeeze %dma_wait3A_43 : memref<1x120xi32, #tpu.memory_space<vmem>> -> memref<120xi32, #tpu.memory_space<vmem>>
        %dma_wait3A_45 = arith.constant 0 : i32
        %dma_wait3A_46 = arith.constant 0 : i32
        %dma_wait3A_47 = tpu.memref_slice %arg6[%dma_wait3A_45, %dma_wait3A_46] : memref<10240x128xf32, #tpu.memory_space<vmem_shared>> -> memref<10240x128xf32, #tpu.memory_space<vmem_shared>>
        tpu.wait_indirect_dma semaphore(%run_scoped3A : memref<!tpu.dma_semaphore, #tpu.memory_space<semaphore_mem>>) src(%arg9 : memref<120x128xf32, #tpu.memory_space<vmem>>) dst(%dma_wait3A_47 : memref<10240x128xf32, #tpu.memory_space<vmem_shared>>)
        tpu.yield
      }) : () -> ()
    }
    %scan3A_23 = arith.constant 84 : i32
    %barrier3A_24 = arith.constant 0 : index
    tpu.barrier barrier_id(%barrier3A_24)
    "tpu.region"() ({
      %run_scoped3A = tpu.sem_alloc : memref<!tpu.dma_semaphore, #tpu.memory_space<semaphore_mem>>
      %dma_start3A = arith.constant 0 : i32
      %dma_start3A_25 = tpu.memref_slice %arg5[%arg0, %mul3A_6, %dma_start3A] : memref<2x10240x128xf32, #tpu.memory_space<hbm>> -> memref<1x640x128xf32, #tpu.memory_space<hbm>>
      %dma_start3A_26 = tpu.memref_squeeze %dma_start3A_25 : memref<1x640x128xf32, #tpu.memory_space<hbm>> -> memref<640x128xf32, #tpu.memory_space<hbm>>
      %dma_start3A_27 = arith.constant 0 : i32
      %dma_start3A_28 = tpu.memref_slice %arg6[%mul3A_6, %dma_start3A_27] : memref<10240x128xf32, #tpu.memory_space<vmem_shared>> -> memref<640x128xf32, #tpu.memory_space<vmem_shared>>
      tpu.enqueue_dma source(%dma_start3A_28 : memref<640x128xf32, #tpu.memory_space<vmem_shared>>) target(%dma_start3A_26 : memref<640x128xf32, #tpu.memory_space<hbm>>) target_semaphore(%run_scoped3A : memref<!tpu.dma_semaphore, #tpu.memory_space<semaphore_mem>>)
      %dma_wait3A = arith.constant 0 : i32
      %dma_wait3A_29 = tpu.memref_slice %arg5[%arg0, %mul3A_6, %dma_wait3A] : memref<2x10240x128xf32, #tpu.memory_space<hbm>> -> memref<1x640x128xf32, #tpu.memory_space<hbm>>
      %dma_wait3A_30 = tpu.memref_squeeze %dma_wait3A_29 : memref<1x640x128xf32, #tpu.memory_space<hbm>> -> memref<640x128xf32, #tpu.memory_space<hbm>>
      %dma_wait3A_31 = arith.constant 0 : i32
      %dma_wait3A_32 = tpu.memref_slice %arg6[%mul3A_6, %dma_wait3A_31] : memref<10240x128xf32, #tpu.memory_space<vmem_shared>> -> memref<640x128xf32, #tpu.memory_space<vmem_shared>>
      tpu.wait_dma2 semaphore(%run_scoped3A : memref<!tpu.dma_semaphore, #tpu.memory_space<semaphore_mem>>) src(%dma_wait3A_32 : memref<640x128xf32, #tpu.memory_space<vmem_shared>>) dst(%dma_wait3A_30 : memref<640x128xf32, #tpu.memory_space<hbm>>)
      tpu.yield
    }) : () -> ()
    return
  }
}

#map = affine_map<(d0, d1) -> (0, 0)>
#map1 = affine_map<(d0, d1) -> (0, 0, 0)>
module attributes {stable_mosaic.version = 14 : i64} {
  func.func @_sc_propagate(%arg0: i32, %arg1: i32, %arg2: memref<10240x128xf32, #tpu.memory_space<hbm>>, %arg3: memref<32x84x120xi32, #tpu.memory_space<hbm>>, %arg4: memref<32x84x120xi32, #tpu.memory_space<hbm>>, %arg5: memref<2x10240x128xf32, #tpu.memory_space<hbm>>, %arg6: memref<10240x128xf32, #tpu.memory_space<vmem_shared>>, %arg7: memref<84x120xi32, #tpu.memory_space<vmem>>, %arg8: memref<84x120xi32, #tpu.memory_space<vmem>>, %arg9: memref<120x128xf32, #tpu.memory_space<vmem>>, %arg10: memref<!tpu.dma_semaphore, #tpu.memory_space<semaphore_mem>>) attributes {dimension_semantics = [#tpu.dimension_semantics<core_parallel>, #tpu.dimension_semantics<subcore_parallel>], iteration_bounds = array<i64: 2, 16>, scalar_prefetch = 0 : i64, scratch_operands = 5 : i64, tpu.core_type = #tpu.core_type<sc_vector_subcore>, window_params = [{transform_indices = #map}, {transform_indices = #map1}, {transform_indices = #map1}, {transform_indices = #map1}]} {
    %mul3A = arith.constant 16 : i32
    %mul3A_0 = arith.muli %arg0, %mul3A : i32
    %add3A = arith.addi %mul3A_0, %arg1 : i32
    %scan3A = arith.constant 0 : i32
    %scan3A_1 = arith.constant 120 : i32
    %scan3A_2 = arith.addi %scan3A, %scan3A_1 : i32
    %scan3A_3 = arith.constant 1 : i32
    scf.for %scan3A_25 = %scan3A to %scan3A_2 step %scan3A_3  : i32 {
      %broadcast_in_dim3A = arith.constant 0.000000e+00 : f32
      %broadcast_in_dim3A_26 = vector.broadcast %broadcast_in_dim3A : f32 to vector<16xf32>
      %swap3A = arith.index_cast %scan3A_25 : i32 to index
      %swap3A_27 = arith.constant 0 : index
      %swap3A_28 = tpu.vector_load %arg9[%swap3A, %swap3A_27] {strides = array<i32>} : memref<120x128xf32, #tpu.memory_space<vmem>>, vector<1x16xf32>,
      %swap3A_29 = vector.shape_cast %swap3A_28 : vector<1x16xf32> to vector<16xf32>
      %swap3A_30 = vector.shape_cast %broadcast_in_dim3A_26 : vector<16xf32> to vector<1x16xf32>
      tpu.vector_store %arg9[%swap3A, %swap3A_27], %swap3A_30 {strides = array<i32>} : memref<120x128xf32, #tpu.memory_space<vmem>>, vector<1x16xf32>,
      %broadcast_in_dim3A_31 = arith.constant 0.000000e+00 : f32
      %broadcast_in_dim3A_32 = vector.broadcast %broadcast_in_dim3A_31 : f32 to vector<16xf32>
      %swap3A_33 = arith.index_cast %scan3A_25 : i32 to index
      %swap3A_34 = arith.constant 16 : index
      %swap3A_35 = tpu.vector_load %arg9[%swap3A_33, %swap3A_34] {strides = array<i32>} : memref<120x128xf32, #tpu.memory_space<vmem>>, vector<1x16xf32>,
      %swap3A_36 = vector.shape_cast %swap3A_35 : vector<1x16xf32> to vector<16xf32>
      %swap3A_37 = vector.shape_cast %broadcast_in_dim3A_32 : vector<16xf32> to vector<1x16xf32>
      tpu.vector_store %arg9[%swap3A_33, %swap3A_34], %swap3A_37 {strides = array<i32>} : memref<120x128xf32, #tpu.memory_space<vmem>>, vector<1x16xf32>,
      %broadcast_in_dim3A_38 = arith.constant 0.000000e+00 : f32
      %broadcast_in_dim3A_39 = vector.broadcast %broadcast_in_dim3A_38 : f32 to vector<16xf32>
      %swap3A_40 = arith.index_cast %scan3A_25 : i32 to index
      %swap3A_41 = arith.constant 32 : index
      %swap3A_42 = tpu.vector_load %arg9[%swap3A_40, %swap3A_41] {strides = array<i32>} : memref<120x128xf32, #tpu.memory_space<vmem>>, vector<1x16xf32>,
      %swap3A_43 = vector.shape_cast %swap3A_42 : vector<1x16xf32> to vector<16xf32>
      %swap3A_44 = vector.shape_cast %broadcast_in_dim3A_39 : vector<16xf32> to vector<1x16xf32>
      tpu.vector_store %arg9[%swap3A_40, %swap3A_41], %swap3A_44 {strides = array<i32>} : memref<120x128xf32, #tpu.memory_space<vmem>>, vector<1x16xf32>,
      %broadcast_in_dim3A_45 = arith.constant 0.000000e+00 : f32
      %broadcast_in_dim3A_46 = vector.broadcast %broadcast_in_dim3A_45 : f32 to vector<16xf32>
      %swap3A_47 = arith.index_cast %scan3A_25 : i32 to index
      %swap3A_48 = arith.constant 48 : index
      %swap3A_49 = tpu.vector_load %arg9[%swap3A_47, %swap3A_48] {strides = array<i32>} : memref<120x128xf32, #tpu.memory_space<vmem>>, vector<1x16xf32>,
      %swap3A_50 = vector.shape_cast %swap3A_49 : vector<1x16xf32> to vector<16xf32>
      %swap3A_51 = vector.shape_cast %broadcast_in_dim3A_46 : vector<16xf32> to vector<1x16xf32>
      tpu.vector_store %arg9[%swap3A_47, %swap3A_48], %swap3A_51 {strides = array<i32>} : memref<120x128xf32, #tpu.memory_space<vmem>>, vector<1x16xf32>,
      %broadcast_in_dim3A_52 = arith.constant 0.000000e+00 : f32
      %broadcast_in_dim3A_53 = vector.broadcast %broadcast_in_dim3A_52 : f32 to vector<16xf32>
      %swap3A_54 = arith.index_cast %scan3A_25 : i32 to index
      %swap3A_55 = arith.constant 64 : index
      %swap3A_56 = tpu.vector_load %arg9[%swap3A_54, %swap3A_55] {strides = array<i32>} : memref<120x128xf32, #tpu.memory_space<vmem>>, vector<1x16xf32>,
      %swap3A_57 = vector.shape_cast %swap3A_56 : vector<1x16xf32> to vector<16xf32>
      %swap3A_58 = vector.shape_cast %broadcast_in_dim3A_53 : vector<16xf32> to vector<1x16xf32>
      tpu.vector_store %arg9[%swap3A_54, %swap3A_55], %swap3A_58 {strides = array<i32>} : memref<120x128xf32, #tpu.memory_space<vmem>>, vector<1x16xf32>,
      %broadcast_in_dim3A_59 = arith.constant 0.000000e+00 : f32
      %broadcast_in_dim3A_60 = vector.broadcast %broadcast_in_dim3A_59 : f32 to vector<16xf32>
      %swap3A_61 = arith.index_cast %scan3A_25 : i32 to index
      %swap3A_62 = arith.constant 80 : index
      %swap3A_63 = tpu.vector_load %arg9[%swap3A_61, %swap3A_62] {strides = array<i32>} : memref<120x128xf32, #tpu.memory_space<vmem>>, vector<1x16xf32>,
      %swap3A_64 = vector.shape_cast %swap3A_63 : vector<1x16xf32> to vector<16xf32>
      %swap3A_65 = vector.shape_cast %broadcast_in_dim3A_60 : vector<16xf32> to vector<1x16xf32>
      tpu.vector_store %arg9[%swap3A_61, %swap3A_62], %swap3A_65 {strides = array<i32>} : memref<120x128xf32, #tpu.memory_space<vmem>>, vector<1x16xf32>,
      %broadcast_in_dim3A_66 = arith.constant 0.000000e+00 : f32
      %broadcast_in_dim3A_67 = vector.broadcast %broadcast_in_dim3A_66 : f32 to vector<16xf32>
      %swap3A_68 = arith.index_cast %scan3A_25 : i32 to index
      %swap3A_69 = arith.constant 96 : index
      %swap3A_70 = tpu.vector_load %arg9[%swap3A_68, %swap3A_69] {strides = array<i32>} : memref<120x128xf32, #tpu.memory_space<vmem>>, vector<1x16xf32>,
      %swap3A_71 = vector.shape_cast %swap3A_70 : vector<1x16xf32> to vector<16xf32>
      %swap3A_72 = vector.shape_cast %broadcast_in_dim3A_67 : vector<16xf32> to vector<1x16xf32>
      tpu.vector_store %arg9[%swap3A_68, %swap3A_69], %swap3A_72 {strides = array<i32>} : memref<120x128xf32, #tpu.memory_space<vmem>>, vector<1x16xf32>,
      %broadcast_in_dim3A_73 = arith.constant 0.000000e+00 : f32
      %broadcast_in_dim3A_74 = vector.broadcast %broadcast_in_dim3A_73 : f32 to vector<16xf32>
      %swap3A_75 = arith.index_cast %scan3A_25 : i32 to index
      %swap3A_76 = arith.constant 112 : index
      %swap3A_77 = tpu.vector_load %arg9[%swap3A_75, %swap3A_76] {strides = array<i32>} : memref<120x128xf32, #tpu.memory_space<vmem>>, vector<1x16xf32>,
      %swap3A_78 = vector.shape_cast %swap3A_77 : vector<1x16xf32> to vector<16xf32>
      %swap3A_79 = vector.shape_cast %broadcast_in_dim3A_74 : vector<16xf32> to vector<1x16xf32>
      tpu.vector_store %arg9[%swap3A_75, %swap3A_76], %swap3A_79 {strides = array<i32>} : memref<120x128xf32, #tpu.memory_space<vmem>>, vector<1x16xf32>,
    }
    %scan3A_4 = arith.constant 120 : i32
    %mul3A_5 = arith.constant 640 : i32
    %mul3A_6 = arith.muli %arg1, %mul3A_5 : i32
    %add3A_7 = arith.constant 0 : i32
    %add3A_8 = arith.addi %mul3A_6, %add3A_7 : i32
    "tpu.region"() ({
      %run_scoped3A = tpu.sem_alloc : memref<!tpu.dma_semaphore, #tpu.memory_space<semaphore_mem>>
      %dma_start3A = arith.constant 0 : i32
      %dma_start3A_25 = tpu.memref_slice %arg6[%add3A_8, %dma_start3A] : memref<10240x128xf32, #tpu.memory_space<vmem_shared>> -> memref<120x128xf32, #tpu.memory_space<vmem_shared>>
      %dma_start3A_26 = arith.constant 0 : i32
      %dma_start3A_27 = tpu.memref_slice %arg6[%add3A_8, %dma_start3A_26] : memref<10240x128xf32, #tpu.memory_space<vmem_shared>> -> memref<120x128xf32, #tpu.memory_space<vmem_shared>>
      tpu.enqueue_dma source(%arg9 : memref<120x128xf32, #tpu.memory_space<vmem>>) target(%dma_start3A_27 : memref<120x128xf32, #tpu.memory_space<vmem_shared>>) target_semaphore(%run_scoped3A : memref<!tpu.dma_semaphore, #tpu.memory_space<semaphore_mem>>)
      %dma_wait3A = arith.constant 0 : i32
      %dma_wait3A_28 = tpu.memref_slice %arg6[%add3A_8, %dma_wait3A] : memref<10240x128xf32, #tpu.memory_space<vmem_shared>> -> memref<120x128xf32, #tpu.memory_space<vmem_shared>>
      %dma_wait3A_29 = arith.constant 0 : i32
      %dma_wait3A_30 = tpu.memref_slice %arg6[%add3A_8, %dma_wait3A_29] : memref<10240x128xf32, #tpu.memory_space<vmem_shared>> -> memref<120x128xf32, #tpu.memory_space<vmem_shared>>
      tpu.wait_dma2 semaphore(%run_scoped3A : memref<!tpu.dma_semaphore, #tpu.memory_space<semaphore_mem>>) src(%arg9 : memref<120x128xf32, #tpu.memory_space<vmem>>) dst(%dma_wait3A_30 : memref<120x128xf32, #tpu.memory_space<vmem_shared>>)
      tpu.yield
    }) : () -> ()
    %add3A_9 = arith.constant 120 : i32
    %add3A_10 = arith.addi %mul3A_6, %add3A_9 : i32
    "tpu.region"() ({
      %run_scoped3A = tpu.sem_alloc : memref<!tpu.dma_semaphore, #tpu.memory_space<semaphore_mem>>
      %dma_start3A = arith.constant 0 : i32
      %dma_start3A_25 = tpu.memref_slice %arg6[%add3A_10, %dma_start3A] : memref<10240x128xf32, #tpu.memory_space<vmem_shared>> -> memref<120x128xf32, #tpu.memory_space<vmem_shared>>
      %dma_start3A_26 = arith.constant 0 : i32
      %dma_start3A_27 = tpu.memref_slice %arg6[%add3A_10, %dma_start3A_26] : memref<10240x128xf32, #tpu.memory_space<vmem_shared>> -> memref<120x128xf32, #tpu.memory_space<vmem_shared>>
      tpu.enqueue_dma source(%arg9 : memref<120x128xf32, #tpu.memory_space<vmem>>) target(%dma_start3A_27 : memref<120x128xf32, #tpu.memory_space<vmem_shared>>) target_semaphore(%run_scoped3A : memref<!tpu.dma_semaphore, #tpu.memory_space<semaphore_mem>>)
      %dma_wait3A = arith.constant 0 : i32
      %dma_wait3A_28 = tpu.memref_slice %arg6[%add3A_10, %dma_wait3A] : memref<10240x128xf32, #tpu.memory_space<vmem_shared>> -> memref<120x128xf32, #tpu.memory_space<vmem_shared>>
      %dma_wait3A_29 = arith.constant 0 : i32
      %dma_wait3A_30 = tpu.memref_slice %arg6[%add3A_10, %dma_wait3A_29] : memref<10240x128xf32, #tpu.memory_space<vmem_shared>> -> memref<120x128xf32, #tpu.memory_space<vmem_shared>>
      tpu.wait_dma2 semaphore(%run_scoped3A : memref<!tpu.dma_semaphore, #tpu.memory_space<semaphore_mem>>) src(%arg9 : memref<120x128xf32, #tpu.memory_space<vmem>>) dst(%dma_wait3A_30 : memref<120x128xf32, #tpu.memory_space<vmem_shared>>)
      tpu.yield
    }) : () -> ()
    %add3A_11 = arith.constant 240 : i32
    %add3A_12 = arith.addi %mul3A_6, %add3A_11 : i32
    "tpu.region"() ({
      %run_scoped3A = tpu.sem_alloc : memref<!tpu.dma_semaphore, #tpu.memory_space<semaphore_mem>>
      %dma_start3A = arith.constant 0 : i32
      %dma_start3A_25 = tpu.memref_slice %arg6[%add3A_12, %dma_start3A] : memref<10240x128xf32, #tpu.memory_space<vmem_shared>> -> memref<120x128xf32, #tpu.memory_space<vmem_shared>>
      %dma_start3A_26 = arith.constant 0 : i32
      %dma_start3A_27 = tpu.memref_slice %arg6[%add3A_12, %dma_start3A_26] : memref<10240x128xf32, #tpu.memory_space<vmem_shared>> -> memref<120x128xf32, #tpu.memory_space<vmem_shared>>
      tpu.enqueue_dma source(%arg9 : memref<120x128xf32, #tpu.memory_space<vmem>>) target(%dma_start3A_27 : memref<120x128xf32, #tpu.memory_space<vmem_shared>>) target_semaphore(%run_scoped3A : memref<!tpu.dma_semaphore, #tpu.memory_space<semaphore_mem>>)
      %dma_wait3A = arith.constant 0 : i32
      %dma_wait3A_28 = tpu.memref_slice %arg6[%add3A_12, %dma_wait3A] : memref<10240x128xf32, #tpu.memory_space<vmem_shared>> -> memref<120x128xf32, #tpu.memory_space<vmem_shared>>
      %dma_wait3A_29 = arith.constant 0 : i32
      %dma_wait3A_30 = tpu.memref_slice %arg6[%add3A_12, %dma_wait3A_29] : memref<10240x128xf32, #tpu.memory_space<vmem_shared>> -> memref<120x128xf32, #tpu.memory_space<vmem_shared>>
      tpu.wait_dma2 semaphore(%run_scoped3A : memref<!tpu.dma_semaphore, #tpu.memory_space<semaphore_mem>>) src(%arg9 : memref<120x128xf32, #tpu.memory_space<vmem>>) dst(%dma_wait3A_30 : memref<120x128xf32, #tpu.memory_space<vmem_shared>>)
      tpu.yield
    }) : () -> ()
    %add3A_13 = arith.constant 360 : i32
    %add3A_14 = arith.addi %mul3A_6, %add3A_13 : i32
    "tpu.region"() ({
      %run_scoped3A = tpu.sem_alloc : memref<!tpu.dma_semaphore, #tpu.memory_space<semaphore_mem>>
      %dma_start3A = arith.constant 0 : i32
      %dma_start3A_25 = tpu.memref_slice %arg6[%add3A_14, %dma_start3A] : memref<10240x128xf32, #tpu.memory_space<vmem_shared>> -> memref<120x128xf32, #tpu.memory_space<vmem_shared>>
      %dma_start3A_26 = arith.constant 0 : i32
      %dma_start3A_27 = tpu.memref_slice %arg6[%add3A_14, %dma_start3A_26] : memref<10240x128xf32, #tpu.memory_space<vmem_shared>> -> memref<120x128xf32, #tpu.memory_space<vmem_shared>>
      tpu.enqueue_dma source(%arg9 : memref<120x128xf32, #tpu.memory_space<vmem>>) target(%dma_start3A_27 : memref<120x128xf32, #tpu.memory_space<vmem_shared>>) target_semaphore(%run_scoped3A : memref<!tpu.dma_semaphore, #tpu.memory_space<semaphore_mem>>)
      %dma_wait3A = arith.constant 0 : i32
      %dma_wait3A_28 = tpu.memref_slice %arg6[%add3A_14, %dma_wait3A] : memref<10240x128xf32, #tpu.memory_space<vmem_shared>> -> memref<120x128xf32, #tpu.memory_space<vmem_shared>>
      %dma_wait3A_29 = arith.constant 0 : i32
      %dma_wait3A_30 = tpu.memref_slice %arg6[%add3A_14, %dma_wait3A_29] : memref<10240x128xf32, #tpu.memory_space<vmem_shared>> -> memref<120x128xf32, #tpu.memory_space<vmem_shared>>
      tpu.wait_dma2 semaphore(%run_scoped3A : memref<!tpu.dma_semaphore, #tpu.memory_space<semaphore_mem>>) src(%arg9 : memref<120x128xf32, #tpu.memory_space<vmem>>) dst(%dma_wait3A_30 : memref<120x128xf32, #tpu.memory_space<vmem_shared>>)
      tpu.yield
    }) : () -> ()
    %add3A_15 = arith.constant 480 : i32
    %add3A_16 = arith.addi %mul3A_6, %add3A_15 : i32
    "tpu.region"() ({
      %run_scoped3A = tpu.sem_alloc : memref<!tpu.dma_semaphore, #tpu.memory_space<semaphore_mem>>
      %dma_start3A = arith.constant 0 : i32
      %dma_start3A_25 = tpu.memref_slice %arg6[%add3A_16, %dma_start3A] : memref<10240x128xf32, #tpu.memory_space<vmem_shared>> -> memref<120x128xf32, #tpu.memory_space<vmem_shared>>
      %dma_start3A_26 = arith.constant 0 : i32
      %dma_start3A_27 = tpu.memref_slice %arg6[%add3A_16, %dma_start3A_26] : memref<10240x128xf32, #tpu.memory_space<vmem_shared>> -> memref<120x128xf32, #tpu.memory_space<vmem_shared>>
      tpu.enqueue_dma source(%arg9 : memref<120x128xf32, #tpu.memory_space<vmem>>) target(%dma_start3A_27 : memref<120x128xf32, #tpu.memory_space<vmem_shared>>) target_semaphore(%run_scoped3A : memref<!tpu.dma_semaphore, #tpu.memory_space<semaphore_mem>>)
      %dma_wait3A = arith.constant 0 : i32
      %dma_wait3A_28 = tpu.memref_slice %arg6[%add3A_16, %dma_wait3A] : memref<10240x128xf32, #tpu.memory_space<vmem_shared>> -> memref<120x128xf32, #tpu.memory_space<vmem_shared>>
      %dma_wait3A_29 = arith.constant 0 : i32
      %dma_wait3A_30 = tpu.memref_slice %arg6[%add3A_16, %dma_wait3A_29] : memref<10240x128xf32, #tpu.memory_space<vmem_shared>> -> memref<120x128xf32, #tpu.memory_space<vmem_shared>>
      tpu.wait_dma2 semaphore(%run_scoped3A : memref<!tpu.dma_semaphore, #tpu.memory_space<semaphore_mem>>) src(%arg9 : memref<120x128xf32, #tpu.memory_space<vmem>>) dst(%dma_wait3A_30 : memref<120x128xf32, #tpu.memory_space<vmem_shared>>)
      tpu.yield
    }) : () -> ()
    %add3A_17 = arith.constant 600 : i32
    %add3A_18 = arith.addi %mul3A_6, %add3A_17 : i32
    "tpu.region"() ({
      %run_scoped3A = tpu.sem_alloc : memref<!tpu.dma_semaphore, #tpu.memory_space<semaphore_mem>>
      %dma_start3A = arith.constant 0 : i32
      %dma_start3A_25 = arith.constant 0 : i32
      %dma_start3A_26 = tpu.memref_slice %arg9[%dma_start3A, %dma_start3A_25] : memref<120x128xf32, #tpu.memory_space<vmem>> -> memref<40x128xf32, #tpu.memory_space<vmem>>
      %dma_start3A_27 = arith.constant 0 : i32
      %dma_start3A_28 = tpu.memref_slice %arg6[%add3A_18, %dma_start3A_27] : memref<10240x128xf32, #tpu.memory_space<vmem_shared>> -> memref<40x128xf32, #tpu.memory_space<vmem_shared>>
      %dma_start3A_29 = arith.constant 0 : i32
      %dma_start3A_30 = tpu.memref_slice %arg6[%add3A_18, %dma_start3A_29] : memref<10240x128xf32, #tpu.memory_space<vmem_shared>> -> memref<40x128xf32, #tpu.memory_space<vmem_shared>>
      %dma_start3A_31 = arith.constant 0 : i32
      %dma_start3A_32 = arith.constant 0 : i32
      %dma_start3A_33 = tpu.memref_slice %arg9[%dma_start3A_31, %dma_start3A_32] : memref<120x128xf32, #tpu.memory_space<vmem>> -> memref<40x128xf32, #tpu.memory_space<vmem>>
      tpu.enqueue_dma source(%dma_start3A_33 : memref<40x128xf32, #tpu.memory_space<vmem>>) target(%dma_start3A_30 : memref<40x128xf32, #tpu.memory_space<vmem_shared>>) target_semaphore(%run_scoped3A : memref<!tpu.dma_semaphore, #tpu.memory_space<semaphore_mem>>)
      %dma_wait3A = arith.constant 0 : i32
      %dma_wait3A_34 = arith.constant 0 : i32
      %dma_wait3A_35 = tpu.memref_slice %arg9[%dma_wait3A, %dma_wait3A_34] : memref<120x128xf32, #tpu.memory_space<vmem>> -> memref<40x128xf32, #tpu.memory_space<vmem>>
      %dma_wait3A_36 = arith.constant 0 : i32
      %dma_wait3A_37 = tpu.memref_slice %arg6[%add3A_18, %dma_wait3A_36] : memref<10240x128xf32, #tpu.memory_space<vmem_shared>> -> memref<40x128xf32, #tpu.memory_space<vmem_shared>>
      %dma_wait3A_38 = arith.constant 0 : i32
      %dma_wait3A_39 = tpu.memref_slice %arg6[%add3A_18, %dma_wait3A_38] : memref<10240x128xf32, #tpu.memory_space<vmem_shared>> -> memref<40x128xf32, #tpu.memory_space<vmem_shared>>
      %dma_wait3A_40 = arith.constant 0 : i32
      %dma_wait3A_41 = arith.constant 0 : i32
      %dma_wait3A_42 = tpu.memref_slice %arg9[%dma_wait3A_40, %dma_wait3A_41] : memref<120x128xf32, #tpu.memory_space<vmem>> -> memref<40x128xf32, #tpu.memory_space<vmem>>
      tpu.wait_dma2 semaphore(%run_scoped3A : memref<!tpu.dma_semaphore, #tpu.memory_space<semaphore_mem>>) src(%dma_wait3A_42 : memref<40x128xf32, #tpu.memory_space<vmem>>) dst(%dma_wait3A_39 : memref<40x128xf32, #tpu.memory_space<vmem_shared>>)
      tpu.yield
    }) : () -> ()
    "tpu.region"() ({
      %run_scoped3A = tpu.sem_alloc : memref<!tpu.dma_semaphore, #tpu.memory_space<semaphore_mem>>
      %dma_start3A = arith.constant 0 : i32
      %dma_start3A_25 = arith.constant 0 : i32
      %dma_start3A_26 = tpu.memref_slice %arg3[%add3A, %dma_start3A, %dma_start3A_25] : memref<32x84x120xi32, #tpu.memory_space<hbm>> -> memref<1x84x120xi32, #tpu.memory_space<hbm>>
      %dma_start3A_27 = tpu.memref_squeeze %dma_start3A_26 : memref<1x84x120xi32, #tpu.memory_space<hbm>> -> memref<84x120xi32, #tpu.memory_space<hbm>>
      %dma_start3A_28 = arith.constant 0 : i32
      %dma_start3A_29 = arith.constant 0 : i32
      %dma_start3A_30 = tpu.memref_slice %arg3[%add3A, %dma_start3A_28, %dma_start3A_29] : memref<32x84x120xi32, #tpu.memory_space<hbm>> -> memref<1x84x120xi32, #tpu.memory_space<hbm>>
      %dma_start3A_31 = tpu.memref_squeeze %dma_start3A_30 : memref<1x84x120xi32, #tpu.memory_space<hbm>> -> memref<84x120xi32, #tpu.memory_space<hbm>>
      tpu.enqueue_dma source(%dma_start3A_31 : memref<84x120xi32, #tpu.memory_space<hbm>>) target(%arg7 : memref<84x120xi32, #tpu.memory_space<vmem>>) target_semaphore(%run_scoped3A : memref<!tpu.dma_semaphore, #tpu.memory_space<semaphore_mem>>)
      %dma_wait3A = arith.constant 0 : i32
      %dma_wait3A_32 = arith.constant 0 : i32
      %dma_wait3A_33 = tpu.memref_slice %arg3[%add3A, %dma_wait3A, %dma_wait3A_32] : memref<32x84x120xi32, #tpu.memory_space<hbm>> -> memref<1x84x120xi32, #tpu.memory_space<hbm>>
      %dma_wait3A_34 = tpu.memref_squeeze %dma_wait3A_33 : memref<1x84x120xi32, #tpu.memory_space<hbm>> -> memref<84x120xi32, #tpu.memory_space<hbm>>
      %dma_wait3A_35 = arith.constant 0 : i32
      %dma_wait3A_36 = arith.constant 0 : i32
      %dma_wait3A_37 = tpu.memref_slice %arg3[%add3A, %dma_wait3A_35, %dma_wait3A_36] : memref<32x84x120xi32, #tpu.memory_space<hbm>> -> memref<1x84x120xi32, #tpu.memory_space<hbm>>
      %dma_wait3A_38 = tpu.memref_squeeze %dma_wait3A_37 : memref<1x84x120xi32, #tpu.memory_space<hbm>> -> memref<84x120xi32, #tpu.memory_space<hbm>>
      tpu.wait_dma2 semaphore(%run_scoped3A : memref<!tpu.dma_semaphore, #tpu.memory_space<semaphore_mem>>) src(%dma_wait3A_38 : memref<84x120xi32, #tpu.memory_space<hbm>>) dst(%arg7 : memref<84x120xi32, #tpu.memory_space<vmem>>)
      tpu.yield
    }) : () -> ()
    "tpu.region"() ({
      %run_scoped3A = tpu.sem_alloc : memref<!tpu.dma_semaphore, #tpu.memory_space<semaphore_mem>>
      %dma_start3A = arith.constant 0 : i32
      %dma_start3A_25 = arith.constant 0 : i32
      %dma_start3A_26 = tpu.memref_slice %arg4[%add3A, %dma_start3A, %dma_start3A_25] : memref<32x84x120xi32, #tpu.memory_space<hbm>> -> memref<1x84x120xi32, #tpu.memory_space<hbm>>
      %dma_start3A_27 = tpu.memref_squeeze %dma_start3A_26 : memref<1x84x120xi32, #tpu.memory_space<hbm>> -> memref<84x120xi32, #tpu.memory_space<hbm>>
      %dma_start3A_28 = arith.constant 0 : i32
      %dma_start3A_29 = arith.constant 0 : i32
      %dma_start3A_30 = tpu.memref_slice %arg4[%add3A, %dma_start3A_28, %dma_start3A_29] : memref<32x84x120xi32, #tpu.memory_space<hbm>> -> memref<1x84x120xi32, #tpu.memory_space<hbm>>
      %dma_start3A_31 = tpu.memref_squeeze %dma_start3A_30 : memref<1x84x120xi32, #tpu.memory_space<hbm>> -> memref<84x120xi32, #tpu.memory_space<hbm>>
      tpu.enqueue_dma source(%dma_start3A_31 : memref<84x120xi32, #tpu.memory_space<hbm>>) target(%arg8 : memref<84x120xi32, #tpu.memory_space<vmem>>) target_semaphore(%run_scoped3A : memref<!tpu.dma_semaphore, #tpu.memory_space<semaphore_mem>>)
      %dma_wait3A = arith.constant 0 : i32
      %dma_wait3A_32 = arith.constant 0 : i32
      %dma_wait3A_33 = tpu.memref_slice %arg4[%add3A, %dma_wait3A, %dma_wait3A_32] : memref<32x84x120xi32, #tpu.memory_space<hbm>> -> memref<1x84x120xi32, #tpu.memory_space<hbm>>
      %dma_wait3A_34 = tpu.memref_squeeze %dma_wait3A_33 : memref<1x84x120xi32, #tpu.memory_space<hbm>> -> memref<84x120xi32, #tpu.memory_space<hbm>>
      %dma_wait3A_35 = arith.constant 0 : i32
      %dma_wait3A_36 = arith.constant 0 : i32
      %dma_wait3A_37 = tpu.memref_slice %arg4[%add3A, %dma_wait3A_35, %dma_wait3A_36] : memref<32x84x120xi32, #tpu.memory_space<hbm>> -> memref<1x84x120xi32, #tpu.memory_space<hbm>>
      %dma_wait3A_38 = tpu.memref_squeeze %dma_wait3A_37 : memref<1x84x120xi32, #tpu.memory_space<hbm>> -> memref<84x120xi32, #tpu.memory_space<hbm>>
      tpu.wait_dma2 semaphore(%run_scoped3A : memref<!tpu.dma_semaphore, #tpu.memory_space<semaphore_mem>>) src(%dma_wait3A_38 : memref<84x120xi32, #tpu.memory_space<hbm>>) dst(%arg8 : memref<84x120xi32, #tpu.memory_space<vmem>>)
      tpu.yield
    }) : () -> ()
    %barrier3A = arith.constant 0 : index
    tpu.barrier barrier_id(%barrier3A)
    %scan3A_19 = arith.constant 0 : i32
    %scan3A_20 = arith.constant 84 : i32
    %scan3A_21 = arith.addi %scan3A_19, %scan3A_20 : i32
    %scan3A_22 = arith.constant 1 : i32
    scf.for %scan3A_25 = %scan3A_19 to %scan3A_21 step %scan3A_22  : i32 {
      %dma_start3A = arith.constant 0 : i32
      %dma_start3A_26 = tpu.memref_slice %arg7[%scan3A_25, %dma_start3A] : memref<84x120xi32, #tpu.memory_space<vmem>> -> memref<1x120xi32, #tpu.memory_space<vmem>>
      %dma_start3A_27 = tpu.memref_squeeze %dma_start3A_26 : memref<1x120xi32, #tpu.memory_space<vmem>> -> memref<120xi32, #tpu.memory_space<vmem>>
      %dma_start3A_28 = arith.constant 0 : i32
      %dma_start3A_29 = arith.constant 0 : i32
      %dma_start3A_30 = tpu.memref_slice %arg2[%dma_start3A_28, %dma_start3A_29] : memref<10240x128xf32, #tpu.memory_space<hbm>> -> memref<10240x128xf32, #tpu.memory_space<hbm>>
      tpu.enqueue_indirect_dma source(%dma_start3A_30 : memref<10240x128xf32, #tpu.memory_space<hbm>>) target(%arg9 : memref<120x128xf32, #tpu.memory_space<vmem>>) offsets(%dma_start3A_27 : memref<120xi32, #tpu.memory_space<vmem>>) semaphore(%arg10 : memref<!tpu.dma_semaphore, #tpu.memory_space<semaphore_mem>>)
      %dma_wait3A = arith.constant 0 : i32
      %dma_wait3A_31 = tpu.memref_slice %arg7[%scan3A_25, %dma_wait3A] : memref<84x120xi32, #tpu.memory_space<vmem>> -> memref<1x120xi32, #tpu.memory_space<vmem>>
      %dma_wait3A_32 = tpu.memref_squeeze %dma_wait3A_31 : memref<1x120xi32, #tpu.memory_space<vmem>> -> memref<120xi32, #tpu.memory_space<vmem>>
      %dma_wait3A_33 = arith.constant 0 : i32
      %dma_wait3A_34 = arith.constant 0 : i32
      %dma_wait3A_35 = tpu.memref_slice %arg2[%dma_wait3A_33, %dma_wait3A_34] : memref<10240x128xf32, #tpu.memory_space<hbm>> -> memref<10240x128xf32, #tpu.memory_space<hbm>>
      tpu.wait_indirect_dma semaphore(%arg10 : memref<!tpu.dma_semaphore, #tpu.memory_space<semaphore_mem>>) src(%dma_wait3A_35 : memref<10240x128xf32, #tpu.memory_space<hbm>>) dst(%arg9 : memref<120x128xf32, #tpu.memory_space<vmem>>)
      "tpu.region"() ({
        %run_scoped3A = tpu.sem_alloc : memref<!tpu.dma_semaphore, #tpu.memory_space<semaphore_mem>>
        %dma_start3A_36 = arith.constant 0 : i32
        %dma_start3A_37 = tpu.memref_slice %arg8[%scan3A_25, %dma_start3A_36] : memref<84x120xi32, #tpu.memory_space<vmem>> -> memref<1x120xi32, #tpu.memory_space<vmem>>
        %dma_start3A_38 = tpu.memref_squeeze %dma_start3A_37 : memref<1x120xi32, #tpu.memory_space<vmem>> -> memref<120xi32, #tpu.memory_space<vmem>>
        %dma_start3A_39 = arith.constant 0 : i32
        %dma_start3A_40 = arith.constant 0 : i32
        %dma_start3A_41 = tpu.memref_slice %arg6[%dma_start3A_39, %dma_start3A_40] : memref<10240x128xf32, #tpu.memory_space<vmem_shared>> -> memref<10240x128xf32, #tpu.memory_space<vmem_shared>>
        tpu.enqueue_indirect_dma source(%arg9 : memref<120x128xf32, #tpu.memory_space<vmem>>) target(%dma_start3A_41 : memref<10240x128xf32, #tpu.memory_space<vmem_shared>>) offsets(%dma_start3A_38 : memref<120xi32, #tpu.memory_space<vmem>>) semaphore(%run_scoped3A : memref<!tpu.dma_semaphore, #tpu.memory_space<semaphore_mem>>) {add = true}
        %dma_wait3A_42 = arith.constant 0 : i32
        %dma_wait3A_43 = tpu.memref_slice %arg8[%scan3A_25, %dma_wait3A_42] : memref<84x120xi32, #tpu.memory_space<vmem>> -> memref<1x120xi32, #tpu.memory_space<vmem>>
        %dma_wait3A_44 = tpu.memref_squeeze %dma_wait3A_43 : memref<1x120xi32, #tpu.memory_space<vmem>> -> memref<120xi32, #tpu.memory_space<vmem>>
        %dma_wait3A_45 = arith.constant 0 : i32
        %dma_wait3A_46 = arith.constant 0 : i32
        %dma_wait3A_47 = tpu.memref_slice %arg6[%dma_wait3A_45, %dma_wait3A_46] : memref<10240x128xf32, #tpu.memory_space<vmem_shared>> -> memref<10240x128xf32, #tpu.memory_space<vmem_shared>>
        tpu.wait_indirect_dma semaphore(%run_scoped3A : memref<!tpu.dma_semaphore, #tpu.memory_space<semaphore_mem>>) src(%arg9 : memref<120x128xf32, #tpu.memory_space<vmem>>) dst(%dma_wait3A_47 : memref<10240x128xf32, #tpu.memory_space<vmem_shared>>)
        tpu.yield
      }) : () -> ()
    }
    %scan3A_23 = arith.constant 84 : i32
    %barrier3A_24 = arith.constant 0 : index
    tpu.barrier barrier_id(%barrier3A_24)
    "tpu.region"() ({
      %run_scoped3A = tpu.sem_alloc : memref<!tpu.dma_semaphore, #tpu.memory_space<semaphore_mem>>
      %dma_start3A = arith.constant 0 : i32
      %dma_start3A_25 = tpu.memref_slice %arg5[%arg0, %mul3A_6, %dma_start3A] : memref<2x10240x128xf32, #tpu.memory_space<hbm>> -> memref<1x640x128xf32, #tpu.memory_space<hbm>>
      %dma_start3A_26 = tpu.memref_squeeze %dma_start3A_25 : memref<1x640x128xf32, #tpu.memory_space<hbm>> -> memref<640x128xf32, #tpu.memory_space<hbm>>
      %dma_start3A_27 = arith.constant 0 : i32
      %dma_start3A_28 = tpu.memref_slice %arg6[%mul3A_6, %dma_start3A_27] : memref<10240x128xf32, #tpu.memory_space<vmem_shared>> -> memref<640x128xf32, #tpu.memory_space<vmem_shared>>
      tpu.enqueue_dma source(%dma_start3A_28 : memref<640x128xf32, #tpu.memory_space<vmem_shared>>) target(%dma_start3A_26 : memref<640x128xf32, #tpu.memory_space<hbm>>) target_semaphore(%run_scoped3A : memref<!tpu.dma_semaphore, #tpu.memory_space<semaphore_mem>>)
      %dma_wait3A = arith.constant 0 : i32
      %dma_wait3A_29 = tpu.memref_slice %arg5[%arg0, %mul3A_6, %dma_wait3A] : memref<2x10240x128xf32, #tpu.memory_space<hbm>> -> memref<1x640x128xf32, #tpu.memory_space<hbm>>
      %dma_wait3A_30 = tpu.memref_squeeze %dma_wait3A_29 : memref<1x640x128xf32, #tpu.memory_space<hbm>> -> memref<640x128xf32, #tpu.memory_space<hbm>>
      %dma_wait3A_31 = arith.constant 0 : i32
      %dma_wait3A_32 = tpu.memref_slice %arg6[%mul3A_6, %dma_wait3A_31] : memref<10240x128xf32, #tpu.memory_space<vmem_shared>> -> memref<640x128xf32, #tpu.memory_space<vmem_shared>>
      tpu.wait_dma2 semaphore(%run_scoped3A : memref<!tpu.dma_semaphore, #tpu.memory_space<semaphore_mem>>) src(%dma_wait3A_32 : memref<640x128xf32, #tpu.memory_space<vmem_shared>>) dst(%dma_wait3A_30 : memref<640x128xf32, #tpu.memory_space<hbm>>)
      tpu.yield
    }) : () -> ()
    return
  }
}

#map = affine_map<(d0, d1) -> (0, 0)>
#map1 = affine_map<(d0, d1) -> (0, 0, 0)>
module attributes {stable_mosaic.version = 14 : i64} {
  func.func @_sc_propagate(%arg0: i32, %arg1: i32, %arg2: memref<10240x128xf32, #tpu.memory_space<hbm>>, %arg3: memref<32x84x120xi32, #tpu.memory_space<hbm>>, %arg4: memref<32x84x120xi32, #tpu.memory_space<hbm>>, %arg5: memref<2x10240x128xf32, #tpu.memory_space<hbm>>, %arg6: memref<10240x128xf32, #tpu.memory_space<vmem_shared>>, %arg7: memref<84x120xi32, #tpu.memory_space<vmem>>, %arg8: memref<84x120xi32, #tpu.memory_space<vmem>>, %arg9: memref<120x128xf32, #tpu.memory_space<vmem>>, %arg10: memref<!tpu.dma_semaphore, #tpu.memory_space<semaphore_mem>>) attributes {dimension_semantics = [#tpu.dimension_semantics<core_parallel>, #tpu.dimension_semantics<subcore_parallel>], iteration_bounds = array<i64: 2, 16>, scalar_prefetch = 0 : i64, scratch_operands = 5 : i64, tpu.core_type = #tpu.core_type<sc_vector_subcore>, window_params = [{transform_indices = #map}, {transform_indices = #map1}, {transform_indices = #map1}, {transform_indices = #map1}]} {
    %mul3A = arith.constant 16 : i32
    %mul3A_0 = arith.muli %arg0, %mul3A : i32
    %add3A = arith.addi %mul3A_0, %arg1 : i32
    %scan3A = arith.constant 0 : i32
    %scan3A_1 = arith.constant 120 : i32
    %scan3A_2 = arith.addi %scan3A, %scan3A_1 : i32
    %scan3A_3 = arith.constant 1 : i32
    scf.for %scan3A_25 = %scan3A to %scan3A_2 step %scan3A_3  : i32 {
      %broadcast_in_dim3A = arith.constant 0.000000e+00 : f32
      %broadcast_in_dim3A_26 = vector.broadcast %broadcast_in_dim3A : f32 to vector<16xf32>
      %swap3A = arith.index_cast %scan3A_25 : i32 to index
      %swap3A_27 = arith.constant 0 : index
      %swap3A_28 = tpu.vector_load %arg9[%swap3A, %swap3A_27] {strides = array<i32>} : memref<120x128xf32, #tpu.memory_space<vmem>>, vector<1x16xf32>,
      %swap3A_29 = vector.shape_cast %swap3A_28 : vector<1x16xf32> to vector<16xf32>
      %swap3A_30 = vector.shape_cast %broadcast_in_dim3A_26 : vector<16xf32> to vector<1x16xf32>
      tpu.vector_store %arg9[%swap3A, %swap3A_27], %swap3A_30 {strides = array<i32>} : memref<120x128xf32, #tpu.memory_space<vmem>>, vector<1x16xf32>,
      %broadcast_in_dim3A_31 = arith.constant 0.000000e+00 : f32
      %broadcast_in_dim3A_32 = vector.broadcast %broadcast_in_dim3A_31 : f32 to vector<16xf32>
      %swap3A_33 = arith.index_cast %scan3A_25 : i32 to index
      %swap3A_34 = arith.constant 16 : index
      %swap3A_35 = tpu.vector_load %arg9[%swap3A_33, %swap3A_34] {strides = array<i32>} : memref<120x128xf32, #tpu.memory_space<vmem>>, vector<1x16xf32>,
      %swap3A_36 = vector.shape_cast %swap3A_35 : vector<1x16xf32> to vector<16xf32>
      %swap3A_37 = vector.shape_cast %broadcast_in_dim3A_32 : vector<16xf32> to vector<1x16xf32>
      tpu.vector_store %arg9[%swap3A_33, %swap3A_34], %swap3A_37 {strides = array<i32>} : memref<120x128xf32, #tpu.memory_space<vmem>>, vector<1x16xf32>,
      %broadcast_in_dim3A_38 = arith.constant 0.000000e+00 : f32
      %broadcast_in_dim3A_39 = vector.broadcast %broadcast_in_dim3A_38 : f32 to vector<16xf32>
      %swap3A_40 = arith.index_cast %scan3A_25 : i32 to index
      %swap3A_41 = arith.constant 32 : index
      %swap3A_42 = tpu.vector_load %arg9[%swap3A_40, %swap3A_41] {strides = array<i32>} : memref<120x128xf32, #tpu.memory_space<vmem>>, vector<1x16xf32>,
      %swap3A_43 = vector.shape_cast %swap3A_42 : vector<1x16xf32> to vector<16xf32>
      %swap3A_44 = vector.shape_cast %broadcast_in_dim3A_39 : vector<16xf32> to vector<1x16xf32>
      tpu.vector_store %arg9[%swap3A_40, %swap3A_41], %swap3A_44 {strides = array<i32>} : memref<120x128xf32, #tpu.memory_space<vmem>>, vector<1x16xf32>,
      %broadcast_in_dim3A_45 = arith.constant 0.000000e+00 : f32
      %broadcast_in_dim3A_46 = vector.broadcast %broadcast_in_dim3A_45 : f32 to vector<16xf32>
      %swap3A_47 = arith.index_cast %scan3A_25 : i32 to index
      %swap3A_48 = arith.constant 48 : index
      %swap3A_49 = tpu.vector_load %arg9[%swap3A_47, %swap3A_48] {strides = array<i32>} : memref<120x128xf32, #tpu.memory_space<vmem>>, vector<1x16xf32>,
      %swap3A_50 = vector.shape_cast %swap3A_49 : vector<1x16xf32> to vector<16xf32>
      %swap3A_51 = vector.shape_cast %broadcast_in_dim3A_46 : vector<16xf32> to vector<1x16xf32>
      tpu.vector_store %arg9[%swap3A_47, %swap3A_48], %swap3A_51 {strides = array<i32>} : memref<120x128xf32, #tpu.memory_space<vmem>>, vector<1x16xf32>,
      %broadcast_in_dim3A_52 = arith.constant 0.000000e+00 : f32
      %broadcast_in_dim3A_53 = vector.broadcast %broadcast_in_dim3A_52 : f32 to vector<16xf32>
      %swap3A_54 = arith.index_cast %scan3A_25 : i32 to index
      %swap3A_55 = arith.constant 64 : index
      %swap3A_56 = tpu.vector_load %arg9[%swap3A_54, %swap3A_55] {strides = array<i32>} : memref<120x128xf32, #tpu.memory_space<vmem>>, vector<1x16xf32>,
      %swap3A_57 = vector.shape_cast %swap3A_56 : vector<1x16xf32> to vector<16xf32>
      %swap3A_58 = vector.shape_cast %broadcast_in_dim3A_53 : vector<16xf32> to vector<1x16xf32>
      tpu.vector_store %arg9[%swap3A_54, %swap3A_55], %swap3A_58 {strides = array<i32>} : memref<120x128xf32, #tpu.memory_space<vmem>>, vector<1x16xf32>,
      %broadcast_in_dim3A_59 = arith.constant 0.000000e+00 : f32
      %broadcast_in_dim3A_60 = vector.broadcast %broadcast_in_dim3A_59 : f32 to vector<16xf32>
      %swap3A_61 = arith.index_cast %scan3A_25 : i32 to index
      %swap3A_62 = arith.constant 80 : index
      %swap3A_63 = tpu.vector_load %arg9[%swap3A_61, %swap3A_62] {strides = array<i32>} : memref<120x128xf32, #tpu.memory_space<vmem>>, vector<1x16xf32>,
      %swap3A_64 = vector.shape_cast %swap3A_63 : vector<1x16xf32> to vector<16xf32>
      %swap3A_65 = vector.shape_cast %broadcast_in_dim3A_60 : vector<16xf32> to vector<1x16xf32>
      tpu.vector_store %arg9[%swap3A_61, %swap3A_62], %swap3A_65 {strides = array<i32>} : memref<120x128xf32, #tpu.memory_space<vmem>>, vector<1x16xf32>,
      %broadcast_in_dim3A_66 = arith.constant 0.000000e+00 : f32
      %broadcast_in_dim3A_67 = vector.broadcast %broadcast_in_dim3A_66 : f32 to vector<16xf32>
      %swap3A_68 = arith.index_cast %scan3A_25 : i32 to index
      %swap3A_69 = arith.constant 96 : index
      %swap3A_70 = tpu.vector_load %arg9[%swap3A_68, %swap3A_69] {strides = array<i32>} : memref<120x128xf32, #tpu.memory_space<vmem>>, vector<1x16xf32>,
      %swap3A_71 = vector.shape_cast %swap3A_70 : vector<1x16xf32> to vector<16xf32>
      %swap3A_72 = vector.shape_cast %broadcast_in_dim3A_67 : vector<16xf32> to vector<1x16xf32>
      tpu.vector_store %arg9[%swap3A_68, %swap3A_69], %swap3A_72 {strides = array<i32>} : memref<120x128xf32, #tpu.memory_space<vmem>>, vector<1x16xf32>,
      %broadcast_in_dim3A_73 = arith.constant 0.000000e+00 : f32
      %broadcast_in_dim3A_74 = vector.broadcast %broadcast_in_dim3A_73 : f32 to vector<16xf32>
      %swap3A_75 = arith.index_cast %scan3A_25 : i32 to index
      %swap3A_76 = arith.constant 112 : index
      %swap3A_77 = tpu.vector_load %arg9[%swap3A_75, %swap3A_76] {strides = array<i32>} : memref<120x128xf32, #tpu.memory_space<vmem>>, vector<1x16xf32>,
      %swap3A_78 = vector.shape_cast %swap3A_77 : vector<1x16xf32> to vector<16xf32>
      %swap3A_79 = vector.shape_cast %broadcast_in_dim3A_74 : vector<16xf32> to vector<1x16xf32>
      tpu.vector_store %arg9[%swap3A_75, %swap3A_76], %swap3A_79 {strides = array<i32>} : memref<120x128xf32, #tpu.memory_space<vmem>>, vector<1x16xf32>,
    }
    %scan3A_4 = arith.constant 120 : i32
    %mul3A_5 = arith.constant 640 : i32
    %mul3A_6 = arith.muli %arg1, %mul3A_5 : i32
    %add3A_7 = arith.constant 0 : i32
    %add3A_8 = arith.addi %mul3A_6, %add3A_7 : i32
    "tpu.region"() ({
      %run_scoped3A = tpu.sem_alloc : memref<!tpu.dma_semaphore, #tpu.memory_space<semaphore_mem>>
      %dma_start3A = arith.constant 0 : i32
      %dma_start3A_25 = tpu.memref_slice %arg6[%add3A_8, %dma_start3A] : memref<10240x128xf32, #tpu.memory_space<vmem_shared>> -> memref<120x128xf32, #tpu.memory_space<vmem_shared>>
      %dma_start3A_26 = arith.constant 0 : i32
      %dma_start3A_27 = tpu.memref_slice %arg6[%add3A_8, %dma_start3A_26] : memref<10240x128xf32, #tpu.memory_space<vmem_shared>> -> memref<120x128xf32, #tpu.memory_space<vmem_shared>>
      tpu.enqueue_dma source(%arg9 : memref<120x128xf32, #tpu.memory_space<vmem>>) target(%dma_start3A_27 : memref<120x128xf32, #tpu.memory_space<vmem_shared>>) target_semaphore(%run_scoped3A : memref<!tpu.dma_semaphore, #tpu.memory_space<semaphore_mem>>)
      %dma_wait3A = arith.constant 0 : i32
      %dma_wait3A_28 = tpu.memref_slice %arg6[%add3A_8, %dma_wait3A] : memref<10240x128xf32, #tpu.memory_space<vmem_shared>> -> memref<120x128xf32, #tpu.memory_space<vmem_shared>>
      %dma_wait3A_29 = arith.constant 0 : i32
      %dma_wait3A_30 = tpu.memref_slice %arg6[%add3A_8, %dma_wait3A_29] : memref<10240x128xf32, #tpu.memory_space<vmem_shared>> -> memref<120x128xf32, #tpu.memory_space<vmem_shared>>
      tpu.wait_dma2 semaphore(%run_scoped3A : memref<!tpu.dma_semaphore, #tpu.memory_space<semaphore_mem>>) src(%arg9 : memref<120x128xf32, #tpu.memory_space<vmem>>) dst(%dma_wait3A_30 : memref<120x128xf32, #tpu.memory_space<vmem_shared>>)
      tpu.yield
    }) : () -> ()
    %add3A_9 = arith.constant 120 : i32
    %add3A_10 = arith.addi %mul3A_6, %add3A_9 : i32
    "tpu.region"() ({
      %run_scoped3A = tpu.sem_alloc : memref<!tpu.dma_semaphore, #tpu.memory_space<semaphore_mem>>
      %dma_start3A = arith.constant 0 : i32
      %dma_start3A_25 = tpu.memref_slice %arg6[%add3A_10, %dma_start3A] : memref<10240x128xf32, #tpu.memory_space<vmem_shared>> -> memref<120x128xf32, #tpu.memory_space<vmem_shared>>
      %dma_start3A_26 = arith.constant 0 : i32
      %dma_start3A_27 = tpu.memref_slice %arg6[%add3A_10, %dma_start3A_26] : memref<10240x128xf32, #tpu.memory_space<vmem_shared>> -> memref<120x128xf32, #tpu.memory_space<vmem_shared>>
      tpu.enqueue_dma source(%arg9 : memref<120x128xf32, #tpu.memory_space<vmem>>) target(%dma_start3A_27 : memref<120x128xf32, #tpu.memory_space<vmem_shared>>) target_semaphore(%run_scoped3A : memref<!tpu.dma_semaphore, #tpu.memory_space<semaphore_mem>>)
      %dma_wait3A = arith.constant 0 : i32
      %dma_wait3A_28 = tpu.memref_slice %arg6[%add3A_10, %dma_wait3A] : memref<10240x128xf32, #tpu.memory_space<vmem_shared>> -> memref<120x128xf32, #tpu.memory_space<vmem_shared>>
      %dma_wait3A_29 = arith.constant 0 : i32
      %dma_wait3A_30 = tpu.memref_slice %arg6[%add3A_10, %dma_wait3A_29] : memref<10240x128xf32, #tpu.memory_space<vmem_shared>> -> memref<120x128xf32, #tpu.memory_space<vmem_shared>>
      tpu.wait_dma2 semaphore(%run_scoped3A : memref<!tpu.dma_semaphore, #tpu.memory_space<semaphore_mem>>) src(%arg9 : memref<120x128xf32, #tpu.memory_space<vmem>>) dst(%dma_wait3A_30 : memref<120x128xf32, #tpu.memory_space<vmem_shared>>)
      tpu.yield
    }) : () -> ()
    %add3A_11 = arith.constant 240 : i32
    %add3A_12 = arith.addi %mul3A_6, %add3A_11 : i32
    "tpu.region"() ({
      %run_scoped3A = tpu.sem_alloc : memref<!tpu.dma_semaphore, #tpu.memory_space<semaphore_mem>>
      %dma_start3A = arith.constant 0 : i32
      %dma_start3A_25 = tpu.memref_slice %arg6[%add3A_12, %dma_start3A] : memref<10240x128xf32, #tpu.memory_space<vmem_shared>> -> memref<120x128xf32, #tpu.memory_space<vmem_shared>>
      %dma_start3A_26 = arith.constant 0 : i32
      %dma_start3A_27 = tpu.memref_slice %arg6[%add3A_12, %dma_start3A_26] : memref<10240x128xf32, #tpu.memory_space<vmem_shared>> -> memref<120x128xf32, #tpu.memory_space<vmem_shared>>
      tpu.enqueue_dma source(%arg9 : memref<120x128xf32, #tpu.memory_space<vmem>>) target(%dma_start3A_27 : memref<120x128xf32, #tpu.memory_space<vmem_shared>>) target_semaphore(%run_scoped3A : memref<!tpu.dma_semaphore, #tpu.memory_space<semaphore_mem>>)
      %dma_wait3A = arith.constant 0 : i32
      %dma_wait3A_28 = tpu.memref_slice %arg6[%add3A_12, %dma_wait3A] : memref<10240x128xf32, #tpu.memory_space<vmem_shared>> -> memref<120x128xf32, #tpu.memory_space<vmem_shared>>
      %dma_wait3A_29 = arith.constant 0 : i32
      %dma_wait3A_30 = tpu.memref_slice %arg6[%add3A_12, %dma_wait3A_29] : memref<10240x128xf32, #tpu.memory_space<vmem_shared>> -> memref<120x128xf32, #tpu.memory_space<vmem_shared>>
      tpu.wait_dma2 semaphore(%run_scoped3A : memref<!tpu.dma_semaphore, #tpu.memory_space<semaphore_mem>>) src(%arg9 : memref<120x128xf32, #tpu.memory_space<vmem>>) dst(%dma_wait3A_30 : memref<120x128xf32, #tpu.memory_space<vmem_shared>>)
      tpu.yield
    }) : () -> ()
    %add3A_13 = arith.constant 360 : i32
    %add3A_14 = arith.addi %mul3A_6, %add3A_13 : i32
    "tpu.region"() ({
      %run_scoped3A = tpu.sem_alloc : memref<!tpu.dma_semaphore, #tpu.memory_space<semaphore_mem>>
      %dma_start3A = arith.constant 0 : i32
      %dma_start3A_25 = tpu.memref_slice %arg6[%add3A_14, %dma_start3A] : memref<10240x128xf32, #tpu.memory_space<vmem_shared>> -> memref<120x128xf32, #tpu.memory_space<vmem_shared>>
      %dma_start3A_26 = arith.constant 0 : i32
      %dma_start3A_27 = tpu.memref_slice %arg6[%add3A_14, %dma_start3A_26] : memref<10240x128xf32, #tpu.memory_space<vmem_shared>> -> memref<120x128xf32, #tpu.memory_space<vmem_shared>>
      tpu.enqueue_dma source(%arg9 : memref<120x128xf32, #tpu.memory_space<vmem>>) target(%dma_start3A_27 : memref<120x128xf32, #tpu.memory_space<vmem_shared>>) target_semaphore(%run_scoped3A : memref<!tpu.dma_semaphore, #tpu.memory_space<semaphore_mem>>)
      %dma_wait3A = arith.constant 0 : i32
      %dma_wait3A_28 = tpu.memref_slice %arg6[%add3A_14, %dma_wait3A] : memref<10240x128xf32, #tpu.memory_space<vmem_shared>> -> memref<120x128xf32, #tpu.memory_space<vmem_shared>>
      %dma_wait3A_29 = arith.constant 0 : i32
      %dma_wait3A_30 = tpu.memref_slice %arg6[%add3A_14, %dma_wait3A_29] : memref<10240x128xf32, #tpu.memory_space<vmem_shared>> -> memref<120x128xf32, #tpu.memory_space<vmem_shared>>
      tpu.wait_dma2 semaphore(%run_scoped3A : memref<!tpu.dma_semaphore, #tpu.memory_space<semaphore_mem>>) src(%arg9 : memref<120x128xf32, #tpu.memory_space<vmem>>) dst(%dma_wait3A_30 : memref<120x128xf32, #tpu.memory_space<vmem_shared>>)
      tpu.yield
    }) : () -> ()
    %add3A_15 = arith.constant 480 : i32
    %add3A_16 = arith.addi %mul3A_6, %add3A_15 : i32
    "tpu.region"() ({
      %run_scoped3A = tpu.sem_alloc : memref<!tpu.dma_semaphore, #tpu.memory_space<semaphore_mem>>
      %dma_start3A = arith.constant 0 : i32
      %dma_start3A_25 = tpu.memref_slice %arg6[%add3A_16, %dma_start3A] : memref<10240x128xf32, #tpu.memory_space<vmem_shared>> -> memref<120x128xf32, #tpu.memory_space<vmem_shared>>
      %dma_start3A_26 = arith.constant 0 : i32
      %dma_start3A_27 = tpu.memref_slice %arg6[%add3A_16, %dma_start3A_26] : memref<10240x128xf32, #tpu.memory_space<vmem_shared>> -> memref<120x128xf32, #tpu.memory_space<vmem_shared>>
      tpu.enqueue_dma source(%arg9 : memref<120x128xf32, #tpu.memory_space<vmem>>) target(%dma_start3A_27 : memref<120x128xf32, #tpu.memory_space<vmem_shared>>) target_semaphore(%run_scoped3A : memref<!tpu.dma_semaphore, #tpu.memory_space<semaphore_mem>>)
      %dma_wait3A = arith.constant 0 : i32
      %dma_wait3A_28 = tpu.memref_slice %arg6[%add3A_16, %dma_wait3A] : memref<10240x128xf32, #tpu.memory_space<vmem_shared>> -> memref<120x128xf32, #tpu.memory_space<vmem_shared>>
      %dma_wait3A_29 = arith.constant 0 : i32
      %dma_wait3A_30 = tpu.memref_slice %arg6[%add3A_16, %dma_wait3A_29] : memref<10240x128xf32, #tpu.memory_space<vmem_shared>> -> memref<120x128xf32, #tpu.memory_space<vmem_shared>>
      tpu.wait_dma2 semaphore(%run_scoped3A : memref<!tpu.dma_semaphore, #tpu.memory_space<semaphore_mem>>) src(%arg9 : memref<120x128xf32, #tpu.memory_space<vmem>>) dst(%dma_wait3A_30 : memref<120x128xf32, #tpu.memory_space<vmem_shared>>)
      tpu.yield
    }) : () -> ()
    %add3A_17 = arith.constant 600 : i32
    %add3A_18 = arith.addi %mul3A_6, %add3A_17 : i32
    "tpu.region"() ({
      %run_scoped3A = tpu.sem_alloc : memref<!tpu.dma_semaphore, #tpu.memory_space<semaphore_mem>>
      %dma_start3A = arith.constant 0 : i32
      %dma_start3A_25 = arith.constant 0 : i32
      %dma_start3A_26 = tpu.memref_slice %arg9[%dma_start3A, %dma_start3A_25] : memref<120x128xf32, #tpu.memory_space<vmem>> -> memref<40x128xf32, #tpu.memory_space<vmem>>
      %dma_start3A_27 = arith.constant 0 : i32
      %dma_start3A_28 = tpu.memref_slice %arg6[%add3A_18, %dma_start3A_27] : memref<10240x128xf32, #tpu.memory_space<vmem_shared>> -> memref<40x128xf32, #tpu.memory_space<vmem_shared>>
      %dma_start3A_29 = arith.constant 0 : i32
      %dma_start3A_30 = tpu.memref_slice %arg6[%add3A_18, %dma_start3A_29] : memref<10240x128xf32, #tpu.memory_space<vmem_shared>> -> memref<40x128xf32, #tpu.memory_space<vmem_shared>>
      %dma_start3A_31 = arith.constant 0 : i32
      %dma_start3A_32 = arith.constant 0 : i32
      %dma_start3A_33 = tpu.memref_slice %arg9[%dma_start3A_31, %dma_start3A_32] : memref<120x128xf32, #tpu.memory_space<vmem>> -> memref<40x128xf32, #tpu.memory_space<vmem>>
      tpu.enqueue_dma source(%dma_start3A_33 : memref<40x128xf32, #tpu.memory_space<vmem>>) target(%dma_start3A_30 : memref<40x128xf32, #tpu.memory_space<vmem_shared>>) target_semaphore(%run_scoped3A : memref<!tpu.dma_semaphore, #tpu.memory_space<semaphore_mem>>)
      %dma_wait3A = arith.constant 0 : i32
      %dma_wait3A_34 = arith.constant 0 : i32
      %dma_wait3A_35 = tpu.memref_slice %arg9[%dma_wait3A, %dma_wait3A_34] : memref<120x128xf32, #tpu.memory_space<vmem>> -> memref<40x128xf32, #tpu.memory_space<vmem>>
      %dma_wait3A_36 = arith.constant 0 : i32
      %dma_wait3A_37 = tpu.memref_slice %arg6[%add3A_18, %dma_wait3A_36] : memref<10240x128xf32, #tpu.memory_space<vmem_shared>> -> memref<40x128xf32, #tpu.memory_space<vmem_shared>>
      %dma_wait3A_38 = arith.constant 0 : i32
      %dma_wait3A_39 = tpu.memref_slice %arg6[%add3A_18, %dma_wait3A_38] : memref<10240x128xf32, #tpu.memory_space<vmem_shared>> -> memref<40x128xf32, #tpu.memory_space<vmem_shared>>
      %dma_wait3A_40 = arith.constant 0 : i32
      %dma_wait3A_41 = arith.constant 0 : i32
      %dma_wait3A_42 = tpu.memref_slice %arg9[%dma_wait3A_40, %dma_wait3A_41] : memref<120x128xf32, #tpu.memory_space<vmem>> -> memref<40x128xf32, #tpu.memory_space<vmem>>
      tpu.wait_dma2 semaphore(%run_scoped3A : memref<!tpu.dma_semaphore, #tpu.memory_space<semaphore_mem>>) src(%dma_wait3A_42 : memref<40x128xf32, #tpu.memory_space<vmem>>) dst(%dma_wait3A_39 : memref<40x128xf32, #tpu.memory_space<vmem_shared>>)
      tpu.yield
    }) : () -> ()
    "tpu.region"() ({
      %run_scoped3A = tpu.sem_alloc : memref<!tpu.dma_semaphore, #tpu.memory_space<semaphore_mem>>
      %dma_start3A = arith.constant 0 : i32
      %dma_start3A_25 = arith.constant 0 : i32
      %dma_start3A_26 = tpu.memref_slice %arg3[%add3A, %dma_start3A, %dma_start3A_25] : memref<32x84x120xi32, #tpu.memory_space<hbm>> -> memref<1x84x120xi32, #tpu.memory_space<hbm>>
      %dma_start3A_27 = tpu.memref_squeeze %dma_start3A_26 : memref<1x84x120xi32, #tpu.memory_space<hbm>> -> memref<84x120xi32, #tpu.memory_space<hbm>>
      %dma_start3A_28 = arith.constant 0 : i32
      %dma_start3A_29 = arith.constant 0 : i32
      %dma_start3A_30 = tpu.memref_slice %arg3[%add3A, %dma_start3A_28, %dma_start3A_29] : memref<32x84x120xi32, #tpu.memory_space<hbm>> -> memref<1x84x120xi32, #tpu.memory_space<hbm>>
      %dma_start3A_31 = tpu.memref_squeeze %dma_start3A_30 : memref<1x84x120xi32, #tpu.memory_space<hbm>> -> memref<84x120xi32, #tpu.memory_space<hbm>>
      tpu.enqueue_dma source(%dma_start3A_31 : memref<84x120xi32, #tpu.memory_space<hbm>>) target(%arg7 : memref<84x120xi32, #tpu.memory_space<vmem>>) target_semaphore(%run_scoped3A : memref<!tpu.dma_semaphore, #tpu.memory_space<semaphore_mem>>)
      %dma_wait3A = arith.constant 0 : i32
      %dma_wait3A_32 = arith.constant 0 : i32
      %dma_wait3A_33 = tpu.memref_slice %arg3[%add3A, %dma_wait3A, %dma_wait3A_32] : memref<32x84x120xi32, #tpu.memory_space<hbm>> -> memref<1x84x120xi32, #tpu.memory_space<hbm>>
      %dma_wait3A_34 = tpu.memref_squeeze %dma_wait3A_33 : memref<1x84x120xi32, #tpu.memory_space<hbm>> -> memref<84x120xi32, #tpu.memory_space<hbm>>
      %dma_wait3A_35 = arith.constant 0 : i32
      %dma_wait3A_36 = arith.constant 0 : i32
      %dma_wait3A_37 = tpu.memref_slice %arg3[%add3A, %dma_wait3A_35, %dma_wait3A_36] : memref<32x84x120xi32, #tpu.memory_space<hbm>> -> memref<1x84x120xi32, #tpu.memory_space<hbm>>
      %dma_wait3A_38 = tpu.memref_squeeze %dma_wait3A_37 : memref<1x84x120xi32, #tpu.memory_space<hbm>> -> memref<84x120xi32, #tpu.memory_space<hbm>>
      tpu.wait_dma2 semaphore(%run_scoped3A : memref<!tpu.dma_semaphore, #tpu.memory_space<semaphore_mem>>) src(%dma_wait3A_38 : memref<84x120xi32, #tpu.memory_space<hbm>>) dst(%arg7 : memref<84x120xi32, #tpu.memory_space<vmem>>)
      tpu.yield
    }) : () -> ()
    "tpu.region"() ({
      %run_scoped3A = tpu.sem_alloc : memref<!tpu.dma_semaphore, #tpu.memory_space<semaphore_mem>>
      %dma_start3A = arith.constant 0 : i32
      %dma_start3A_25 = arith.constant 0 : i32
      %dma_start3A_26 = tpu.memref_slice %arg4[%add3A, %dma_start3A, %dma_start3A_25] : memref<32x84x120xi32, #tpu.memory_space<hbm>> -> memref<1x84x120xi32, #tpu.memory_space<hbm>>
      %dma_start3A_27 = tpu.memref_squeeze %dma_start3A_26 : memref<1x84x120xi32, #tpu.memory_space<hbm>> -> memref<84x120xi32, #tpu.memory_space<hbm>>
      %dma_start3A_28 = arith.constant 0 : i32
      %dma_start3A_29 = arith.constant 0 : i32
      %dma_start3A_30 = tpu.memref_slice %arg4[%add3A, %dma_start3A_28, %dma_start3A_29] : memref<32x84x120xi32, #tpu.memory_space<hbm>> -> memref<1x84x120xi32, #tpu.memory_space<hbm>>
      %dma_start3A_31 = tpu.memref_squeeze %dma_start3A_30 : memref<1x84x120xi32, #tpu.memory_space<hbm>> -> memref<84x120xi32, #tpu.memory_space<hbm>>
      tpu.enqueue_dma source(%dma_start3A_31 : memref<84x120xi32, #tpu.memory_space<hbm>>) target(%arg8 : memref<84x120xi32, #tpu.memory_space<vmem>>) target_semaphore(%run_scoped3A : memref<!tpu.dma_semaphore, #tpu.memory_space<semaphore_mem>>)
      %dma_wait3A = arith.constant 0 : i32
      %dma_wait3A_32 = arith.constant 0 : i32
      %dma_wait3A_33 = tpu.memref_slice %arg4[%add3A, %dma_wait3A, %dma_wait3A_32] : memref<32x84x120xi32, #tpu.memory_space<hbm>> -> memref<1x84x120xi32, #tpu.memory_space<hbm>>
      %dma_wait3A_34 = tpu.memref_squeeze %dma_wait3A_33 : memref<1x84x120xi32, #tpu.memory_space<hbm>> -> memref<84x120xi32, #tpu.memory_space<hbm>>
      %dma_wait3A_35 = arith.constant 0 : i32
      %dma_wait3A_36 = arith.constant 0 : i32
      %dma_wait3A_37 = tpu.memref_slice %arg4[%add3A, %dma_wait3A_35, %dma_wait3A_36] : memref<32x84x120xi32, #tpu.memory_space<hbm>> -> memref<1x84x120xi32, #tpu.memory_space<hbm>>
      %dma_wait3A_38 = tpu.memref_squeeze %dma_wait3A_37 : memref<1x84x120xi32, #tpu.memory_space<hbm>> -> memref<84x120xi32, #tpu.memory_space<hbm>>
      tpu.wait_dma2 semaphore(%run_scoped3A : memref<!tpu.dma_semaphore, #tpu.memory_space<semaphore_mem>>) src(%dma_wait3A_38 : memref<84x120xi32, #tpu.memory_space<hbm>>) dst(%arg8 : memref<84x120xi32, #tpu.memory_space<vmem>>)
      tpu.yield
    }) : () -> ()
    %barrier3A = arith.constant 0 : index
    tpu.barrier barrier_id(%barrier3A)
    %scan3A_19 = arith.constant 0 : i32
    %scan3A_20 = arith.constant 84 : i32
    %scan3A_21 = arith.addi %scan3A_19, %scan3A_20 : i32
    %scan3A_22 = arith.constant 1 : i32
    scf.for %scan3A_25 = %scan3A_19 to %scan3A_21 step %scan3A_22  : i32 {
      %dma_start3A = arith.constant 0 : i32
      %dma_start3A_26 = tpu.memref_slice %arg7[%scan3A_25, %dma_start3A] : memref<84x120xi32, #tpu.memory_space<vmem>> -> memref<1x120xi32, #tpu.memory_space<vmem>>
      %dma_start3A_27 = tpu.memref_squeeze %dma_start3A_26 : memref<1x120xi32, #tpu.memory_space<vmem>> -> memref<120xi32, #tpu.memory_space<vmem>>
      %dma_start3A_28 = arith.constant 0 : i32
      %dma_start3A_29 = arith.constant 0 : i32
      %dma_start3A_30 = tpu.memref_slice %arg2[%dma_start3A_28, %dma_start3A_29] : memref<10240x128xf32, #tpu.memory_space<hbm>> -> memref<10240x128xf32, #tpu.memory_space<hbm>>
      tpu.enqueue_indirect_dma source(%dma_start3A_30 : memref<10240x128xf32, #tpu.memory_space<hbm>>) target(%arg9 : memref<120x128xf32, #tpu.memory_space<vmem>>) offsets(%dma_start3A_27 : memref<120xi32, #tpu.memory_space<vmem>>) semaphore(%arg10 : memref<!tpu.dma_semaphore, #tpu.memory_space<semaphore_mem>>)
      %dma_wait3A = arith.constant 0 : i32
      %dma_wait3A_31 = tpu.memref_slice %arg7[%scan3A_25, %dma_wait3A] : memref<84x120xi32, #tpu.memory_space<vmem>> -> memref<1x120xi32, #tpu.memory_space<vmem>>
      %dma_wait3A_32 = tpu.memref_squeeze %dma_wait3A_31 : memref<1x120xi32, #tpu.memory_space<vmem>> -> memref<120xi32, #tpu.memory_space<vmem>>
      %dma_wait3A_33 = arith.constant 0 : i32
      %dma_wait3A_34 = arith.constant 0 : i32
      %dma_wait3A_35 = tpu.memref_slice %arg2[%dma_wait3A_33, %dma_wait3A_34] : memref<10240x128xf32, #tpu.memory_space<hbm>> -> memref<10240x128xf32, #tpu.memory_space<hbm>>
      tpu.wait_indirect_dma semaphore(%arg10 : memref<!tpu.dma_semaphore, #tpu.memory_space<semaphore_mem>>) src(%dma_wait3A_35 : memref<10240x128xf32, #tpu.memory_space<hbm>>) dst(%arg9 : memref<120x128xf32, #tpu.memory_space<vmem>>)
      "tpu.region"() ({
        %run_scoped3A = tpu.sem_alloc : memref<!tpu.dma_semaphore, #tpu.memory_space<semaphore_mem>>
        %dma_start3A_36 = arith.constant 0 : i32
        %dma_start3A_37 = tpu.memref_slice %arg8[%scan3A_25, %dma_start3A_36] : memref<84x120xi32, #tpu.memory_space<vmem>> -> memref<1x120xi32, #tpu.memory_space<vmem>>
        %dma_start3A_38 = tpu.memref_squeeze %dma_start3A_37 : memref<1x120xi32, #tpu.memory_space<vmem>> -> memref<120xi32, #tpu.memory_space<vmem>>
        %dma_start3A_39 = arith.constant 0 : i32
        %dma_start3A_40 = arith.constant 0 : i32
        %dma_start3A_41 = tpu.memref_slice %arg6[%dma_start3A_39, %dma_start3A_40] : memref<10240x128xf32, #tpu.memory_space<vmem_shared>> -> memref<10240x128xf32, #tpu.memory_space<vmem_shared>>
        tpu.enqueue_indirect_dma source(%arg9 : memref<120x128xf32, #tpu.memory_space<vmem>>) target(%dma_start3A_41 : memref<10240x128xf32, #tpu.memory_space<vmem_shared>>) offsets(%dma_start3A_38 : memref<120xi32, #tpu.memory_space<vmem>>) semaphore(%run_scoped3A : memref<!tpu.dma_semaphore, #tpu.memory_space<semaphore_mem>>) {add = true}
        %dma_wait3A_42 = arith.constant 0 : i32
        %dma_wait3A_43 = tpu.memref_slice %arg8[%scan3A_25, %dma_wait3A_42] : memref<84x120xi32, #tpu.memory_space<vmem>> -> memref<1x120xi32, #tpu.memory_space<vmem>>
        %dma_wait3A_44 = tpu.memref_squeeze %dma_wait3A_43 : memref<1x120xi32, #tpu.memory_space<vmem>> -> memref<120xi32, #tpu.memory_space<vmem>>
        %dma_wait3A_45 = arith.constant 0 : i32
        %dma_wait3A_46 = arith.constant 0 : i32
        %dma_wait3A_47 = tpu.memref_slice %arg6[%dma_wait3A_45, %dma_wait3A_46] : memref<10240x128xf32, #tpu.memory_space<vmem_shared>> -> memref<10240x128xf32, #tpu.memory_space<vmem_shared>>
        tpu.wait_indirect_dma semaphore(%run_scoped3A : memref<!tpu.dma_semaphore, #tpu.memory_space<semaphore_mem>>) src(%arg9 : memref<120x128xf32, #tpu.memory_space<vmem>>) dst(%dma_wait3A_47 : memref<10240x128xf32, #tpu.memory_space<vmem_shared>>)
        tpu.yield
      }) : () -> ()
    }
    %scan3A_23 = arith.constant 84 : i32
    %barrier3A_24 = arith.constant 0 : index
    tpu.barrier barrier_id(%barrier3A_24)
    "tpu.region"() ({
      %run_scoped3A = tpu.sem_alloc : memref<!tpu.dma_semaphore, #tpu.memory_space<semaphore_mem>>
      %dma_start3A = arith.constant 0 : i32
      %dma_start3A_25 = tpu.memref_slice %arg5[%arg0, %mul3A_6, %dma_start3A] : memref<2x10240x128xf32, #tpu.memory_space<hbm>> -> memref<1x640x128xf32, #tpu.memory_space<hbm>>
      %dma_start3A_26 = tpu.memref_squeeze %dma_start3A_25 : memref<1x640x128xf32, #tpu.memory_space<hbm>> -> memref<640x128xf32, #tpu.memory_space<hbm>>
      %dma_start3A_27 = arith.constant 0 : i32
      %dma_start3A_28 = tpu.memref_slice %arg6[%mul3A_6, %dma_start3A_27] : memref<10240x128xf32, #tpu.memory_space<vmem_shared>> -> memref<640x128xf32, #tpu.memory_space<vmem_shared>>
      tpu.enqueue_dma source(%dma_start3A_28 : memref<640x128xf32, #tpu.memory_space<vmem_shared>>) target(%dma_start3A_26 : memref<640x128xf32, #tpu.memory_space<hbm>>) target_semaphore(%run_scoped3A : memref<!tpu.dma_semaphore, #tpu.memory_space<semaphore_mem>>)
      %dma_wait3A = arith.constant 0 : i32
      %dma_wait3A_29 = tpu.memref_slice %arg5[%arg0, %mul3A_6, %dma_wait3A] : memref<2x10240x128xf32, #tpu.memory_space<hbm>> -> memref<1x640x128xf32, #tpu.memory_space<hbm>>
      %dma_wait3A_30 = tpu.memref_squeeze %dma_wait3A_29 : memref<1x640x128xf32, #tpu.memory_space<hbm>> -> memref<640x128xf32, #tpu.memory_space<hbm>>
      %dma_wait3A_31 = arith.constant 0 : i32
      %dma_wait3A_32 = tpu.memref_slice %arg6[%mul3A_6, %dma_wait3A_31] : memref<10240x128xf32, #tpu.memory_space<vmem_shared>> -> memref<640x128xf32, #tpu.memory_space<vmem_shared>>
      tpu.wait_dma2 semaphore(%run_scoped3A : memref<!tpu.dma_semaphore, #tpu.memory_space<semaphore_mem>>) src(%dma_wait3A_32 : memref<640x128xf32, #tpu.memory_space<vmem_shared>>) dst(%dma_wait3A_30 : memref<640x128xf32, #tpu.memory_space<hbm>>)
      tpu.yield
    }) : () -> ()
    return
  }
}

module attributes {stable_mosaic.version = 14 : i64} {
  func.func @_lin_body(%arg0: i32, %arg1: memref<2048x128xf32, #tpu.memory_space<vmem>>, %arg2: memref<128x128xf32, #tpu.memory_space<vmem>>, %arg3: memref<1x128xf32, #tpu.memory_space<vmem>>, %arg4: memref<2048x128xf32, #tpu.memory_space<vmem>>, %arg5: memref<2048x128xf32, #tpu.memory_space<vmem>>) attributes {dimension_semantics = [#tpu.dimension_semantics<arbitrary>], iteration_bounds = array<i64: 5>, scalar_prefetch = 0 : i64, scratch_operands = 0 : i64, tpu.core_type = #tpu.core_type<tc>, window_params = [{transform_indices = @transform_0, window_bounds = array<i64: 2048, 128>}, {pipeline_mode = #tpu.pipeline_mode<synchronous>, transform_indices = @transform_1, window_bounds = array<i64: 128, 128>}, {pipeline_mode = #tpu.pipeline_mode<synchronous>, transform_indices = @transform_2, window_bounds = array<i64: 1, 128>}, {transform_indices = @transform_3, window_bounds = array<i64: 2048, 128>}, {transform_indices = @transform_4, window_bounds = array<i64: 2048, 128>}]} {
    %get3A = arith.constant 0 : index
    %get3A_0 = arith.constant 0 : index
    %get3A_1 = vector.load %arg1[%get3A, %get3A_0] : memref<2048x128xf32, #tpu.memory_space<vmem>>, vector<2048x128xf32>
    %get3A_2 = arith.constant 0 : index
    %get3A_3 = arith.constant 0 : index
    %get3A_4 = vector.load %arg2[%get3A_2, %get3A_3] : memref<128x128xf32, #tpu.memory_space<vmem>>, vector<128x128xf32>
    %dot_general3A = arith.constant dense<0.000000e+00> : vector<2048x128xf32>
    %dot_general3A_5 = tpu.matmul %get3A_1, %get3A_4, %dot_general3A {dimension_numbers = #tpu.dot_dimension_numbers<[1], [0], [0], [1], [0, 0, 1, 1], [], []>, transpose_lhs_hint = false} : vector<2048x128xf32>, vector<128x128xf32>, vector<2048x128xf32> -> vector<2048x128xf32>
    %get3A_6 = arith.constant 0 : index
    %get3A_7 = arith.constant 0 : index
    %get3A_8 = vector.load %arg4[%get3A_6, %get3A_7] : memref<2048x128xf32, #tpu.memory_space<vmem>>, vector<2048x128xf32>
    %get3A_9 = arith.constant 0 : index
    %get3A_10 = arith.constant 0 : index
    %get3A_11 = vector.load %arg3[%get3A_9, %get3A_10] : memref<1x128xf32, #tpu.memory_space<vmem>>, vector<1x128xf32>
    %add3A = vector.broadcast %get3A_11 : vector<1x128xf32> to vector<2048x128xf32>
    %add3A_12 = arith.addf %dot_general3A_5, %add3A : vector<2048x128xf32>
    %mul3A = arith.mulf %get3A_8, %add3A_12 : vector<2048x128xf32>
    %swap3A = arith.constant 0 : index
    %swap3A_13 = arith.constant 0 : index
    %swap3A_14 = vector.load %arg5[%swap3A, %swap3A_13] : memref<2048x128xf32, #tpu.memory_space<vmem>>, vector<2048x128xf32>
    tpu.vector_store %arg5[%swap3A, %swap3A_13], %mul3A {strides = array<i32>} : memref<2048x128xf32, #tpu.memory_space<vmem>>, vector<2048x128xf32>,
    return
  }
  func.func @transform_0(%arg0: i32) -> (i32, i32) {
    %c0_i32 = arith.constant 0 : i32
    %c0_i32_0 = arith.constant 0 : i32
    return %arg0, %c0_i32 : i32, i32
  }
  func.func @transform_1(%arg0: i32) -> (i32, i32) {
    %c0_i32 = arith.constant 0 : i32
    %c0_i32_0 = arith.constant 0 : i32
    %c0_i32_1 = arith.constant 0 : i32
    return %c0_i32, %c0_i32_0 : i32, i32
  }
  func.func @transform_2(%arg0: i32) -> (i32, i32) {
    %c0_i32 = arith.constant 0 : i32
    %c0_i32_0 = arith.constant 0 : i32
    %c0_i32_1 = arith.constant 0 : i32
    return %c0_i32, %c0_i32_0 : i32, i32
  }
  func.func @transform_3(%arg0: i32) -> (i32, i32) {
    %c0_i32 = arith.constant 0 : i32
    %c0_i32_0 = arith.constant 0 : i32
    return %arg0, %c0_i32 : i32, i32
  }
  func.func @transform_4(%arg0: i32) -> (i32, i32) {
    %c0_i32 = arith.constant 0 : i32
    %c0_i32_0 = arith.constant 0 : i32
    return %arg0, %c0_i32 : i32, i32
  }
}

module attributes {stable_mosaic.version = 14 : i64} {
  func.func @_mid_body(%arg0: i32, %arg1: memref<2x2048x128xf32, #tpu.memory_space<vmem>>, %arg2: memref<2048x128xf32, #tpu.memory_space<vmem>>, %arg3: memref<2048x128xf32, #tpu.memory_space<vmem>>, %arg4: memref<2048x128xf32, #tpu.memory_space<vmem>>, %arg5: memref<2048x128xf32, #tpu.memory_space<vmem>>) attributes {dimension_semantics = [#tpu.dimension_semantics<arbitrary>], iteration_bounds = array<i64: 5>, scalar_prefetch = 0 : i64, scratch_operands = 0 : i64, tpu.core_type = #tpu.core_type<tc>, window_params = [{transform_indices = @transform_0, window_bounds = array<i64: 2, 2048, 128>}, {transform_indices = @transform_1, window_bounds = array<i64: 2048, 128>}, {transform_indices = @transform_2, window_bounds = array<i64: 2048, 128>}, {transform_indices = @transform_3, window_bounds = array<i64: 2048, 128>}, {transform_indices = @transform_4, window_bounds = array<i64: 2048, 128>}]} {
    %get3A = arith.constant 0 : index
    %get3A_0 = arith.constant 0 : index
    %get3A_1 = arith.constant 0 : index
    %get3A_2 = vector.load %arg1[%get3A, %get3A_0, %get3A_1] : memref<2x2048x128xf32, #tpu.memory_space<vmem>>, vector<1x2048x128xf32>
    %get3A_3 = vector.shape_cast %get3A_2 : vector<1x2048x128xf32> to vector<2048x128xf32>
    %get3A_4 = arith.constant 1 : index
    %get3A_5 = arith.constant 0 : index
    %get3A_6 = arith.constant 0 : index
    %get3A_7 = vector.load %arg1[%get3A_4, %get3A_5, %get3A_6] : memref<2x2048x128xf32, #tpu.memory_space<vmem>>, vector<1x2048x128xf32>
    %get3A_8 = vector.shape_cast %get3A_7 : vector<1x2048x128xf32> to vector<2048x128xf32>
    %add3A = arith.addf %get3A_3, %get3A_8 : vector<2048x128xf32>
    %get3A_9 = arith.constant 0 : index
    %get3A_10 = arith.constant 0 : index
    %get3A_11 = vector.load %arg2[%get3A_9, %get3A_10] : memref<2048x128xf32, #tpu.memory_space<vmem>>, vector<2048x128xf32>
    %add3A_12 = arith.addf %add3A, %get3A_11 : vector<2048x128xf32>
    %get3A_13 = arith.constant 0 : index
    %get3A_14 = arith.constant 0 : index
    %get3A_15 = vector.load %arg3[%get3A_13, %get3A_14] : memref<2048x128xf32, #tpu.memory_space<vmem>>, vector<2048x128xf32>
    %mul3A = arith.mulf %get3A_15, %add3A_12 : vector<2048x128xf32>
    %swap3A = arith.constant 0 : index
    %swap3A_16 = arith.constant 0 : index
    %swap3A_17 = vector.load %arg4[%swap3A, %swap3A_16] : memref<2048x128xf32, #tpu.memory_space<vmem>>, vector<2048x128xf32>
    tpu.vector_store %arg4[%swap3A, %swap3A_16], %mul3A {strides = array<i32>} : memref<2048x128xf32, #tpu.memory_space<vmem>>, vector<2048x128xf32>,
    %get3A_18 = arith.constant 0 : index
    %get3A_19 = arith.constant 0 : index
    %get3A_20 = vector.load %arg3[%get3A_18, %get3A_19] : memref<2048x128xf32, #tpu.memory_space<vmem>>, vector<2048x128xf32>
    %mul3A_21 = arith.mulf %get3A_20, %mul3A : vector<2048x128xf32>
    %swap3A_22 = arith.constant 0 : index
    %swap3A_23 = arith.constant 0 : index
    %swap3A_24 = vector.load %arg5[%swap3A_22, %swap3A_23] : memref<2048x128xf32, #tpu.memory_space<vmem>>, vector<2048x128xf32>
    tpu.vector_store %arg5[%swap3A_22, %swap3A_23], %mul3A_21 {strides = array<i32>} : memref<2048x128xf32, #tpu.memory_space<vmem>>, vector<2048x128xf32>,
    return
  }
  func.func @transform_0(%arg0: i32) -> (i32, i32, i32) {
    %c0_i32 = arith.constant 0 : i32
    %c0_i32_0 = arith.constant 0 : i32
    %c0_i32_1 = arith.constant 0 : i32
    return %c0_i32, %arg0, %c0_i32_0 : i32, i32, i32
  }
  func.func @transform_1(%arg0: i32) -> (i32, i32) {
    %c0_i32 = arith.constant 0 : i32
    %c0_i32_0 = arith.constant 0 : i32
    return %arg0, %c0_i32 : i32, i32
  }
  func.func @transform_2(%arg0: i32) -> (i32, i32) {
    %c0_i32 = arith.constant 0 : i32
    %c0_i32_0 = arith.constant 0 : i32
    return %arg0, %c0_i32 : i32, i32
  }
  func.func @transform_3(%arg0: i32) -> (i32, i32) {
    %c0_i32 = arith.constant 0 : i32
    %c0_i32_0 = arith.constant 0 : i32
    return %arg0, %c0_i32 : i32, i32
  }
  func.func @transform_4(%arg0: i32) -> (i32, i32) {
    %c0_i32 = arith.constant 0 : i32
    %c0_i32_0 = arith.constant 0 : i32
    return %arg0, %c0_i32 : i32, i32
  }
}

module attributes {stable_mosaic.version = 14 : i64} {
  func.func @_relu_lin_body(%arg0: i32, %arg1: memref<2xf32, #tpu.memory_space<smem>>, %arg2: memref<2x2048x128xf32, #tpu.memory_space<vmem>>, %arg3: memref<2048x128xf32, #tpu.memory_space<vmem>>, %arg4: memref<2048x128xf32, #tpu.memory_space<vmem>>, %arg5: memref<2048x128xf32, #tpu.memory_space<vmem>>, %arg6: memref<128x128xf32, #tpu.memory_space<vmem>>, %arg7: memref<1x128xf32, #tpu.memory_space<vmem>>, %arg8: memref<2048x128xf32, #tpu.memory_space<vmem>>) attributes {dimension_semantics = [#tpu.dimension_semantics<arbitrary>], iteration_bounds = array<i64: 5>, scalar_prefetch = 0 : i64, scratch_operands = 0 : i64, tpu.core_type = #tpu.core_type<tc>, window_params = [{transform_indices = @transform_0, window_bounds = array<i64: 2>}, {transform_indices = @transform_1, window_bounds = array<i64: 2, 2048, 128>}, {transform_indices = @transform_2, window_bounds = array<i64: 2048, 128>}, {transform_indices = @transform_3, window_bounds = array<i64: 2048, 128>}, {transform_indices = @transform_4, window_bounds = array<i64: 2048, 128>}, {pipeline_mode = #tpu.pipeline_mode<synchronous>, transform_indices = @transform_5, window_bounds = array<i64: 128, 128>}, {pipeline_mode = #tpu.pipeline_mode<synchronous>, transform_indices = @transform_6, window_bounds = array<i64: 1, 128>}, {transform_indices = @transform_7, window_bounds = array<i64: 2048, 128>}]} {
    %get3A = arith.constant 0 : index
    %get3A_0 = arith.constant 0 : index
    %get3A_1 = vector.load %arg5[%get3A, %get3A_0] : memref<2048x128xf32, #tpu.memory_space<vmem>>, vector<2048x128xf32>
    %get3A_2 = arith.constant 0 : index
    %get3A_3 = arith.constant 0 : index
    %get3A_4 = arith.constant 0 : index
    %get3A_5 = vector.load %arg2[%get3A_2, %get3A_3, %get3A_4] : memref<2x2048x128xf32, #tpu.memory_space<vmem>>, vector<1x2048x128xf32>
    %get3A_6 = vector.shape_cast %get3A_5 : vector<1x2048x128xf32> to vector<2048x128xf32>
    %get3A_7 = arith.constant 1 : index
    %get3A_8 = arith.constant 0 : index
    %get3A_9 = arith.constant 0 : index
    %get3A_10 = vector.load %arg2[%get3A_7, %get3A_8, %get3A_9] : memref<2x2048x128xf32, #tpu.memory_space<vmem>>, vector<1x2048x128xf32>
    %get3A_11 = vector.shape_cast %get3A_10 : vector<1x2048x128xf32> to vector<2048x128xf32>
    %add3A = arith.addf %get3A_6, %get3A_11 : vector<2048x128xf32>
    %get3A_12 = arith.constant 0 : index
    %get3A_13 = arith.constant 0 : index
    %get3A_14 = vector.load %arg3[%get3A_12, %get3A_13] : memref<2048x128xf32, #tpu.memory_space<vmem>>, vector<2048x128xf32>
    %add3A_15 = arith.addf %add3A, %get3A_14 : vector<2048x128xf32>
    %mul3A = arith.mulf %get3A_1, %add3A_15 : vector<2048x128xf32>
    %get3A_16 = arith.constant 0 : index
    %get3A_17 = memref.load %arg1[%get3A_16] : memref<2xf32, #tpu.memory_space<smem>>
    %get3A_18 = arith.constant 0 : index
    %get3A_19 = arith.constant 0 : index
    %get3A_20 = vector.load %arg4[%get3A_18, %get3A_19] : memref<2048x128xf32, #tpu.memory_space<vmem>>, vector<2048x128xf32>
    %mul3A_21 = vector.broadcast %get3A_17 : f32 to vector<2048x128xf32>
    %mul3A_22 = arith.mulf %mul3A_21, %get3A_20 : vector<2048x128xf32>
    %get3A_23 = arith.constant 1 : index
    %get3A_24 = memref.load %arg1[%get3A_23] : memref<2xf32, #tpu.memory_space<smem>>
    %mul3A_25 = vector.broadcast %get3A_24 : f32 to vector<2048x128xf32>
    %mul3A_26 = arith.mulf %mul3A_25, %mul3A : vector<2048x128xf32>
    %add3A_27 = arith.addf %mul3A_22, %mul3A_26 : vector<2048x128xf32>
    %max3A = arith.constant 0.000000e+00 : f32
    %max3A_28 = vector.broadcast %max3A : f32 to vector<2048x128xf32>
    %max3A_29 = arith.maximumf %add3A_27, %max3A_28 : vector<2048x128xf32>
    %get3A_30 = arith.constant 0 : index
    %get3A_31 = arith.constant 0 : index
    %get3A_32 = vector.load %arg6[%get3A_30, %get3A_31] : memref<128x128xf32, #tpu.memory_space<vmem>>, vector<128x128xf32>
    %dot_general3A = arith.constant dense<0.000000e+00> : vector<2048x128xf32>
    %dot_general3A_33 = tpu.matmul %max3A_29, %get3A_32, %dot_general3A {dimension_numbers = #tpu.dot_dimension_numbers<[1], [0], [0], [1], [0, 0, 1, 1], [], []>, transpose_lhs_hint = false} : vector<2048x128xf32>, vector<128x128xf32>, vector<2048x128xf32> -> vector<2048x128xf32>
    %get3A_34 = arith.constant 0 : index
    %get3A_35 = arith.constant 0 : index
    %get3A_36 = vector.load %arg5[%get3A_34, %get3A_35] : memref<2048x128xf32, #tpu.memory_space<vmem>>, vector<2048x128xf32>
    %get3A_37 = arith.constant 0 : index
    %get3A_38 = arith.constant 0 : index
    %get3A_39 = vector.load %arg7[%get3A_37, %get3A_38] : memref<1x128xf32, #tpu.memory_space<vmem>>, vector<1x128xf32>
    %add3A_40 = vector.broadcast %get3A_39 : vector<1x128xf32> to vector<2048x128xf32>
    %add3A_41 = arith.addf %dot_general3A_33, %add3A_40 : vector<2048x128xf32>
    %mul3A_42 = arith.mulf %get3A_36, %add3A_41 : vector<2048x128xf32>
    %swap3A = arith.constant 0 : index
    %swap3A_43 = arith.constant 0 : index
    %swap3A_44 = vector.load %arg8[%swap3A, %swap3A_43] : memref<2048x128xf32, #tpu.memory_space<vmem>>, vector<2048x128xf32>
    tpu.vector_store %arg8[%swap3A, %swap3A_43], %mul3A_42 {strides = array<i32>} : memref<2048x128xf32, #tpu.memory_space<vmem>>, vector<2048x128xf32>,
    return
  }
  func.func @transform_0(%arg0: i32) -> i32 {
    %c0_i32 = arith.constant 0 : i32
    %c0_i32_0 = arith.constant 0 : i32
    return %c0_i32 : i32
  }
  func.func @transform_1(%arg0: i32) -> (i32, i32, i32) {
    %c0_i32 = arith.constant 0 : i32
    %c0_i32_0 = arith.constant 0 : i32
    %c0_i32_1 = arith.constant 0 : i32
    return %c0_i32, %arg0, %c0_i32_0 : i32, i32, i32
  }
  func.func @transform_2(%arg0: i32) -> (i32, i32) {
    %c0_i32 = arith.constant 0 : i32
    %c0_i32_0 = arith.constant 0 : i32
    return %arg0, %c0_i32 : i32, i32
  }
  func.func @transform_3(%arg0: i32) -> (i32, i32) {
    %c0_i32 = arith.constant 0 : i32
    %c0_i32_0 = arith.constant 0 : i32
    return %arg0, %c0_i32 : i32, i32
  }
  func.func @transform_4(%arg0: i32) -> (i32, i32) {
    %c0_i32 = arith.constant 0 : i32
    %c0_i32_0 = arith.constant 0 : i32
    return %arg0, %c0_i32 : i32, i32
  }
  func.func @transform_5(%arg0: i32) -> (i32, i32) {
    %c0_i32 = arith.constant 0 : i32
    %c0_i32_0 = arith.constant 0 : i32
    %c0_i32_1 = arith.constant 0 : i32
    return %c0_i32, %c0_i32_0 : i32, i32
  }
  func.func @transform_6(%arg0: i32) -> (i32, i32) {
    %c0_i32 = arith.constant 0 : i32
    %c0_i32_0 = arith.constant 0 : i32
    %c0_i32_1 = arith.constant 0 : i32
    return %c0_i32, %c0_i32_0 : i32, i32
  }
  func.func @transform_7(%arg0: i32) -> (i32, i32) {
    %c0_i32 = arith.constant 0 : i32
    %c0_i32_0 = arith.constant 0 : i32
    return %arg0, %c0_i32 : i32, i32
  }
}

module attributes {stable_mosaic.version = 14 : i64} {
  func.func @_final_body(%arg0: i32, %arg1: memref<2xf32, #tpu.memory_space<smem>>, %arg2: memref<2x2048x128xf32, #tpu.memory_space<vmem>>, %arg3: memref<2048x128xf32, #tpu.memory_space<vmem>>, %arg4: memref<2048x128xf32, #tpu.memory_space<vmem>>, %arg5: memref<2048x128xf32, #tpu.memory_space<vmem>>, %arg6: memref<2048x128xf32, #tpu.memory_space<vmem>>) attributes {dimension_semantics = [#tpu.dimension_semantics<arbitrary>], iteration_bounds = array<i64: 5>, scalar_prefetch = 0 : i64, scratch_operands = 0 : i64, tpu.core_type = #tpu.core_type<tc>, window_params = [{transform_indices = @transform_0, window_bounds = array<i64: 2>}, {transform_indices = @transform_1, window_bounds = array<i64: 2, 2048, 128>}, {transform_indices = @transform_2, window_bounds = array<i64: 2048, 128>}, {transform_indices = @transform_3, window_bounds = array<i64: 2048, 128>}, {transform_indices = @transform_4, window_bounds = array<i64: 2048, 128>}, {transform_indices = @transform_5, window_bounds = array<i64: 2048, 128>}]} {
    %get3A = arith.constant 0 : index
    %get3A_0 = arith.constant 0 : index
    %get3A_1 = vector.load %arg5[%get3A, %get3A_0] : memref<2048x128xf32, #tpu.memory_space<vmem>>, vector<2048x128xf32>
    %get3A_2 = arith.constant 0 : index
    %get3A_3 = arith.constant 0 : index
    %get3A_4 = arith.constant 0 : index
    %get3A_5 = vector.load %arg2[%get3A_2, %get3A_3, %get3A_4] : memref<2x2048x128xf32, #tpu.memory_space<vmem>>, vector<1x2048x128xf32>
    %get3A_6 = vector.shape_cast %get3A_5 : vector<1x2048x128xf32> to vector<2048x128xf32>
    %get3A_7 = arith.constant 1 : index
    %get3A_8 = arith.constant 0 : index
    %get3A_9 = arith.constant 0 : index
    %get3A_10 = vector.load %arg2[%get3A_7, %get3A_8, %get3A_9] : memref<2x2048x128xf32, #tpu.memory_space<vmem>>, vector<1x2048x128xf32>
    %get3A_11 = vector.shape_cast %get3A_10 : vector<1x2048x128xf32> to vector<2048x128xf32>
    %add3A = arith.addf %get3A_6, %get3A_11 : vector<2048x128xf32>
    %get3A_12 = arith.constant 0 : index
    %get3A_13 = arith.constant 0 : index
    %get3A_14 = vector.load %arg3[%get3A_12, %get3A_13] : memref<2048x128xf32, #tpu.memory_space<vmem>>, vector<2048x128xf32>
    %add3A_15 = arith.addf %add3A, %get3A_14 : vector<2048x128xf32>
    %mul3A = arith.mulf %get3A_1, %add3A_15 : vector<2048x128xf32>
    %get3A_16 = arith.constant 0 : index
    %get3A_17 = memref.load %arg1[%get3A_16] : memref<2xf32, #tpu.memory_space<smem>>
    %get3A_18 = arith.constant 0 : index
    %get3A_19 = arith.constant 0 : index
    %get3A_20 = vector.load %arg4[%get3A_18, %get3A_19] : memref<2048x128xf32, #tpu.memory_space<vmem>>, vector<2048x128xf32>
    %mul3A_21 = vector.broadcast %get3A_17 : f32 to vector<2048x128xf32>
    %mul3A_22 = arith.mulf %mul3A_21, %get3A_20 : vector<2048x128xf32>
    %get3A_23 = arith.constant 1 : index
    %get3A_24 = memref.load %arg1[%get3A_23] : memref<2xf32, #tpu.memory_space<smem>>
    %mul3A_25 = vector.broadcast %get3A_24 : f32 to vector<2048x128xf32>
    %mul3A_26 = arith.mulf %mul3A_25, %mul3A : vector<2048x128xf32>
    %add3A_27 = arith.addf %mul3A_22, %mul3A_26 : vector<2048x128xf32>
    %swap3A = arith.constant 0 : index
    %swap3A_28 = arith.constant 0 : index
    %swap3A_29 = vector.load %arg6[%swap3A, %swap3A_28] : memref<2048x128xf32, #tpu.memory_space<vmem>>, vector<2048x128xf32>
    tpu.vector_store %arg6[%swap3A, %swap3A_28], %add3A_27 {strides = array<i32>} : memref<2048x128xf32, #tpu.memory_space<vmem>>, vector<2048x128xf32>,
    return
  }
  func.func @transform_0(%arg0: i32) -> i32 {
    %c0_i32 = arith.constant 0 : i32
    %c0_i32_0 = arith.constant 0 : i32
    return %c0_i32 : i32
  }
  func.func @transform_1(%arg0: i32) -> (i32, i32, i32) {
    %c0_i32 = arith.constant 0 : i32
    %c0_i32_0 = arith.constant 0 : i32
    %c0_i32_1 = arith.constant 0 : i32
    return %c0_i32, %arg0, %c0_i32_0 : i32, i32, i32
  }
  func.func @transform_2(%arg0: i32) -> (i32, i32) {
    %c0_i32 = arith.constant 0 : i32
    %c0_i32_0 = arith.constant 0 : i32
    return %arg0, %c0_i32 : i32, i32
  }
  func.func @transform_3(%arg0: i32) -> (i32, i32) {
    %c0_i32 = arith.constant 0 : i32
    %c0_i32_0 = arith.constant 0 : i32
    return %arg0, %c0_i32 : i32, i32
  }
  func.func @transform_4(%arg0: i32) -> (i32, i32) {
    %c0_i32 = arith.constant 0 : i32
    %c0_i32_0 = arith.constant 0 : i32
    return %arg0, %c0_i32 : i32, i32
  }
  func.func @transform_5(%arg0: i32) -> (i32, i32) {
    %c0_i32 = arith.constant 0 : i32
    %c0_i32_0 = arith.constant 0 : i32
    return %arg0, %c0_i32 : i32, i32
  }
}

</mosaic_0001>

<sc_bundles>
// kernel: kernel.12.cloned.1.call-start
scs
__scs_entry_jumppad:
0x0: {  	(pc) =	sbr.rel $0x88, $3  }
0x1: {  	(tag) =	ssettag $0x0;
	lr =	simm.s32 $0x1  }
0x2: {  	[smem:$0x3F99] =	sst lr;
	_ =	strace $0xD0000000  }
0x3: {  	_ = 	snop  }
0x4: {  	_ = 	snop  }
0x5: {  	_ = 	snop  }
0x6: {  	_ = 	snop  }
0x7: {  	_ = 	snop  }
__scs_overlays_trampoline_lowered:
0x8: {  	[smem:$0x3FA8] =	sst s0  }
0x9: {  	[smem:$0x3FA9] =	sst s1  }
0xa: {  	[smem:$0x3FAA] =	sst s2  }
0xb: {  	[smem:$0x3FAB] =	sst s3  }
0xc: {  	[smem:$0x3FAC] =	sst s4  }
0xd: {  	[smem:$0x3FAD] =	sst s5  }
0xe: {  	[smem:$0x3FAE] =	sst s6  }
0xf: {  	[smem:$0x3FAF] =	sst s7  }
0x10: {  	[smem:$0x3FB0] =	sst s8  }
0x11: {  	[smem:$0x3FB1] =	sst s9;
	s0 =	simm.s32 @!p0 $0x0  }
0x12: {  	s1 =	sld [smem:$0x3F97];
	s0 =	simm.s32 @p0 $0x1  }
0x13: {  	[smem:$0x3FB2] =	sst s0;
	s0 =	simm.s32 @!p1 $0x0  }
0x14: {  	s2 =	sld [smem:$0x3F96];
	s0 =	simm.s32 @p1 $0x1  }
0x15: {  	[smem:$0x3FB3] =	sst s0;
	s0 =	simm.s32 @!p2 $0x0  }
0x16: {  	s3 =	sld [smem:$0x3FDB];
	s0 =	simm.s32 @p2 $0x1  }
0x17: {  	s4 =	simm.s32 $0x1BF5;
	[smem:$0x3FB5] =	sst s0  }
0x18: {  	s0 =	sld [smem:$0x3F98];
	_ =	swait.ge [sflag:s4], $0x0  }
0x19: {  	s7 =	sld [smem:$0x3F99]  }
0x1a: {  	s8 =	sadd.s32 $0xFFFFE003, lr  }
0x1b: {  	s9 =	sadd.s32 $0xFFFFFEF7, lr;
	s5 =	simm.s32 $0xFFFFFFFF;
	p2 =	slt.u32 s8, $0xFFFFF086  }
0x1c: {  	p1 =	slt.u32 s9, $0xF7A;
	s5 =	simm.s32 @!p2 $0x0  }
0x1d: {  	s5 =	simm.s32 @p1 $0x1;
	p0 =	seq.s32 s7, s2  }
0x1e: {  	s7 =	smul.u32 @!p0 $0xF7A, s2;
	p2 =	seq.s32 @!p0 s5, $0x0  }
0x1f: {  	s9 =	smul.u32 $0xF7A, s1;
	s8 =	simm.s32 @!p0 $0x1BF5;
	p2 =	por !p2, p0  }
0x20: {  	[sflag:s8] =	ssyncset.s32 @!p0 $0xFFFFF086;
	s6 =	sadd.s32 @!p0 s3, s7;
	s7 =	simm.s32 @!p0 $0x108  }
0x21: {  	s3 =	sadd.s32 s3, s9;
	s6 =	sadd.s32 @!p0 $0x88, s6;
	s7 =	simm.s32 @p2 $0x1082  }
0x22: {  	[simem:s7], [sflag:s8] =	dma.local @!p0 [hbm:s6], $0xF7A  }
0x23: {  	s9 =	sor.u32 $0xD0000000, s2;
	s6 =	simm.s32 $0x108;
	_ =	swait.ge @!p0 [sflag:s8], $0x0  }
0x24: {  	s3 =	sadd.s32 $0x88, s3;
	s6 =	simm.s32 @!p1 $0x1082;
	[sflag:s4] =	ssyncset.s32 $0xFFFFF086  }
0x25: {  	[simem:s6], [sflag:s4] =	dma.local [hbm:s3], $0xF7A  }
0x26: {  	[smem:$0x3F99] =	sst s1;
	(tag) =	ssettag s2;
	_ =	strace s9  }
0x27: {  	s1 =	sld [smem:$0x3FA9]  }
0x28: {  	s2 =	sld [smem:$0x3FAA]  }
0x29: {  	s4 =	sld [smem:$0x3FAC]  }
0x2a: {  	p0 =	seq.s32 s5, $0x0;
	s5 =	sld [smem:$0x3FAD]  }
0x2b: {  	s6 =	sld [smem:$0x3FAE]  }
0x2c: {  	s7 =	sld [smem:$0x3FAF]  }
0x2d: {  	s3 =	simm.s32 $0x108;
	s8 =	sld [smem:$0x3FB0]  }
0x2e: {  	s3 =	simm.s32 @!p0 $0x1082;
	s9 =	sld [smem:$0x3FB1]  }
0x2f: {  	lr =	sadd.s32 s0, s3;
	s0 =	sld [smem:$0x3FA8]  }
0x30: {  	s3 =	sld [smem:$0x3FAB]  }
0x31: {  	[smem:$0x3FB4] =	sst s10  }
0x32: {  	s10 =	sld [smem:$0x3FB2];
	_ =	sdelay $0x3  }
0x33: {  	p0 =	seq.s32 s10, $0x1;
	s10 =	sld [smem:$0x3FB4];
	_ =	sdelay $0x3  }
0x34: {  	[smem:$0x3FB4] =	sst s10  }
0x35: {  	s10 =	sld [smem:$0x3FB3];
	_ =	sdelay $0x3  }
0x36: {  	p1 =	seq.s32 s10, $0x1;
	s10 =	sld [smem:$0x3FB4];
	_ =	sdelay $0x3  }
0x37: {  	[smem:$0x3FB4] =	sst s10  }
0x38: {  	s10 =	sld [smem:$0x3FB5]  }
0x39: {  	_ = 	snop;
	(pc) =	sbr.ind lr, $3  }
0x3a: {  	_ = 	snop  }
0x3b: {  	_ = 	snop  }
0x3c: {  	p2 =	seq.s32 s10, $0x1;
	s10 =	sld [smem:$0x3FB4]  }
0x3d: {  	_ =	shalt  }
0x3e: {  	_ =	shalt  }
0x3f: {  	_ =	shalt  }
0x40: {  	_ =	shalt  }
0x41: {  	_ =	shalt  }
0x42: {  	_ =	shalt  }
0x43: {  	_ =	shalt  }
0x44: {  	_ =	shalt  }
0x45: {  	_ =	shalt  }
0x46: {  	_ =	shalt  }
0x47: {  	_ =	shalt  }
0x48: {  	_ =	shalt  }
0x49: {  	_ =	shalt  }
0x4a: {  	_ =	shalt  }
0x4b: {  	_ =	shalt  }
0x4c: {  	_ =	shalt  }
0x4d: {  	_ =	shalt  }
0x4e: {  	_ =	shalt  }
0x4f: {  	_ =	shalt  }
0x50: {  	_ =	shalt  }
0x51: {  	_ =	shalt  }
0x52: {  	_ =	shalt  }
0x53: {  	_ =	shalt  }
0x54: {  	_ =	shalt  }
0x55: {  	_ =	shalt  }
0x56: {  	_ =	shalt  }
0x57: {  	_ =	shalt  }
0x58: {  	_ =	shalt  }
0x59: {  	_ =	shalt  }
0x5a: {  	_ =	shalt  }
0x5b: {  	_ =	shalt  }
0x5c: {  	_ =	shalt  }
0x5d: {  	_ =	shalt  }
0x5e: {  	_ =	shalt  }
0x5f: {  	_ =	shalt  }
0x60: {  	_ =	shalt  }
0x61: {  	_ =	shalt  }
0x62: {  	_ =	shalt  }
0x63: {  	_ =	shalt  }
0x64: {  	_ =	shalt  }
0x65: {  	_ =	shalt  }
0x66: {  	_ =	shalt  }
0x67: {  	_ =	shalt  }
0x68: {  	_ =	shalt  }
0x69: {  	_ =	shalt  }
0x6a: {  	_ =	shalt  }
0x6b: {  	_ =	shalt  }
0x6c: {  	_ =	shalt  }
0x6d: {  	_ =	shalt  }
0x6e: {  	_ =	shalt  }
0x6f: {  	_ =	shalt  }
0x70: {  	_ =	shalt  }
0x71: {  	_ =	shalt  }
0x72: {  	_ =	shalt  }
0x73: {  	_ =	shalt  }
0x74: {  	_ =	shalt  }
0x75: {  	_ =	shalt  }
0x76: {  	_ =	shalt  }
0x77: {  	_ =	shalt  }
0x78: {  	_ =	shalt  }
0x79: {  	_ =	shalt  }
0x7a: {  	_ =	shalt  }
0x7b: {  	_ =	shalt  }
0x7c: {  	_ =	shalt  }
0x7d: {  	_ =	shalt  }
0x7e: {  	_ =	shalt  }
0x7f: {  	_ =	shalt  }
0x80: {  	_ =	shalt  }
0x81: {  	_ =	shalt  }
0x82: {  	_ =	shalt  }
0x83: {  	_ =	shalt  }
0x84: {  	_ =	shalt  }
0x85: {  	_ =	shalt  }
0x86: {  	_ =	shalt  }
0x87: {  	_ =	shalt  }
.Lfunc_end0:
.L_simem_size_0:
called_computation_lowered:
.L_overlay_start_0:
0x88: {  	s2 =	sld [smem:$0x3FD9]  }
0x89: {  	s3 =	sld [smem:$0x3FFE];
	_ =	sdelay $0x1  }
0x8a: {  	s1 =	srdreg.scid  }
0x8b: {  	s0 =	sand.u32 $0x1, s1  }
0x8c: {  	s17 =	sshll.u32 s0, $0xA;
	s2 =	sadd.s32 s3, s2  }
0x8d: {  	s2 =	sadd.s32 s2, s17  }
0x8e: {  	[smem:$0x3FC0] =	sst s2  }
0x8f: {  	_ = 	snop  }
0x90: {  	s2 =	sld [smem:$0x3FD0];
	(tm) =	ssettm $0x1  }
0x91: {  	s18 =	sld [smem:$0x3FFB];
	_ =	sdelay $0x3  }
0x92: {  	_ =	strace s18  }
0x93: {  	s3 =	sld [smem:$0x3FFC];
	_ =	sdelay $0x3  }
0x94: {  	_ =	strace s3  }
0x95: {  	s3 =	sld [smem:$0x3FFD];
	_ =	sdelay $0x3  }
0x96: {  	_ =	strace s3  }
0x97: {  	_ =	strace $0x8FFFFFFF  }
0x98: {  	s19 =	sld [smem:$0x3FDB];
	_ =	sdelay $0x1  }
0x99: {  	s4 =	simm.s32 $_scs_section_size  }
0x9a: {  	s5 =	simm.s32 $_size__tile_overlayer_lowered;
	s6 =	simm.s32 $_tile_overlayer_lowered  }
0x9b: {  	s22 =	simm.s32 $0x1BFF;
	s21 =	sshll.u32 s6, $0x1;
	s3 =	sadd.s32 s4, s19  }
0x9c: {  	s7 =	simm.s32 $0x0;
	s20 =	sshll.u32 s5, $0x1;
	s5 =	sadd.s32 s21, s3  }
0x9d: {  	[timem:s7], [sflag:s22] =	dma.local [hbm:s5], s20  }
0x9e: {  	_ =	swait.ge [sflag:s22], s20  }
0x9f: {  	s4 =	ssub.s32 $0x0, s20;
	[sflag:s22] =	ssyncset.done $0x0  }
0xa0: {  	[sflag:s22] =	ssyncadd.s32 s4;
	_ =	sdelay $0x1  }
0xa1: {  	s23 =	simm.s32 $0x1B8B  }
0xa2: {  	_ =	swait.ge [sflag:s23], $0x1  }
0xa3: {  	[sflag:s23] =	ssyncset.done $0x0  }
0xa4: {  	s25 =	simm.s32 $0x1B8E;
	s24 =	sld [smem:$0x3FFE];
	[sflag:s23] =	ssyncadd.s32 $0xFFFFFFFF  }
0xa5: {  	s26 =	simm.s32 $execute0_lowered;
	[smem:$0x3FD2] =	sst s25  }
0xa6: {  	s5 =	sshll.u32 s26, $0x1;
	_ =	strace $0x80000046;
	[dreg:$0x1] =	wrdreg $0xFFFFFFFF  }
0xa7: {  	s28 =	simm.s32 $_size_execute0_lowered;
	s3 =	sadd.s32 s3, s5;
	[dreg:$0x0] =	wrdreg $0x0  }
0xa8: {  	s5 =	sshll.u32 s28, $0x1;
	[dreg:$0x2] =	wrdreg s3  }
0xa9: {  	[dreg:$0x3] =	wrdreg s5  }
0xaa: {  	[dreg:$0x4] =	wrdreg $0xC0  }
0xab: {  	_ =	task [dreg:s7], $0x5FFFF  }
0xac: {  	[dreg:$0x1] =	wrdreg $0xFFFFFFFF  }
0xad: {  	[dreg:$0x0] =	wrdreg $0x60  }
0xae: {  	[dreg:$0x2] =	wrdreg s2  }
0xaf: {  	[dreg:$0x3] =	wrdreg s24  }
0xb0: {  	[dreg:$0x4] =	wrdreg $0x0  }
0xb1: {  	[dreg:$0x5] =	wrdreg $0x9  }
0xb2: {  	_ =	task.clear_ibuf [dreg:s7], $0x6FFFF;
	_ =	strace $0x90000046  }
0xb3: {  	s29 =	simm.s32 $0x9;
	_ =	strace $0x80000048  }
0xb4: {  	_ =	swait.ge [sflag:s29], $0x1  }
0xb5: {  	[sflag:s29] =	ssyncadd.s32 $0xFFFFFFFF  }
0xb6: {  	_ =	strace $0x90000048  }
0xb7: {  	_ =	sfence  }
0xb8: {  	s30 =	sld [smem:$0x0];
	_ =	sdelay $0x2  }
0xb9: {  	s31 =	sshll.u32 s1, $0xD;
	s1 =	sshrl.u32 s1, $0x2  }
0xba: {  	s3 =	sand.u32 $0x4000, s31;
	s1 =	sadd.s32 s1, s30  }
0xbb: {  	s0 =	sor.u32 s3, s0;
	s1 =	sshll.u32 s1, $0x11  }
0xbc: {  	s0 =	sor.u32 s1, s0  }
0xbd: {  	s0 =	sadd.s32 $0x8F2B, s0  }
0xbe: {  	[sflag:s0] =	ssyncadd.remote.s32 $0x1  }
0xbf: {  	_ =	sfence.sel $0xFFFF  }
0xc0: {  	[dreg:$0x0] =	wrdreg $0xFFFFFFFF;
	(pc) =	sbr.abs _section_cstart, $3  }
0xc1: {  	[dreg:$0x1] =	wrdreg $0xFFFFFFFF  }
0xc2: {  	_ =	task.clear_ibuf [dreg:s7], $0x2FFFF;
	_ =	strace $0x9FFFFFFF  }
0xc3: {  	(tm) =	ssettm $0x7FFFFFFF  }
tec
execute0_lowered:
.L_overlay_start_1:
0x0: {  	(tag) =	ssettag $0x1  }
0x1: {  	s9 =	rddreg [dreg:$0x0]  }
0x2: {  	s4 =	rddreg [dreg:$0x1]  }
0x3: {  	s2 =	rddreg [dreg:$0x2]  }
0x4: {  	s0 =	srdreg.scid;
	s1 =	rddreg [dreg:$0x3];
	s3 =	simm.s32 $0x0  }
0x5: {  	s13 =	simm.s32 $0x1;
	s14 =	simm.s32 $0x2800;
	s5 =	sand.u32 $0x1, s0  }
0x6: {  	s15 =	simm.s32 $0x78;
	s0 =	stileid.u32;
	s6 =	smul.u32 $0x140000, s5  }
0x7: {  	s16 =	simm.s32 $0x5400;
	[smem:$0x7FF] =	sst s3;
	s7 =	smul.u32 $0x14000, s0  }
0x8: {  	_ =	strace $0x80000047;
	s29 =	smul.u32 $0x50000, s0;
	s30 =	ssub.s32 $0x2, s5  }
0x9: {  	s5 =	sshll.u32 s5, $0x4;
	s17 =	sshll.u32 s0, $0x6;
	s31 =	sshrl.u32 s30, $0x1  }
0xa: {  	s5 =	sor.u32 s0, s5;
	s17 =	sor.u32 $0x1C01, s17;
	s6 =	sadd.s32 s7, s6  }
0xb: {  	s11 =	ssub.s32 s30, s31;
	s12 =	smul.u32 $0x580, s5;
	s6 =	sshrl.u32 s6, $0x3  }
0xc: {  	s7 =	sshrl.u32 s29, $0x2;
	s11 =	smax.u32 s11, $0x1;
	s10 =	sadd.s32 s6, s4  }
0xd: {  	s4 =	sadd.s32 s7, s2;
	s9 =	sadd.s32 s9, s12;
	s12 =	simm.s32 $0x9000  }
0xe: {  	s5 =	sadd.s32 $0x4000, s4;
	s6 =	sadd.s32 $0x8000, s4;
	s7 =	sadd.s32 $0xC000, s4  }
0xf: {  	v0 =	vimm.f32 $0.0e+00;
	v1 =	vimm.f32 $1.000000000e+00;
	s8 =	sadd.s32 $0x10000, s4;
	s10 =	sadd.s32 $0x3000, s10;
	s18 =	sshrl.u32 s4, $0x3  }
.LBB2_1:
0x10: {  	s19 =	simm.s32 $0x200;
	s20 =	simm.s32 $0x0  }
.LBB2_2:
0x11: {  	p0 =	sne.s32 s19, $0xFE00;
	[tilespmem:s20+$0x9000] =	vst v0;
	s20 =	smov.u32 s19;
	s19 =	sadd.s32 $0x200, s19  }
.Ltmp0:
0x12: {  	(pc) =	sbr.rel @p0 .LBB2_2-.Ltmp0, $2  }
0x13: {  	_ =	sdelay $0x2  }
0x14: {  	s20 =	sshra.s32 s20, $0x2  }
0x15: {  	[tilespmem:s20+$0x9000] =	vst v0  }
0x16: {  	[spmem:s4] =	stream.linear.scatter [tilespmem:s12], [sflag:$0x1], $0x4000, $0x38;
	[tilespmem:$0xD000] =	vst v63  }
0x17: {  	_ =	swait.ge [sflag:s13], $0x4000  }
0x18: {  	[sflag:s13] =	ssyncset.done $0x0  }
0x19: {  	[sflag:s13] =	ssyncadd.s32 $0xFFFFC000  }
0x1a: {  	[spmem:s5] =	stream.linear.scatter [tilespmem:s12], [sflag:$0x1], $0x4000, $0x38;
	[tilespmem:$0xD000] =	vst v63  }
0x1b: {  	_ =	swait.ge [sflag:s13], $0x4000  }
0x1c: {  	[sflag:s13] =	ssyncset.done $0x0  }
0x1d: {  	[sflag:s13] =	ssyncadd.s32 $0xFFFFC000  }
0x1e: {  	[spmem:s6] =	stream.linear.scatter [tilespmem:s12], [sflag:$0x1], $0x4000, $0x38;
	[tilespmem:$0xD000] =	vst v63  }
0x1f: {  	_ =	swait.ge [sflag:s13], $0x4000  }
0x20: {  	[sflag:s13] =	ssyncset.done $0x0  }
0x21: {  	[sflag:s13] =	ssyncadd.s32 $0xFFFFC000  }
0x22: {  	[spmem:s7] =	stream.linear.scatter [tilespmem:s12], [sflag:$0x1], $0x4000, $0x38;
	[tilespmem:$0xD000] =	vst v63  }
0x23: {  	_ =	swait.ge [sflag:s13], $0x4000  }
0x24: {  	[sflag:s13] =	ssyncset.done $0x0  }
0x25: {  	[sflag:s13] =	ssyncadd.s32 $0xFFFFC000  }
0x26: {  	[spmem:s8] =	stream.linear.scatter [tilespmem:s12], [sflag:$0x1], $0x4000, $0x38;
	[tilespmem:$0xD000] =	vst v63  }
0x27: {  	_ =	swait.ge [sflag:s13], $0x4000  }
0x28: {  	[sflag:s13] =	ssyncset.done $0x0  }
0x29: {  	s19 =	simm.s32 $0x200;
	s20 =	simm.s32 $0x0;
	[sflag:s13] =	ssyncadd.s32 $0xFFFFC000  }
.LBB2_4:
0x2a: {  	p0 =	sne.s32 s19, $0xEE00;
	[tilespmem:s20+$0x5400] =	vst v1;
	s20 =	smov.u32 s19;
	s19 =	sadd.s32 $0x200, s19  }
.Ltmp1:
0x2b: {  	(pc) =	sbr.rel @p0 .LBB2_4-.Ltmp1, $2  }
0x2c: {  	_ =	sdelay $0x2  }
0x2d: {  	s20 =	sshra.s32 s20, $0x2  }
0x2e: {  	[tilespmem:s20+$0x5400] =	vst v1;
	s19 =	simm.s32 $0x0  }
0x2f: {  	[tilespmem:s14], [sflag:$0x1] =	stream.linear.gather [hbm4b:s9+s19], $0x2A00, $0x38;
	[tilespmem:$0xD000] =	vst v63  }
0x30: {  	_ =	swait.ge [sflag:s13], $0x2A00  }
0x31: {  	[sflag:s13] =	ssyncset.done $0x0  }
0x32: {  	[sflag:s13] =	ssyncadd.s32 $0xFFFFD600  }
0x33: {  	s31 =	simm.s32 $0x2800;
	[bflag:$0x0] =	sbarrier.arrive $0xFFFF  }
0x34: {  	[spmem:s2] =	stream.indirect.scatter.add.f32 [tilespmem:s16], [sflag:$0x1], $0x10, s31, s15, $0xb8;
	[tilespmem:$0xD000] =	vst v63  }
0x35: {  	s19 =	simm.s32 $0x200;
	_ =	swait.ge [sflag:s13], $0x780  }
.LBB2_6:
0x36: {  	s20 =	sshra.s32 s19, $0x2;
	[sflag:s13] =	ssyncset.done $0x0;
	p0 =	sne.s32 s19, $0xA600  }
.Ltmp2:
0x37: {  	s20 =	sadd.s32 $0x2800, s20;
	[sflag:s13] =	ssyncadd.s32 $0xFFFFF880;
	(pc) =	sbr.rel @p0 .LBB2_6-.Ltmp2, $3  }
0x38: {  	[spmem:s2] =	stream.indirect.scatter.add.f32 [tilespmem:s16], [sflag:$0x1], $0x10, s20, s15, $0xb8;
	[tilespmem:$0xD000] =	vst v63  }
0x39: {  	s19 =	sadd.s32 $0x200, s19;
	_ =	sdelay $0x1  }
0x3a: {  	_ =	swait.ge [sflag:s13], $0x780  }
0x3b: {  	[sflag:s13] =	ssyncset.done $0x0;
	s3 =	sadd.s32 $0x1, s3  }
0x3c: {  	[sflag:s13] =	ssyncadd.s32 $0xFFFFF880;
	p0 =	sne.s32 s3, s11  }
.Ltmp3:
0x3d: {  	[bflag:$0x0] =	sbarrier.arrive $0xFFFF;
	(pc) =	sbr.rel @p0 .LBB2_1-.Ltmp3, $4  }
0x3e: {  	[hbm:s10], [sflag:s17] =	dma.local [spmem:s18], $0x2800  }
0x3f: {  	_ =	swait.ge [sflag:s13], $0x2800  }
0x40: {  	[sflag:s13] =	ssyncset.done $0x0  }
0x41: {  	[sflag:s13] =	ssyncadd.s32 $0xFFFFD800  }
0x42: {  	_ =	sfence.sel $0x180000  }
0x43: {  	[bflag:$0x0] =	sbarrier.arrive $0xFFFF  }
0x44: {  	p0 =	sne.s32 s0, $0x0;
	_ =	strace $0x90000047  }
0x45: {  	s0 =	sadd.s32 @!p0 $0x100000, s1;
	[bflag:$0x2] =	sbarrier.arrive $0xFFFF  }
0x46: {  	[sflag:s0] =	ssyncadd.tile.s32 @!p0 $0x1;
	_ =	shalt  }
.Lfunc_end2:
_tile_overlayer_lowered:
.L_overlay_start_2:
0x47: {  	(tag) =	ssettag $0x2  }
0x48: {  	s0 =	rddreg [dreg:$0x0];
	s2 =	stileid.u32  }
0x49: {  	s1 =	rddreg [dreg:$0x1];
	p0 =	sne.s32 s2, $0x0  }
0x4a: {  	s3 =	rddreg [dreg:$0x2];
	[bflag:$0x3] =	sbarrier.arrive $0xFFFF;
	s2 =	simm.s32 @!p0 $0x1C01  }
0x4b: {  	[timem:s3], [sflag:s2] =	dma.local @!p0 [hbm:s0], s1  }
0x4c: {  	s0 =	simm.s32 @!p0 $0x1  }
0x4d: {  	_ =	swait.ge @!p0 [sflag:s0], s1  }
0x4e: {  	s1 =	ssub.s32 @!p0 $0x0, s1;
	[sflag:s0] =	ssyncset.done @!p0 $0x0  }
0x4f: {  	[sflag:s0] =	ssyncadd.s32 @!p0 s1  }
0x50: {  	[bflag:$0x3] =	sbarrier.arrive $0xFFFF  }
0x51: {  	_ =	shalt  }

// kernel: kernel.15.cloned.1.call-start
scs
__scs_entry_jumppad:
0x0: {  	(pc) =	sbr.rel $0x88, $3  }
0x1: {  	(tag) =	ssettag $0x0;
	lr =	simm.s32 $0x1  }
0x2: {  	[smem:$0x3F99] =	sst lr;
	_ =	strace $0xD0000000  }
0x3: {  	_ = 	snop  }
0x4: {  	_ = 	snop  }
0x5: {  	_ = 	snop  }
0x6: {  	_ = 	snop  }
0x7: {  	_ = 	snop  }
__scs_overlays_trampoline_lowered:
0x8: {  	[smem:$0x3FA8] =	sst s0  }
0x9: {  	[smem:$0x3FA9] =	sst s1  }
0xa: {  	[smem:$0x3FAA] =	sst s2  }
0xb: {  	[smem:$0x3FAB] =	sst s3  }
0xc: {  	[smem:$0x3FAC] =	sst s4  }
0xd: {  	[smem:$0x3FAD] =	sst s5  }
0xe: {  	[smem:$0x3FAE] =	sst s6  }
0xf: {  	[smem:$0x3FAF] =	sst s7  }
0x10: {  	[smem:$0x3FB0] =	sst s8  }
0x11: {  	[smem:$0x3FB1] =	sst s9;
	s0 =	simm.s32 @!p0 $0x0  }
0x12: {  	s1 =	sld [smem:$0x3F97];
	s0 =	simm.s32 @p0 $0x1  }
0x13: {  	[smem:$0x3FB2] =	sst s0;
	s0 =	simm.s32 @!p1 $0x0  }
0x14: {  	s2 =	sld [smem:$0x3F96];
	s0 =	simm.s32 @p1 $0x1  }
0x15: {  	[smem:$0x3FB3] =	sst s0;
	s0 =	simm.s32 @!p2 $0x0  }
0x16: {  	s3 =	sld [smem:$0x3FDB];
	s0 =	simm.s32 @p2 $0x1  }
0x17: {  	s4 =	simm.s32 $0x1BF5;
	[smem:$0x3FB5] =	sst s0  }
0x18: {  	s0 =	sld [smem:$0x3F98];
	_ =	swait.ge [sflag:s4], $0x0  }
0x19: {  	s7 =	sld [smem:$0x3F99]  }
0x1a: {  	s8 =	sadd.s32 $0xFFFFE003, lr  }
0x1b: {  	s9 =	sadd.s32 $0xFFFFFEF7, lr;
	s5 =	simm.s32 $0xFFFFFFFF;
	p2 =	slt.u32 s8, $0xFFFFF086  }
0x1c: {  	p1 =	slt.u32 s9, $0xF7A;
	s5 =	simm.s32 @!p2 $0x0  }
0x1d: {  	s5 =	simm.s32 @p1 $0x1;
	p0 =	seq.s32 s7, s2  }
0x1e: {  	s7 =	smul.u32 @!p0 $0xF7A, s2;
	p2 =	seq.s32 @!p0 s5, $0x0  }
0x1f: {  	s9 =	smul.u32 $0xF7A, s1;
	s8 =	simm.s32 @!p0 $0x1BF5;
	p2 =	por !p2, p0  }
0x20: {  	[sflag:s8] =	ssyncset.s32 @!p0 $0xFFFFF086;
	s6 =	sadd.s32 @!p0 s3, s7;
	s7 =	simm.s32 @!p0 $0x108  }
0x21: {  	s3 =	sadd.s32 s3, s9;
	s6 =	sadd.s32 @!p0 $0x88, s6;
	s7 =	simm.s32 @p2 $0x1082  }
0x22: {  	[simem:s7], [sflag:s8] =	dma.local @!p0 [hbm:s6], $0xF7A  }
0x23: {  	s9 =	sor.u32 $0xD0000000, s2;
	s6 =	simm.s32 $0x108;
	_ =	swait.ge @!p0 [sflag:s8], $0x0  }
0x24: {  	s3 =	sadd.s32 $0x88, s3;
	s6 =	simm.s32 @!p1 $0x1082;
	[sflag:s4] =	ssyncset.s32 $0xFFFFF086  }
0x25: {  	[simem:s6], [sflag:s4] =	dma.local [hbm:s3], $0xF7A  }
0x26: {  	[smem:$0x3F99] =	sst s1;
	(tag) =	ssettag s2;
	_ =	strace s9  }
0x27: {  	s1 =	sld [smem:$0x3FA9]  }
0x28: {  	s2 =	sld [smem:$0x3FAA]  }
0x29: {  	s4 =	sld [smem:$0x3FAC]  }
0x2a: {  	p0 =	seq.s32 s5, $0x0;
	s5 =	sld [smem:$0x3FAD]  }
0x2b: {  	s6 =	sld [smem:$0x3FAE]  }
0x2c: {  	s7 =	sld [smem:$0x3FAF]  }
0x2d: {  	s3 =	simm.s32 $0x108;
	s8 =	sld [smem:$0x3FB0]  }
0x2e: {  	s3 =	simm.s32 @!p0 $0x1082;
	s9 =	sld [smem:$0x3FB1]  }
0x2f: {  	lr =	sadd.s32 s0, s3;
	s0 =	sld [smem:$0x3FA8]  }
0x30: {  	s3 =	sld [smem:$0x3FAB]  }
0x31: {  	[smem:$0x3FB4] =	sst s10  }
0x32: {  	s10 =	sld [smem:$0x3FB2];
	_ =	sdelay $0x3  }
0x33: {  	p0 =	seq.s32 s10, $0x1;
	s10 =	sld [smem:$0x3FB4];
	_ =	sdelay $0x3  }
0x34: {  	[smem:$0x3FB4] =	sst s10  }
0x35: {  	s10 =	sld [smem:$0x3FB3];
	_ =	sdelay $0x3  }
0x36: {  	p1 =	seq.s32 s10, $0x1;
	s10 =	sld [smem:$0x3FB4];
	_ =	sdelay $0x3  }
0x37: {  	[smem:$0x3FB4] =	sst s10  }
0x38: {  	s10 =	sld [smem:$0x3FB5]  }
0x39: {  	_ = 	snop;
	(pc) =	sbr.ind lr, $3  }
0x3a: {  	_ = 	snop  }
0x3b: {  	_ = 	snop  }
0x3c: {  	p2 =	seq.s32 s10, $0x1;
	s10 =	sld [smem:$0x3FB4]  }
0x3d: {  	_ =	shalt  }
0x3e: {  	_ =	shalt  }
0x3f: {  	_ =	shalt  }
0x40: {  	_ =	shalt  }
0x41: {  	_ =	shalt  }
0x42: {  	_ =	shalt  }
0x43: {  	_ =	shalt  }
0x44: {  	_ =	shalt  }
0x45: {  	_ =	shalt  }
0x46: {  	_ =	shalt  }
0x47: {  	_ =	shalt  }
0x48: {  	_ =	shalt  }
0x49: {  	_ =	shalt  }
0x4a: {  	_ =	shalt  }
0x4b: {  	_ =	shalt  }
0x4c: {  	_ =	shalt  }
0x4d: {  	_ =	shalt  }
0x4e: {  	_ =	shalt  }
0x4f: {  	_ =	shalt  }
0x50: {  	_ =	shalt  }
0x51: {  	_ =	shalt  }
0x52: {  	_ =	shalt  }
0x53: {  	_ =	shalt  }
0x54: {  	_ =	shalt  }
0x55: {  	_ =	shalt  }
0x56: {  	_ =	shalt  }
0x57: {  	_ =	shalt  }
0x58: {  	_ =	shalt  }
0x59: {  	_ =	shalt  }
0x5a: {  	_ =	shalt  }
0x5b: {  	_ =	shalt  }
0x5c: {  	_ =	shalt  }
0x5d: {  	_ =	shalt  }
0x5e: {  	_ =	shalt  }
0x5f: {  	_ =	shalt  }
0x60: {  	_ =	shalt  }
0x61: {  	_ =	shalt  }
0x62: {  	_ =	shalt  }
0x63: {  	_ =	shalt  }
0x64: {  	_ =	shalt  }
0x65: {  	_ =	shalt  }
0x66: {  	_ =	shalt  }
0x67: {  	_ =	shalt  }
0x68: {  	_ =	shalt  }
0x69: {  	_ =	shalt  }
0x6a: {  	_ =	shalt  }
0x6b: {  	_ =	shalt  }
0x6c: {  	_ =	shalt  }
0x6d: {  	_ =	shalt  }
0x6e: {  	_ =	shalt  }
0x6f: {  	_ =	shalt  }
0x70: {  	_ =	shalt  }
0x71: {  	_ =	shalt  }
0x72: {  	_ =	shalt  }
0x73: {  	_ =	shalt  }
0x74: {  	_ =	shalt  }
0x75: {  	_ =	shalt  }
0x76: {  	_ =	shalt  }
0x77: {  	_ =	shalt  }
0x78: {  	_ =	shalt  }
0x79: {  	_ =	shalt  }
0x7a: {  	_ =	shalt  }
0x7b: {  	_ =	shalt  }
0x7c: {  	_ =	shalt  }
0x7d: {  	_ =	shalt  }
0x7e: {  	_ =	shalt  }
0x7f: {  	_ =	shalt  }
0x80: {  	_ =	shalt  }
0x81: {  	_ =	shalt  }
0x82: {  	_ =	shalt  }
0x83: {  	_ =	shalt  }
0x84: {  	_ =	shalt  }
0x85: {  	_ =	shalt  }
0x86: {  	_ =	shalt  }
0x87: {  	_ =	shalt  }
.Lfunc_end0:
.L_simem_size_0:
called_computation.1_lowered:
.L_overlay_start_0:
0x88: {  	s2 =	sld [smem:$0x3FD9]  }
0x89: {  	s3 =	sld [smem:$0x3FFE];
	_ =	sdelay $0x1  }
0x8a: {  	s1 =	srdreg.scid  }
0x8b: {  	s0 =	sand.u32 $0x1, s1  }
0x8c: {  	s17 =	sshll.u32 s0, $0xA;
	s2 =	sadd.s32 s3, s2  }
0x8d: {  	s2 =	sadd.s32 s2, s17  }
0x8e: {  	[smem:$0x3FC0] =	sst s2  }
0x8f: {  	_ = 	snop  }
0x90: {  	s2 =	sld [smem:$0x3FD0];
	(tm) =	ssettm $0x1  }
0x91: {  	s18 =	sld [smem:$0x3FFB];
	_ =	sdelay $0x3  }
0x92: {  	_ =	strace s18  }
0x93: {  	s3 =	sld [smem:$0x3FFC];
	_ =	sdelay $0x3  }
0x94: {  	_ =	strace s3  }
0x95: {  	s3 =	sld [smem:$0x3FFD];
	_ =	sdelay $0x3  }
0x96: {  	_ =	strace s3  }
0x97: {  	_ =	strace $0x8FFFFFFF  }
0x98: {  	s19 =	sld [smem:$0x3FDB];
	_ =	sdelay $0x1  }
0x99: {  	s4 =	simm.s32 $_scs_section_size  }
0x9a: {  	s5 =	simm.s32 $_size__tile_overlayer_lowered;
	s6 =	simm.s32 $_tile_overlayer_lowered  }
0x9b: {  	s22 =	simm.s32 $0x1BFF;
	s21 =	sshll.u32 s6, $0x1;
	s3 =	sadd.s32 s4, s19  }
0x9c: {  	s7 =	simm.s32 $0x0;
	s20 =	sshll.u32 s5, $0x1;
	s5 =	sadd.s32 s21, s3  }
0x9d: {  	[timem:s7], [sflag:s22] =	dma.local [hbm:s5], s20  }
0x9e: {  	_ =	swait.ge [sflag:s22], s20  }
0x9f: {  	s4 =	ssub.s32 $0x0, s20;
	[sflag:s22] =	ssyncset.done $0x0  }
0xa0: {  	[sflag:s22] =	ssyncadd.s32 s4;
	_ =	sdelay $0x1  }
0xa1: {  	s23 =	simm.s32 $0x1B8B  }
0xa2: {  	_ =	swait.ge [sflag:s23], $0x1  }
0xa3: {  	[sflag:s23] =	ssyncset.done $0x0  }
0xa4: {  	s25 =	simm.s32 $0x1B8E;
	s24 =	sld [smem:$0x3FFE];
	[sflag:s23] =	ssyncadd.s32 $0xFFFFFFFF  }
0xa5: {  	s26 =	simm.s32 $execute0_lowered;
	[smem:$0x3FD2] =	sst s25  }
0xa6: {  	s5 =	sshll.u32 s26, $0x1;
	_ =	strace $0x80000049;
	[dreg:$0x1] =	wrdreg $0xFFFFFFFF  }
0xa7: {  	s28 =	simm.s32 $_size_execute0_lowered;
	s3 =	sadd.s32 s3, s5;
	[dreg:$0x0] =	wrdreg $0x0  }
0xa8: {  	s5 =	sshll.u32 s28, $0x1;
	[dreg:$0x2] =	wrdreg s3  }
0xa9: {  	[dreg:$0x3] =	wrdreg s5  }
0xaa: {  	[dreg:$0x4] =	wrdreg $0xC0  }
0xab: {  	_ =	task [dreg:s7], $0x5FFFF  }
0xac: {  	[dreg:$0x1] =	wrdreg $0xFFFFFFFF  }
0xad: {  	[dreg:$0x0] =	wrdreg $0x60  }
0xae: {  	[dreg:$0x2] =	wrdreg s24  }
0xaf: {  	[dreg:$0x3] =	wrdreg s2  }
0xb0: {  	[dreg:$0x4] =	wrdreg $0x0  }
0xb1: {  	[dreg:$0x5] =	wrdreg $0x9  }
0xb2: {  	_ =	task.clear_ibuf [dreg:s7], $0x6FFFF;
	_ =	strace $0x90000049  }
0xb3: {  	s29 =	simm.s32 $0x9;
	_ =	strace $0x8000004B  }
0xb4: {  	_ =	swait.ge [sflag:s29], $0x1  }
0xb5: {  	[sflag:s29] =	ssyncadd.s32 $0xFFFFFFFF  }
0xb6: {  	_ =	strace $0x9000004B  }
0xb7: {  	_ =	sfence  }
0xb8: {  	s30 =	sld [smem:$0x0];
	_ =	sdelay $0x2  }
0xb9: {  	s31 =	sshll.u32 s1, $0xD;
	s1 =	sshrl.u32 s1, $0x2  }
0xba: {  	s3 =	sand.u32 $0x4000, s31;
	s1 =	sadd.s32 s1, s30  }
0xbb: {  	s0 =	sor.u32 s3, s0;
	s1 =	sshll.u32 s1, $0x11  }
0xbc: {  	s0 =	sor.u32 s1, s0  }
0xbd: {  	s0 =	sadd.s32 $0x8F2B, s0  }
0xbe: {  	[sflag:s0] =	ssyncadd.remote.s32 $0x1  }
0xbf: {  	_ =	sfence.sel $0xFFFF  }
0xc0: {  	[dreg:$0x0] =	wrdreg $0xFFFFFFFF;
	(pc) =	sbr.abs _section_cstart, $3  }
0xc1: {  	[dreg:$0x1] =	wrdreg $0xFFFFFFFF  }
0xc2: {  	_ =	task.clear_ibuf [dreg:s7], $0x2FFFF;
	_ =	strace $0x9FFFFFFF  }
0xc3: {  	(tm) =	ssettm $0x7FFFFFFF  }
tec
execute0_lowered:
.L_overlay_start_1:
0x0: {  	(tag) =	ssettag $0x1  }
0x1: {  	s6 =	rddreg [dreg:$0x0]  }
0x2: {  	s11 =	rddreg [dreg:$0x1]  }
0x3: {  	s0 =	srdreg.scid;
	s2 =	rddreg [dreg:$0x2]  }
0x4: {  	s3 =	simm.s32 $0x0;
	s16 =	simm.s32 $0x2;
	s17 =	simm.s32 $0x14000  }
0x5: {  	s18 =	simm.s32 $0x16C00;
	s19 =	simm.s32 $0x78;
	s5 =	sand.u32 $0x1, s0  }
0x6: {  	s20 =	simm.s32 $0x1;
	s0 =	stileid.u32;
	s7 =	smul.u32 $0x140000, s5  }
0x7: {  	[smem:$0x7FF] =	sst s3;
	s4 =	sadd.s32 $0x3000, s6;
	s8 =	smul.u32 $0x14000, s0  }
0x8: {  	s1 =	sshll.u32 s5, $0x4;
	s9 =	smul.u32 $0x50000, s0;
	s29 =	ssub.s32 $0x2, s5  }
0x9: {  	s21 =	sshll.u32 s0, $0x6;
	s1 =	sor.u32 s0, s1;
	s31 =	sshrl.u32 s29, $0x1  }
0xa: {  	s21 =	sor.u32 $0x1C02, s21;
	s12 =	smul.u32 $0x580, s1;
	s1 =	rddreg [dreg:$0x3]  }
0xb: {  	_ =	strace $0x8000004A;
	s7 =	sadd.s32 s8, s7;
	s30 =	sshrl.u32 s9, $0x2  }
0xc: {  	s15 =	ssub.s32 s29, s31;
	s7 =	sshrl.u32 s7, $0x3;
	s5 =	sadd.s32 s30, s2  }
0xd: {  	s13 =	sadd.s32 s12, s6;
	s14 =	sadd.s32 s7, s6;
	s6 =	sadd.s32 $0x3C00, s5  }
0xe: {  	s7 =	sadd.s32 $0x7800, s5;
	s8 =	sadd.s32 $0xB400, s5;
	s9 =	sadd.s32 $0xF000, s5  }
0xf: {  	s10 =	sadd.s32 $0x12C00, s5;
	s11 =	sadd.s32 s11, s12;
	s12 =	sadd.s32 $0x53000, s13  }
0x10: {  	v0 =	vimm.f32 $0.0e+00;
	s13 =	sadd.s32 $0x5E000, s14;
	s14 =	smax.u32 s15, $0x1;
	s15 =	simm.s32 $0x19800  }
.LBB2_1:
0x11: {  	s22 =	simm.s32 $0x0;
	s23 =	simm.s32 $0x200  }
.LBB2_2:
0x12: {  	p0 =	sne.s32 s23, $0xEE00;
	[tilespmem:s22+$0x19870] =	vst v0  }
0x13: {  	[tilespmem:s22+$0x19800] =	vst v0  }
0x14: {  	[tilespmem:s22+$0x19810] =	vst v0  }
.Ltmp0:
0x15: {  	[tilespmem:s22+$0x19820] =	vst v0;
	(pc) =	sbr.rel @p0 .LBB2_2-.Ltmp0, $4  }
0x16: {  	[tilespmem:s22+$0x19830] =	vst v0  }
0x17: {  	[tilespmem:s22+$0x19840] =	vst v0  }
0x18: {  	[tilespmem:s22+$0x19850] =	vst v0  }
0x19: {  	[tilespmem:s22+$0x19860] =	vst v0;
	s22 =	sshra.s32 s23, $0x2;
	s23 =	sadd.s32 $0x200, s23  }
0x1a: {  	[tilespmem:s22+$0x19870] =	vst v0  }
0x1b: {  	[tilespmem:s22+$0x19800] =	vst v0  }
0x1c: {  	[tilespmem:s22+$0x19810] =	vst v0  }
0x1d: {  	[tilespmem:s22+$0x19820] =	vst v0  }
0x1e: {  	[tilespmem:s22+$0x19830] =	vst v0  }
0x1f: {  	[tilespmem:s22+$0x19840] =	vst v0  }
0x20: {  	[tilespmem:s22+$0x19850] =	vst v0  }
0x21: {  	[tilespmem:s22+$0x19860] =	vst v0  }
0x22: {  	[spmem:s5] =	stream.linear.scatter [tilespmem:s15], [sflag:$0x2], $0x3C00, $0x38;
	[tilespmem:$0x1D400] =	vst v63  }
0x23: {  	_ =	swait.ge [sflag:s16], $0x3C00  }
0x24: {  	[sflag:s16] =	ssyncset.done $0x0  }
0x25: {  	[sflag:s16] =	ssyncadd.s32 $0xFFFFC400  }
0x26: {  	[spmem:s6] =	stream.linear.scatter [tilespmem:s15], [sflag:$0x2], $0x3C00, $0x38;
	[tilespmem:$0x1D400] =	vst v63  }
0x27: {  	_ =	swait.ge [sflag:s16], $0x3C00  }
0x28: {  	[sflag:s16] =	ssyncset.done $0x0  }
0x29: {  	[sflag:s16] =	ssyncadd.s32 $0xFFFFC400  }
0x2a: {  	[spmem:s7] =	stream.linear.scatter [tilespmem:s15], [sflag:$0x2], $0x3C00, $0x38;
	[tilespmem:$0x1D400] =	vst v63  }
0x2b: {  	_ =	swait.ge [sflag:s16], $0x3C00  }
0x2c: {  	[sflag:s16] =	ssyncset.done $0x0  }
0x2d: {  	[sflag:s16] =	ssyncadd.s32 $0xFFFFC400  }
0x2e: {  	[spmem:s8] =	stream.linear.scatter [tilespmem:s15], [sflag:$0x2], $0x3C00, $0x38;
	[tilespmem:$0x1D400] =	vst v63  }
0x2f: {  	_ =	swait.ge [sflag:s16], $0x3C00  }
0x30: {  	[sflag:s16] =	ssyncset.done $0x0  }
0x31: {  	[sflag:s16] =	ssyncadd.s32 $0xFFFFC400  }
0x32: {  	[spmem:s9] =	stream.linear.scatter [tilespmem:s15], [sflag:$0x2], $0x3C00, $0x38;
	[tilespmem:$0x1D400] =	vst v63  }
0x33: {  	_ =	swait.ge [sflag:s16], $0x3C00  }
0x34: {  	[sflag:s16] =	ssyncset.done $0x0  }
0x35: {  	[sflag:s16] =	ssyncadd.s32 $0xFFFFC400  }
0x36: {  	[spmem:s10] =	stream.linear.scatter [tilespmem:s15], [sflag:$0x2], $0x1400, $0x38;
	[tilespmem:$0x1D400] =	vst v63  }
0x37: {  	_ =	swait.ge [sflag:s16], $0x1400  }
0x38: {  	[sflag:s16] =	ssyncset.done $0x0  }
0x39: {  	s29 =	simm.s32 $0x0;
	[sflag:s16] =	ssyncadd.s32 $0xFFFFEC00  }
0x3a: {  	[tilespmem:s17], [sflag:$0x2] =	stream.linear.gather [hbm4b:s11+s29], $0x2A00, $0x38;
	[tilespmem:$0x1D400] =	vst v63  }
0x3b: {  	_ =	swait.ge [sflag:s16], $0x2A00  }
0x3c: {  	[sflag:s16] =	ssyncset.done $0x0  }
0x3d: {  	[sflag:s16] =	ssyncadd.s32 $0xFFFFD600  }
0x3e: {  	[tilespmem:s18], [sflag:$0x2] =	stream.linear.gather [hbm4b:s12+s29], $0x2A00, $0x38;
	[tilespmem:$0x1D400] =	vst v63  }
0x3f: {  	_ =	swait.ge [sflag:s16], $0x2A00  }
0x40: {  	[sflag:s16] =	ssyncset.done $0x0  }
0x41: {  	[sflag:s16] =	ssyncadd.s32 $0xFFFFD600  }
0x42: {  	s30 =	simm.s32 $0x14000;
	[bflag:$0x0] =	sbarrier.arrive $0xFFFF  }
0x43: {  	[tilespmem:s15], [sflag:$0x1] =	stream.indirect.gather [hbm4b:s4+s19], $0x80, s30, s19, $0xb8;
	[tilespmem:$0x1D400] =	vst v63  }
0x44: {  	_ =	swait.ge [sflag:s20], $0x3C00  }
0x45: {  	[sflag:s20] =	ssyncset.done $0x0  }
0x46: {  	s31 =	simm.s32 $0x16C00;
	[sflag:s20] =	ssyncadd.s32 $0xFFFFC400  }
0x47: {  	[spmem:s2] =	stream.indirect.scatter.add.f32 [tilespmem:s15], [sflag:$0x2], $0x80, s31, s19, $0xb8;
	[tilespmem:$0x1D400] =	vst v63  }
0x48: {  	_ =	swait.ge [sflag:s16], $0x3C00  }
0x49: {  	s23 =	simm.s32 $0x400;
	s22 =	simm.s32 $0x80;
	[sflag:s16] =	ssyncset.done $0x0  }
.LBB2_4:
0x4a: {  	s24 =	sadd.s32 $0x14000, s22  }
0x4b: {  	[sflag:s16] =	ssyncadd.s32 $0xFFFFC400;
	s25 =	smov.u32 s23;
	s26 =	sadd.s32 $0x200, s23  }
0x4c: {  	[tilespmem:s15], [sflag:$0x1] =	stream.indirect.gather [hbm4b:s4+s19], $0x80, s24, s19, $0xb8;
	[tilespmem:$0x1D400] =	vst v63  }
0x4d: {  	p0 =	sne.s32 s23, $0xA600;
	_ =	swait.ge [sflag:s20], $0x3C00  }
.Ltmp1:
0x4e: {  	[sflag:s20] =	ssyncset.done $0x0;
	(pc) =	sbr.rel @p0 .LBB2_4-.Ltmp1, $4  }
0x4f: {  	s22 =	sadd.s32 $0x16C00, s22;
	[sflag:s20] =	ssyncadd.s32 $0xFFFFC400  }
0x50: {  	[spmem:s2] =	stream.indirect.scatter.add.f32 [tilespmem:s15], [sflag:$0x2], $0x80, s22, s19, $0xb8;
	[tilespmem:$0x1D400] =	vst v63  }
0x51: {  	_ =	swait.ge [sflag:s16], $0x3C00  }
0x52: {  	s23 =	smov.u32 s26;
	s22 =	sshra.s32 s25, $0x2;
	[sflag:s16] =	ssyncset.done $0x0  }
0x53: {  	s23 =	sadd.s32 $0x14000, s22;
	[sflag:s16] =	ssyncadd.s32 $0xFFFFC400  }
0x54: {  	[tilespmem:s15], [sflag:$0x1] =	stream.indirect.gather [hbm4b:s4+s19], $0x80, s23, s19, $0xb8;
	[tilespmem:$0x1D400] =	vst v63  }
0x55: {  	_ =	swait.ge [sflag:s20], $0x3C00  }
0x56: {  	[sflag:s20] =	ssyncset.done $0x0  }
0x57: {  	s30 =	sadd.s32 $0x16C00, s22;
	[sflag:s20] =	ssyncadd.s32 $0xFFFFC400  }
0x58: {  	[spmem:s2] =	stream.indirect.scatter.add.f32 [tilespmem:s15], [sflag:$0x2], $0x80, s30, s19, $0xb8;
	[tilespmem:$0x1D400] =	vst v63  }
0x59: {  	_ =	swait.ge [sflag:s16], $0x3C00  }
0x5a: {  	s3 =	sadd.s32 $0x1, s3;
	[sflag:s16] =	ssyncset.done $0x0  }
0x5b: {  	p0 =	sne.s32 s3, s14;
	[sflag:s16] =	ssyncadd.s32 $0xFFFFC400  }
.Ltmp2:
0x5c: {  	s31 =	sshrl.u32 s5, $0x3;
	[bflag:$0x0] =	sbarrier.arrive $0xFFFF;
	(pc) =	sbr.rel @p0 .LBB2_1-.Ltmp2, $4  }
0x5d: {  	[hbm:s13], [sflag:s21] =	dma.local [spmem:s31], $0x2800  }
0x5e: {  	_ =	swait.ge [sflag:s16], $0x2800  }
0x5f: {  	[sflag:s16] =	ssyncset.done $0x0  }
0x60: {  	[sflag:s16] =	ssyncadd.s32 $0xFFFFD800  }
0x61: {  	_ =	sfence.sel $0x180000  }
0x62: {  	[bflag:$0x0] =	sbarrier.arrive $0xFFFF  }
0x63: {  	p0 =	sne.s32 s0, $0x0;
	_ =	strace $0x9000004A  }
0x64: {  	s0 =	sadd.s32 @!p0 $0x100000, s1;
	[bflag:$0x2] =	sbarrier.arrive $0xFFFF  }
0x65: {  	[sflag:s0] =	ssyncadd.tile.s32 @!p0 $0x1;
	_ =	shalt  }
.Lfunc_end2:
_tile_overlayer_lowered:
.L_overlay_start_2:
0x66: {  	(tag) =	ssettag $0x2  }
0x67: {  	s0 =	rddreg [dreg:$0x0];
	s2 =	stileid.u32  }
0x68: {  	s1 =	rddreg [dreg:$0x1];
	p0 =	sne.s32 s2, $0x0  }
0x69: {  	s3 =	rddreg [dreg:$0x2];
	[bflag:$0x3] =	sbarrier.arrive $0xFFFF;
	s2 =	simm.s32 @!p0 $0x1C02  }
0x6a: {  	[timem:s3], [sflag:s2] =	dma.local @!p0 [hbm:s0], s1  }
0x6b: {  	s0 =	simm.s32 @!p0 $0x2  }
0x6c: {  	_ =	swait.ge @!p0 [sflag:s0], s1  }
0x6d: {  	s1 =	ssub.s32 @!p0 $0x0, s1;
	[sflag:s0] =	ssyncset.done @!p0 $0x0  }
0x6e: {  	[sflag:s0] =	ssyncadd.s32 @!p0 s1  }
0x6f: {  	[bflag:$0x3] =	sbarrier.arrive $0xFFFF  }
0x70: {  	_ =	shalt  }

// kernel: kernel.18.cloned.1.call-start
scs
__scs_entry_jumppad:
0x0: {  	(pc) =	sbr.rel $0x88, $3  }
0x1: {  	(tag) =	ssettag $0x0;
	lr =	simm.s32 $0x1  }
0x2: {  	[smem:$0x3F99] =	sst lr;
	_ =	strace $0xD0000000  }
0x3: {  	_ = 	snop  }
0x4: {  	_ = 	snop  }
0x5: {  	_ = 	snop  }
0x6: {  	_ = 	snop  }
0x7: {  	_ = 	snop  }
__scs_overlays_trampoline_lowered:
0x8: {  	[smem:$0x3FA8] =	sst s0  }
0x9: {  	[smem:$0x3FA9] =	sst s1  }
0xa: {  	[smem:$0x3FAA] =	sst s2  }
0xb: {  	[smem:$0x3FAB] =	sst s3  }
0xc: {  	[smem:$0x3FAC] =	sst s4  }
0xd: {  	[smem:$0x3FAD] =	sst s5  }
0xe: {  	[smem:$0x3FAE] =	sst s6  }
0xf: {  	[smem:$0x3FAF] =	sst s7  }
0x10: {  	[smem:$0x3FB0] =	sst s8  }
0x11: {  	[smem:$0x3FB1] =	sst s9;
	s0 =	simm.s32 @!p0 $0x0  }
0x12: {  	s1 =	sld [smem:$0x3F97];
	s0 =	simm.s32 @p0 $0x1  }
0x13: {  	[smem:$0x3FB2] =	sst s0;
	s0 =	simm.s32 @!p1 $0x0  }
0x14: {  	s2 =	sld [smem:$0x3F96];
	s0 =	simm.s32 @p1 $0x1  }
0x15: {  	[smem:$0x3FB3] =	sst s0;
	s0 =	simm.s32 @!p2 $0x0  }
0x16: {  	s3 =	sld [smem:$0x3FDB];
	s0 =	simm.s32 @p2 $0x1  }
0x17: {  	s4 =	simm.s32 $0x1BF5;
	[smem:$0x3FB5] =	sst s0  }
0x18: {  	s0 =	sld [smem:$0x3F98];
	_ =	swait.ge [sflag:s4], $0x0  }
0x19: {  	s7 =	sld [smem:$0x3F99]  }
0x1a: {  	s8 =	sadd.s32 $0xFFFFE003, lr  }
0x1b: {  	s9 =	sadd.s32 $0xFFFFFEF7, lr;
	s5 =	simm.s32 $0xFFFFFFFF;
	p2 =	slt.u32 s8, $0xFFFFF086  }
0x1c: {  	p1 =	slt.u32 s9, $0xF7A;
	s5 =	simm.s32 @!p2 $0x0  }
0x1d: {  	s5 =	simm.s32 @p1 $0x1;
	p0 =	seq.s32 s7, s2  }
0x1e: {  	s7 =	smul.u32 @!p0 $0xF7A, s2;
	p2 =	seq.s32 @!p0 s5, $0x0  }
0x1f: {  	s9 =	smul.u32 $0xF7A, s1;
	s8 =	simm.s32 @!p0 $0x1BF5;
	p2 =	por !p2, p0  }
0x20: {  	[sflag:s8] =	ssyncset.s32 @!p0 $0xFFFFF086;
	s6 =	sadd.s32 @!p0 s3, s7;
	s7 =	simm.s32 @!p0 $0x108  }
0x21: {  	s3 =	sadd.s32 s3, s9;
	s6 =	sadd.s32 @!p0 $0x88, s6;
	s7 =	simm.s32 @p2 $0x1082  }
0x22: {  	[simem:s7], [sflag:s8] =	dma.local @!p0 [hbm:s6], $0xF7A  }
0x23: {  	s9 =	sor.u32 $0xD0000000, s2;
	s6 =	simm.s32 $0x108;
	_ =	swait.ge @!p0 [sflag:s8], $0x0  }
0x24: {  	s3 =	sadd.s32 $0x88, s3;
	s6 =	simm.s32 @!p1 $0x1082;
	[sflag:s4] =	ssyncset.s32 $0xFFFFF086  }
0x25: {  	[simem:s6], [sflag:s4] =	dma.local [hbm:s3], $0xF7A  }
0x26: {  	[smem:$0x3F99] =	sst s1;
	(tag) =	ssettag s2;
	_ =	strace s9  }
0x27: {  	s1 =	sld [smem:$0x3FA9]  }
0x28: {  	s2 =	sld [smem:$0x3FAA]  }
0x29: {  	s4 =	sld [smem:$0x3FAC]  }
0x2a: {  	p0 =	seq.s32 s5, $0x0;
	s5 =	sld [smem:$0x3FAD]  }
0x2b: {  	s6 =	sld [smem:$0x3FAE]  }
0x2c: {  	s7 =	sld [smem:$0x3FAF]  }
0x2d: {  	s3 =	simm.s32 $0x108;
	s8 =	sld [smem:$0x3FB0]  }
0x2e: {  	s3 =	simm.s32 @!p0 $0x1082;
	s9 =	sld [smem:$0x3FB1]  }
0x2f: {  	lr =	sadd.s32 s0, s3;
	s0 =	sld [smem:$0x3FA8]  }
0x30: {  	s3 =	sld [smem:$0x3FAB]  }
0x31: {  	[smem:$0x3FB4] =	sst s10  }
0x32: {  	s10 =	sld [smem:$0x3FB2];
	_ =	sdelay $0x3  }
0x33: {  	p0 =	seq.s32 s10, $0x1;
	s10 =	sld [smem:$0x3FB4];
	_ =	sdelay $0x3  }
0x34: {  	[smem:$0x3FB4] =	sst s10  }
0x35: {  	s10 =	sld [smem:$0x3FB3];
	_ =	sdelay $0x3  }
0x36: {  	p1 =	seq.s32 s10, $0x1;
	s10 =	sld [smem:$0x3FB4];
	_ =	sdelay $0x3  }
0x37: {  	[smem:$0x3FB4] =	sst s10  }
0x38: {  	s10 =	sld [smem:$0x3FB5]  }
0x39: {  	_ = 	snop;
	(pc) =	sbr.ind lr, $3  }
0x3a: {  	_ = 	snop  }
0x3b: {  	_ = 	snop  }
0x3c: {  	p2 =	seq.s32 s10, $0x1;
	s10 =	sld [smem:$0x3FB4]  }
0x3d: {  	_ =	shalt  }
0x3e: {  	_ =	shalt  }
0x3f: {  	_ =	shalt  }
0x40: {  	_ =	shalt  }
0x41: {  	_ =	shalt  }
0x42: {  	_ =	shalt  }
0x43: {  	_ =	shalt  }
0x44: {  	_ =	shalt  }
0x45: {  	_ =	shalt  }
0x46: {  	_ =	shalt  }
0x47: {  	_ =	shalt  }
0x48: {  	_ =	shalt  }
0x49: {  	_ =	shalt  }
0x4a: {  	_ =	shalt  }
0x4b: {  	_ =	shalt  }
0x4c: {  	_ =	shalt  }
0x4d: {  	_ =	shalt  }
0x4e: {  	_ =	shalt  }
0x4f: {  	_ =	shalt  }
0x50: {  	_ =	shalt  }
0x51: {  	_ =	shalt  }
0x52: {  	_ =	shalt  }
0x53: {  	_ =	shalt  }
0x54: {  	_ =	shalt  }
0x55: {  	_ =	shalt  }
0x56: {  	_ =	shalt  }
0x57: {  	_ =	shalt  }
0x58: {  	_ =	shalt  }
0x59: {  	_ =	shalt  }
0x5a: {  	_ =	shalt  }
0x5b: {  	_ =	shalt  }
0x5c: {  	_ =	shalt  }
0x5d: {  	_ =	shalt  }
0x5e: {  	_ =	shalt  }
0x5f: {  	_ =	shalt  }
0x60: {  	_ =	shalt  }
0x61: {  	_ =	shalt  }
0x62: {  	_ =	shalt  }
0x63: {  	_ =	shalt  }
0x64: {  	_ =	shalt  }
0x65: {  	_ =	shalt  }
0x66: {  	_ =	shalt  }
0x67: {  	_ =	shalt  }
0x68: {  	_ =	shalt  }
0x69: {  	_ =	shalt  }
0x6a: {  	_ =	shalt  }
0x6b: {  	_ =	shalt  }
0x6c: {  	_ =	shalt  }
0x6d: {  	_ =	shalt  }
0x6e: {  	_ =	shalt  }
0x6f: {  	_ =	shalt  }
0x70: {  	_ =	shalt  }
0x71: {  	_ =	shalt  }
0x72: {  	_ =	shalt  }
0x73: {  	_ =	shalt  }
0x74: {  	_ =	shalt  }
0x75: {  	_ =	shalt  }
0x76: {  	_ =	shalt  }
0x77: {  	_ =	shalt  }
0x78: {  	_ =	shalt  }
0x79: {  	_ =	shalt  }
0x7a: {  	_ =	shalt  }
0x7b: {  	_ =	shalt  }
0x7c: {  	_ =	shalt  }
0x7d: {  	_ =	shalt  }
0x7e: {  	_ =	shalt  }
0x7f: {  	_ =	shalt  }
0x80: {  	_ =	shalt  }
0x81: {  	_ =	shalt  }
0x82: {  	_ =	shalt  }
0x83: {  	_ =	shalt  }
0x84: {  	_ =	shalt  }
0x85: {  	_ =	shalt  }
0x86: {  	_ =	shalt  }
0x87: {  	_ =	shalt  }
.Lfunc_end0:
.L_simem_size_0:
called_computation.2_lowered:
.L_overlay_start_0:
0x88: {  	s2 =	sld [smem:$0x3FD9]  }
0x89: {  	s3 =	sld [smem:$0x3FFE];
	_ =	sdelay $0x1  }
0x8a: {  	s1 =	srdreg.scid  }
0x8b: {  	s0 =	sand.u32 $0x1, s1  }
0x8c: {  	s17 =	sshll.u32 s0, $0xA;
	s2 =	sadd.s32 s3, s2  }
0x8d: {  	s2 =	sadd.s32 s2, s17  }
0x8e: {  	[smem:$0x3FC0] =	sst s2  }
0x8f: {  	_ = 	snop  }
0x90: {  	s2 =	sld [smem:$0x3FD0];
	(tm) =	ssettm $0x1  }
0x91: {  	s18 =	sld [smem:$0x3FFB];
	_ =	sdelay $0x3  }
0x92: {  	_ =	strace s18  }
0x93: {  	s3 =	sld [smem:$0x3FFC];
	_ =	sdelay $0x3  }
0x94: {  	_ =	strace s3  }
0x95: {  	s3 =	sld [smem:$0x3FFD];
	_ =	sdelay $0x3  }
0x96: {  	_ =	strace s3  }
0x97: {  	_ =	strace $0x8FFFFFFF  }
0x98: {  	s19 =	sld [smem:$0x3FDB];
	_ =	sdelay $0x1  }
0x99: {  	s4 =	simm.s32 $_scs_section_size  }
0x9a: {  	s5 =	simm.s32 $_size__tile_overlayer_lowered;
	s6 =	simm.s32 $_tile_overlayer_lowered  }
0x9b: {  	s22 =	simm.s32 $0x1BFF;
	s21 =	sshll.u32 s6, $0x1;
	s3 =	sadd.s32 s4, s19  }
0x9c: {  	s7 =	simm.s32 $0x0;
	s20 =	sshll.u32 s5, $0x1;
	s5 =	sadd.s32 s21, s3  }
0x9d: {  	[timem:s7], [sflag:s22] =	dma.local [hbm:s5], s20  }
0x9e: {  	_ =	swait.ge [sflag:s22], s20  }
0x9f: {  	s4 =	ssub.s32 $0x0, s20;
	[sflag:s22] =	ssyncset.done $0x0  }
0xa0: {  	[sflag:s22] =	ssyncadd.s32 s4;
	_ =	sdelay $0x1  }
0xa1: {  	s23 =	simm.s32 $0x1B8B  }
0xa2: {  	_ =	swait.ge [sflag:s23], $0x1  }
0xa3: {  	[sflag:s23] =	ssyncset.done $0x0  }
0xa4: {  	s25 =	simm.s32 $0x1B8E;
	s24 =	sld [smem:$0x3FFE];
	[sflag:s23] =	ssyncadd.s32 $0xFFFFFFFF  }
0xa5: {  	s26 =	simm.s32 $execute0_lowered;
	[smem:$0x3FD2] =	sst s25  }
0xa6: {  	s5 =	sshll.u32 s26, $0x1;
	_ =	strace $0x8000004C;
	[dreg:$0x1] =	wrdreg $0xFFFFFFFF  }
0xa7: {  	s28 =	simm.s32 $_size_execute0_lowered;
	s3 =	sadd.s32 s3, s5;
	[dreg:$0x0] =	wrdreg $0x0  }
0xa8: {  	s5 =	sshll.u32 s28, $0x1;
	[dreg:$0x2] =	wrdreg s3  }
0xa9: {  	[dreg:$0x3] =	wrdreg s5  }
0xaa: {  	[dreg:$0x4] =	wrdreg $0xC0  }
0xab: {  	_ =	task [dreg:s7], $0x5FFFF  }
0xac: {  	[dreg:$0x1] =	wrdreg $0xFFFFFFFF  }
0xad: {  	[dreg:$0x0] =	wrdreg $0x60  }
0xae: {  	[dreg:$0x2] =	wrdreg s24  }
0xaf: {  	[dreg:$0x3] =	wrdreg s2  }
0xb0: {  	[dreg:$0x4] =	wrdreg $0x0  }
0xb1: {  	[dreg:$0x5] =	wrdreg $0x9  }
0xb2: {  	_ =	task.clear_ibuf [dreg:s7], $0x6FFFF;
	_ =	strace $0x9000004C  }
0xb3: {  	s29 =	simm.s32 $0x9;
	_ =	strace $0x8000004E  }
0xb4: {  	_ =	swait.ge [sflag:s29], $0x1  }
0xb5: {  	[sflag:s29] =	ssyncadd.s32 $0xFFFFFFFF  }
0xb6: {  	_ =	strace $0x9000004E  }
0xb7: {  	_ =	sfence  }
0xb8: {  	s30 =	sld [smem:$0x0];
	_ =	sdelay $0x2  }
0xb9: {  	s31 =	sshll.u32 s1, $0xD;
	s1 =	sshrl.u32 s1, $0x2  }
0xba: {  	s3 =	sand.u32 $0x4000, s31;
	s1 =	sadd.s32 s1, s30  }
0xbb: {  	s0 =	sor.u32 s3, s0;
	s1 =	sshll.u32 s1, $0x11  }
0xbc: {  	s0 =	sor.u32 s1, s0  }
0xbd: {  	s0 =	sadd.s32 $0x8F2B, s0  }
0xbe: {  	[sflag:s0] =	ssyncadd.remote.s32 $0x1  }
0xbf: {  	_ =	sfence.sel $0xFFFF  }
0xc0: {  	[dreg:$0x0] =	wrdreg $0xFFFFFFFF;
	(pc) =	sbr.abs _section_cstart, $3  }
0xc1: {  	[dreg:$0x1] =	wrdreg $0xFFFFFFFF  }
0xc2: {  	_ =	task.clear_ibuf [dreg:s7], $0x2FFFF;
	_ =	strace $0x9FFFFFFF  }
0xc3: {  	(tm) =	ssettm $0x7FFFFFFF  }
tec
execute0_lowered:
.L_overlay_start_1:
0x0: {  	(tag) =	ssettag $0x1  }
0x1: {  	s6 =	rddreg [dreg:$0x0]  }
0x2: {  	s11 =	rddreg [dreg:$0x1]  }
0x3: {  	s0 =	srdreg.scid;
	s2 =	rddreg [dreg:$0x2]  }
0x4: {  	s3 =	simm.s32 $0x0;
	s16 =	simm.s32 $0x2;
	s17 =	simm.s32 $0x14000  }
0x5: {  	s18 =	simm.s32 $0x16C00;
	s19 =	simm.s32 $0x78;
	s5 =	sand.u32 $0x1, s0  }
0x6: {  	s20 =	simm.s32 $0x1;
	s0 =	stileid.u32;
	s7 =	smul.u32 $0x140000, s5  }
0x7: {  	[smem:$0x7FF] =	sst s3;
	s4 =	sadd.s32 $0x3000, s6;
	s8 =	smul.u32 $0x14000, s0  }
0x8: {  	s1 =	sshll.u32 s5, $0x4;
	s9 =	smul.u32 $0x50000, s0;
	s29 =	ssub.s32 $0x2, s5  }
0x9: {  	s21 =	sshll.u32 s0, $0x6;
	s1 =	sor.u32 s0, s1;
	s31 =	sshrl.u32 s29, $0x1  }
0xa: {  	s21 =	sor.u32 $0x1C02, s21;
	s12 =	smul.u32 $0x580, s1;
	s1 =	rddreg [dreg:$0x3]  }
0xb: {  	_ =	strace $0x8000004D;
	s7 =	sadd.s32 s8, s7;
	s30 =	sshrl.u32 s9, $0x2  }
0xc: {  	s15 =	ssub.s32 s29, s31;
	s7 =	sshrl.u32 s7, $0x3;
	s5 =	sadd.s32 s30, s2  }
0xd: {  	s13 =	sadd.s32 s12, s6;
	s14 =	sadd.s32 s7, s6;
	s6 =	sadd.s32 $0x3C00, s5  }
0xe: {  	s7 =	sadd.s32 $0x7800, s5;
	s8 =	sadd.s32 $0xB400, s5;
	s9 =	sadd.s32 $0xF000, s5  }
0xf: {  	s10 =	sadd.s32 $0x12C00, s5;
	s11 =	sadd.s32 s11, s12;
	s12 =	sadd.s32 $0x53000, s13  }
0x10: {  	v0 =	vimm.f32 $0.0e+00;
	s13 =	sadd.s32 $0x5E000, s14;
	s14 =	smax.u32 s15, $0x1;
	s15 =	simm.s32 $0x19800  }
.LBB2_1:
0x11: {  	s22 =	simm.s32 $0x0;
	s23 =	simm.s32 $0x200  }
.LBB2_2:
0x12: {  	p0 =	sne.s32 s23, $0xEE00;
	[tilespmem:s22+$0x19870] =	vst v0  }
0x13: {  	[tilespmem:s22+$0x19800] =	vst v0  }
0x14: {  	[tilespmem:s22+$0x19810] =	vst v0  }
.Ltmp0:
0x15: {  	[tilespmem:s22+$0x19820] =	vst v0;
	(pc) =	sbr.rel @p0 .LBB2_2-.Ltmp0, $4  }
0x16: {  	[tilespmem:s22+$0x19830] =	vst v0  }
0x17: {  	[tilespmem:s22+$0x19840] =	vst v0  }
0x18: {  	[tilespmem:s22+$0x19850] =	vst v0  }
0x19: {  	[tilespmem:s22+$0x19860] =	vst v0;
	s22 =	sshra.s32 s23, $0x2;
	s23 =	sadd.s32 $0x200, s23  }
0x1a: {  	[tilespmem:s22+$0x19870] =	vst v0  }
0x1b: {  	[tilespmem:s22+$0x19800] =	vst v0  }
0x1c: {  	[tilespmem:s22+$0x19810] =	vst v0  }
0x1d: {  	[tilespmem:s22+$0x19820] =	vst v0  }
0x1e: {  	[tilespmem:s22+$0x19830] =	vst v0  }
0x1f: {  	[tilespmem:s22+$0x19840] =	vst v0  }
0x20: {  	[tilespmem:s22+$0x19850] =	vst v0  }
0x21: {  	[tilespmem:s22+$0x19860] =	vst v0  }
0x22: {  	[spmem:s5] =	stream.linear.scatter [tilespmem:s15], [sflag:$0x2], $0x3C00, $0x38;
	[tilespmem:$0x1D400] =	vst v63  }
0x23: {  	_ =	swait.ge [sflag:s16], $0x3C00  }
0x24: {  	[sflag:s16] =	ssyncset.done $0x0  }
0x25: {  	[sflag:s16] =	ssyncadd.s32 $0xFFFFC400  }
0x26: {  	[spmem:s6] =	stream.linear.scatter [tilespmem:s15], [sflag:$0x2], $0x3C00, $0x38;
	[tilespmem:$0x1D400] =	vst v63  }
0x27: {  	_ =	swait.ge [sflag:s16], $0x3C00  }
0x28: {  	[sflag:s16] =	ssyncset.done $0x0  }
0x29: {  	[sflag:s16] =	ssyncadd.s32 $0xFFFFC400  }
0x2a: {  	[spmem:s7] =	stream.linear.scatter [tilespmem:s15], [sflag:$0x2], $0x3C00, $0x38;
	[tilespmem:$0x1D400] =	vst v63  }
0x2b: {  	_ =	swait.ge [sflag:s16], $0x3C00  }
0x2c: {  	[sflag:s16] =	ssyncset.done $0x0  }
0x2d: {  	[sflag:s16] =	ssyncadd.s32 $0xFFFFC400  }
0x2e: {  	[spmem:s8] =	stream.linear.scatter [tilespmem:s15], [sflag:$0x2], $0x3C00, $0x38;
	[tilespmem:$0x1D400] =	vst v63  }
0x2f: {  	_ =	swait.ge [sflag:s16], $0x3C00  }
0x30: {  	[sflag:s16] =	ssyncset.done $0x0  }
0x31: {  	[sflag:s16] =	ssyncadd.s32 $0xFFFFC400  }
0x32: {  	[spmem:s9] =	stream.linear.scatter [tilespmem:s15], [sflag:$0x2], $0x3C00, $0x38;
	[tilespmem:$0x1D400] =	vst v63  }
0x33: {  	_ =	swait.ge [sflag:s16], $0x3C00  }
0x34: {  	[sflag:s16] =	ssyncset.done $0x0  }
0x35: {  	[sflag:s16] =	ssyncadd.s32 $0xFFFFC400  }
0x36: {  	[spmem:s10] =	stream.linear.scatter [tilespmem:s15], [sflag:$0x2], $0x1400, $0x38;
	[tilespmem:$0x1D400] =	vst v63  }
0x37: {  	_ =	swait.ge [sflag:s16], $0x1400  }
0x38: {  	[sflag:s16] =	ssyncset.done $0x0  }
0x39: {  	s29 =	simm.s32 $0x0;
	[sflag:s16] =	ssyncadd.s32 $0xFFFFEC00  }
0x3a: {  	[tilespmem:s17], [sflag:$0x2] =	stream.linear.gather [hbm4b:s11+s29], $0x2A00, $0x38;
	[tilespmem:$0x1D400] =	vst v63  }
0x3b: {  	_ =	swait.ge [sflag:s16], $0x2A00  }
0x3c: {  	[sflag:s16] =	ssyncset.done $0x0  }
0x3d: {  	[sflag:s16] =	ssyncadd.s32 $0xFFFFD600  }
0x3e: {  	[tilespmem:s18], [sflag:$0x2] =	stream.linear.gather [hbm4b:s12+s29], $0x2A00, $0x38;
	[tilespmem:$0x1D400] =	vst v63  }
0x3f: {  	_ =	swait.ge [sflag:s16], $0x2A00  }
0x40: {  	[sflag:s16] =	ssyncset.done $0x0  }
0x41: {  	[sflag:s16] =	ssyncadd.s32 $0xFFFFD600  }
0x42: {  	s30 =	simm.s32 $0x14000;
	[bflag:$0x0] =	sbarrier.arrive $0xFFFF  }
0x43: {  	[tilespmem:s15], [sflag:$0x1] =	stream.indirect.gather [hbm4b:s4+s19], $0x80, s30, s19, $0xb8;
	[tilespmem:$0x1D400] =	vst v63  }
0x44: {  	_ =	swait.ge [sflag:s20], $0x3C00  }
0x45: {  	[sflag:s20] =	ssyncset.done $0x0  }
0x46: {  	s31 =	simm.s32 $0x16C00;
	[sflag:s20] =	ssyncadd.s32 $0xFFFFC400  }
0x47: {  	[spmem:s2] =	stream.indirect.scatter.add.f32 [tilespmem:s15], [sflag:$0x2], $0x80, s31, s19, $0xb8;
	[tilespmem:$0x1D400] =	vst v63  }
0x48: {  	_ =	swait.ge [sflag:s16], $0x3C00  }
0x49: {  	s23 =	simm.s32 $0x400;
	s22 =	simm.s32 $0x80;
	[sflag:s16] =	ssyncset.done $0x0  }
.LBB2_4:
0x4a: {  	s24 =	sadd.s32 $0x14000, s22  }
0x4b: {  	[sflag:s16] =	ssyncadd.s32 $0xFFFFC400;
	s25 =	smov.u32 s23;
	s26 =	sadd.s32 $0x200, s23  }
0x4c: {  	[tilespmem:s15], [sflag:$0x1] =	stream.indirect.gather [hbm4b:s4+s19], $0x80, s24, s19, $0xb8;
	[tilespmem:$0x1D400] =	vst v63  }
0x4d: {  	p0 =	sne.s32 s23, $0xA600;
	_ =	swait.ge [sflag:s20], $0x3C00  }
.Ltmp1:
0x4e: {  	[sflag:s20] =	ssyncset.done $0x0;
	(pc) =	sbr.rel @p0 .LBB2_4-.Ltmp1, $4  }
0x4f: {  	s22 =	sadd.s32 $0x16C00, s22;
	[sflag:s20] =	ssyncadd.s32 $0xFFFFC400  }
0x50: {  	[spmem:s2] =	stream.indirect.scatter.add.f32 [tilespmem:s15], [sflag:$0x2], $0x80, s22, s19, $0xb8;
	[tilespmem:$0x1D400] =	vst v63  }
0x51: {  	_ =	swait.ge [sflag:s16], $0x3C00  }
0x52: {  	s23 =	smov.u32 s26;
	s22 =	sshra.s32 s25, $0x2;
	[sflag:s16] =	ssyncset.done $0x0  }
0x53: {  	s23 =	sadd.s32 $0x14000, s22;
	[sflag:s16] =	ssyncadd.s32 $0xFFFFC400  }
0x54: {  	[tilespmem:s15], [sflag:$0x1] =	stream.indirect.gather [hbm4b:s4+s19], $0x80, s23, s19, $0xb8;
	[tilespmem:$0x1D400] =	vst v63  }
0x55: {  	_ =	swait.ge [sflag:s20], $0x3C00  }
0x56: {  	[sflag:s20] =	ssyncset.done $0x0  }
0x57: {  	s30 =	sadd.s32 $0x16C00, s22;
	[sflag:s20] =	ssyncadd.s32 $0xFFFFC400  }
0x58: {  	[spmem:s2] =	stream.indirect.scatter.add.f32 [tilespmem:s15], [sflag:$0x2], $0x80, s30, s19, $0xb8;
	[tilespmem:$0x1D400] =	vst v63  }
0x59: {  	_ =	swait.ge [sflag:s16], $0x3C00  }
0x5a: {  	s3 =	sadd.s32 $0x1, s3;
	[sflag:s16] =	ssyncset.done $0x0  }
0x5b: {  	p0 =	sne.s32 s3, s14;
	[sflag:s16] =	ssyncadd.s32 $0xFFFFC400  }
.Ltmp2:
0x5c: {  	s31 =	sshrl.u32 s5, $0x3;
	[bflag:$0x0] =	sbarrier.arrive $0xFFFF;
	(pc) =	sbr.rel @p0 .LBB2_1-.Ltmp2, $4  }
0x5d: {  	[hbm:s13], [sflag:s21] =	dma.local [spmem:s31], $0x2800  }
0x5e: {  	_ =	swait.ge [sflag:s16], $0x2800  }
0x5f: {  	[sflag:s16] =	ssyncset.done $0x0  }
0x60: {  	[sflag:s16] =	ssyncadd.s32 $0xFFFFD800  }
0x61: {  	_ =	sfence.sel $0x180000  }
0x62: {  	[bflag:$0x0] =	sbarrier.arrive $0xFFFF  }
0x63: {  	p0 =	sne.s32 s0, $0x0;
	_ =	strace $0x9000004D  }
0x64: {  	s0 =	sadd.s32 @!p0 $0x100000, s1;
	[bflag:$0x2] =	sbarrier.arrive $0xFFFF  }
0x65: {  	[sflag:s0] =	ssyncadd.tile.s32 @!p0 $0x1;
	_ =	shalt  }
.Lfunc_end2:
_tile_overlayer_lowered:
.L_overlay_start_2:
0x66: {  	(tag) =	ssettag $0x2  }
0x67: {  	s0 =	rddreg [dreg:$0x0];
	s2 =	stileid.u32  }
0x68: {  	s1 =	rddreg [dreg:$0x1];
	p0 =	sne.s32 s2, $0x0  }
0x69: {  	s3 =	rddreg [dreg:$0x2];
	[bflag:$0x3] =	sbarrier.arrive $0xFFFF;
	s2 =	simm.s32 @!p0 $0x1C02  }
0x6a: {  	[timem:s3], [sflag:s2] =	dma.local @!p0 [hbm:s0], s1  }
0x6b: {  	s0 =	simm.s32 @!p0 $0x2  }
0x6c: {  	_ =	swait.ge @!p0 [sflag:s0], s1  }
0x6d: {  	s1 =	ssub.s32 @!p0 $0x0, s1;
	[sflag:s0] =	ssyncset.done @!p0 $0x0  }
0x6e: {  	[sflag:s0] =	ssyncadd.s32 @!p0 s1  }
0x6f: {  	[bflag:$0x3] =	sbarrier.arrive $0xFFFF  }
0x70: {  	_ =	shalt  }

// kernel: kernel.21.cloned.1.call-start
scs
__scs_entry_jumppad:
0x0: {  	(pc) =	sbr.rel $0x88, $3  }
0x1: {  	(tag) =	ssettag $0x0;
	lr =	simm.s32 $0x1  }
0x2: {  	[smem:$0x3F99] =	sst lr;
	_ =	strace $0xD0000000  }
0x3: {  	_ = 	snop  }
0x4: {  	_ = 	snop  }
0x5: {  	_ = 	snop  }
0x6: {  	_ = 	snop  }
0x7: {  	_ = 	snop  }
__scs_overlays_trampoline_lowered:
0x8: {  	[smem:$0x3FA8] =	sst s0  }
0x9: {  	[smem:$0x3FA9] =	sst s1  }
0xa: {  	[smem:$0x3FAA] =	sst s2  }
0xb: {  	[smem:$0x3FAB] =	sst s3  }
0xc: {  	[smem:$0x3FAC] =	sst s4  }
0xd: {  	[smem:$0x3FAD] =	sst s5  }
0xe: {  	[smem:$0x3FAE] =	sst s6  }
0xf: {  	[smem:$0x3FAF] =	sst s7  }
0x10: {  	[smem:$0x3FB0] =	sst s8  }
0x11: {  	[smem:$0x3FB1] =	sst s9;
	s0 =	simm.s32 @!p0 $0x0  }
0x12: {  	s1 =	sld [smem:$0x3F97];
	s0 =	simm.s32 @p0 $0x1  }
0x13: {  	[smem:$0x3FB2] =	sst s0;
	s0 =	simm.s32 @!p1 $0x0  }
0x14: {  	s2 =	sld [smem:$0x3F96];
	s0 =	simm.s32 @p1 $0x1  }
0x15: {  	[smem:$0x3FB3] =	sst s0;
	s0 =	simm.s32 @!p2 $0x0  }
0x16: {  	s3 =	sld [smem:$0x3FDB];
	s0 =	simm.s32 @p2 $0x1  }
0x17: {  	s4 =	simm.s32 $0x1BF5;
	[smem:$0x3FB5] =	sst s0  }
0x18: {  	s0 =	sld [smem:$0x3F98];
	_ =	swait.ge [sflag:s4], $0x0  }
0x19: {  	s7 =	sld [smem:$0x3F99]  }
0x1a: {  	s8 =	sadd.s32 $0xFFFFE003, lr  }
0x1b: {  	s9 =	sadd.s32 $0xFFFFFEF7, lr;
	s5 =	simm.s32 $0xFFFFFFFF;
	p2 =	slt.u32 s8, $0xFFFFF086  }
0x1c: {  	p1 =	slt.u32 s9, $0xF7A;
	s5 =	simm.s32 @!p2 $0x0  }
0x1d: {  	s5 =	simm.s32 @p1 $0x1;
	p0 =	seq.s32 s7, s2  }
0x1e: {  	s7 =	smul.u32 @!p0 $0xF7A, s2;
	p2 =	seq.s32 @!p0 s5, $0x0  }
0x1f: {  	s9 =	smul.u32 $0xF7A, s1;
	s8 =	simm.s32 @!p0 $0x1BF5;
	p2 =	por !p2, p0  }
0x20: {  	[sflag:s8] =	ssyncset.s32 @!p0 $0xFFFFF086;
	s6 =	sadd.s32 @!p0 s3, s7;
	s7 =	simm.s32 @!p0 $0x108  }
0x21: {  	s3 =	sadd.s32 s3, s9;
	s6 =	sadd.s32 @!p0 $0x88, s6;
	s7 =	simm.s32 @p2 $0x1082  }
0x22: {  	[simem:s7], [sflag:s8] =	dma.local @!p0 [hbm:s6], $0xF7A  }
0x23: {  	s9 =	sor.u32 $0xD0000000, s2;
	s6 =	simm.s32 $0x108;
	_ =	swait.ge @!p0 [sflag:s8], $0x0  }
0x24: {  	s3 =	sadd.s32 $0x88, s3;
	s6 =	simm.s32 @!p1 $0x1082;
	[sflag:s4] =	ssyncset.s32 $0xFFFFF086  }
0x25: {  	[simem:s6], [sflag:s4] =	dma.local [hbm:s3], $0xF7A  }
0x26: {  	[smem:$0x3F99] =	sst s1;
	(tag) =	ssettag s2;
	_ =	strace s9  }
0x27: {  	s1 =	sld [smem:$0x3FA9]  }
0x28: {  	s2 =	sld [smem:$0x3FAA]  }
0x29: {  	s4 =	sld [smem:$0x3FAC]  }
0x2a: {  	p0 =	seq.s32 s5, $0x0;
	s5 =	sld [smem:$0x3FAD]  }
0x2b: {  	s6 =	sld [smem:$0x3FAE]  }
0x2c: {  	s7 =	sld [smem:$0x3FAF]  }
0x2d: {  	s3 =	simm.s32 $0x108;
	s8 =	sld [smem:$0x3FB0]  }
0x2e: {  	s3 =	simm.s32 @!p0 $0x1082;
	s9 =	sld [smem:$0x3FB1]  }
0x2f: {  	lr =	sadd.s32 s0, s3;
	s0 =	sld [smem:$0x3FA8]  }
0x30: {  	s3 =	sld [smem:$0x3FAB]  }
0x31: {  	[smem:$0x3FB4] =	sst s10  }
0x32: {  	s10 =	sld [smem:$0x3FB2];
	_ =	sdelay $0x3  }
0x33: {  	p0 =	seq.s32 s10, $0x1;
	s10 =	sld [smem:$0x3FB4];
	_ =	sdelay $0x3  }
0x34: {  	[smem:$0x3FB4] =	sst s10  }
0x35: {  	s10 =	sld [smem:$0x3FB3];
	_ =	sdelay $0x3  }
0x36: {  	p1 =	seq.s32 s10, $0x1;
	s10 =	sld [smem:$0x3FB4];
	_ =	sdelay $0x3  }
0x37: {  	[smem:$0x3FB4] =	sst s10  }
0x38: {  	s10 =	sld [smem:$0x3FB5]  }
0x39: {  	_ = 	snop;
	(pc) =	sbr.ind lr, $3  }
0x3a: {  	_ = 	snop  }
0x3b: {  	_ = 	snop  }
0x3c: {  	p2 =	seq.s32 s10, $0x1;
	s10 =	sld [smem:$0x3FB4]  }
0x3d: {  	_ =	shalt  }
0x3e: {  	_ =	shalt  }
0x3f: {  	_ =	shalt  }
0x40: {  	_ =	shalt  }
0x41: {  	_ =	shalt  }
0x42: {  	_ =	shalt  }
0x43: {  	_ =	shalt  }
0x44: {  	_ =	shalt  }
0x45: {  	_ =	shalt  }
0x46: {  	_ =	shalt  }
0x47: {  	_ =	shalt  }
0x48: {  	_ =	shalt  }
0x49: {  	_ =	shalt  }
0x4a: {  	_ =	shalt  }
0x4b: {  	_ =	shalt  }
0x4c: {  	_ =	shalt  }
0x4d: {  	_ =	shalt  }
0x4e: {  	_ =	shalt  }
0x4f: {  	_ =	shalt  }
0x50: {  	_ =	shalt  }
0x51: {  	_ =	shalt  }
0x52: {  	_ =	shalt  }
0x53: {  	_ =	shalt  }
0x54: {  	_ =	shalt  }
0x55: {  	_ =	shalt  }
0x56: {  	_ =	shalt  }
0x57: {  	_ =	shalt  }
0x58: {  	_ =	shalt  }
0x59: {  	_ =	shalt  }
0x5a: {  	_ =	shalt  }
0x5b: {  	_ =	shalt  }
0x5c: {  	_ =	shalt  }
0x5d: {  	_ =	shalt  }
0x5e: {  	_ =	shalt  }
0x5f: {  	_ =	shalt  }
0x60: {  	_ =	shalt  }
0x61: {  	_ =	shalt  }
0x62: {  	_ =	shalt  }
0x63: {  	_ =	shalt  }
0x64: {  	_ =	shalt  }
0x65: {  	_ =	shalt  }
0x66: {  	_ =	shalt  }
0x67: {  	_ =	shalt  }
0x68: {  	_ =	shalt  }
0x69: {  	_ =	shalt  }
0x6a: {  	_ =	shalt  }
0x6b: {  	_ =	shalt  }
0x6c: {  	_ =	shalt  }
0x6d: {  	_ =	shalt  }
0x6e: {  	_ =	shalt  }
0x6f: {  	_ =	shalt  }
0x70: {  	_ =	shalt  }
0x71: {  	_ =	shalt  }
0x72: {  	_ =	shalt  }
0x73: {  	_ =	shalt  }
0x74: {  	_ =	shalt  }
0x75: {  	_ =	shalt  }
0x76: {  	_ =	shalt  }
0x77: {  	_ =	shalt  }
0x78: {  	_ =	shalt  }
0x79: {  	_ =	shalt  }
0x7a: {  	_ =	shalt  }
0x7b: {  	_ =	shalt  }
0x7c: {  	_ =	shalt  }
0x7d: {  	_ =	shalt  }
0x7e: {  	_ =	shalt  }
0x7f: {  	_ =	shalt  }
0x80: {  	_ =	shalt  }
0x81: {  	_ =	shalt  }
0x82: {  	_ =	shalt  }
0x83: {  	_ =	shalt  }
0x84: {  	_ =	shalt  }
0x85: {  	_ =	shalt  }
0x86: {  	_ =	shalt  }
0x87: {  	_ =	shalt  }
.Lfunc_end0:
.L_simem_size_0:
called_computation.3_lowered:
.L_overlay_start_0:
0x88: {  	s2 =	sld [smem:$0x3FD9]  }
0x89: {  	s3 =	sld [smem:$0x3FFE];
	_ =	sdelay $0x1  }
0x8a: {  	s1 =	srdreg.scid  }
0x8b: {  	s0 =	sand.u32 $0x1, s1  }
0x8c: {  	s17 =	sshll.u32 s0, $0xA;
	s2 =	sadd.s32 s3, s2  }
0x8d: {  	s2 =	sadd.s32 s2, s17  }
0x8e: {  	[smem:$0x3FC0] =	sst s2  }
0x8f: {  	_ = 	snop  }
0x90: {  	s2 =	sld [smem:$0x3FD0];
	(tm) =	ssettm $0x1  }
0x91: {  	s18 =	sld [smem:$0x3FFB];
	_ =	sdelay $0x3  }
0x92: {  	_ =	strace s18  }
0x93: {  	s3 =	sld [smem:$0x3FFC];
	_ =	sdelay $0x3  }
0x94: {  	_ =	strace s3  }
0x95: {  	s3 =	sld [smem:$0x3FFD];
	_ =	sdelay $0x3  }
0x96: {  	_ =	strace s3  }
0x97: {  	_ =	strace $0x8FFFFFFF  }
0x98: {  	s19 =	sld [smem:$0x3FDB];
	_ =	sdelay $0x1  }
0x99: {  	s4 =	simm.s32 $_scs_section_size  }
0x9a: {  	s5 =	simm.s32 $_size__tile_overlayer_lowered;
	s6 =	simm.s32 $_tile_overlayer_lowered  }
0x9b: {  	s22 =	simm.s32 $0x1BFF;
	s21 =	sshll.u32 s6, $0x1;
	s3 =	sadd.s32 s4, s19  }
0x9c: {  	s7 =	simm.s32 $0x0;
	s20 =	sshll.u32 s5, $0x1;
	s5 =	sadd.s32 s21, s3  }
0x9d: {  	[timem:s7], [sflag:s22] =	dma.local [hbm:s5], s20  }
0x9e: {  	_ =	swait.ge [sflag:s22], s20  }
0x9f: {  	s4 =	ssub.s32 $0x0, s20;
	[sflag:s22] =	ssyncset.done $0x0  }
0xa0: {  	[sflag:s22] =	ssyncadd.s32 s4;
	_ =	sdelay $0x1  }
0xa1: {  	s23 =	simm.s32 $0x1B8B  }
0xa2: {  	_ =	swait.ge [sflag:s23], $0x1  }
0xa3: {  	[sflag:s23] =	ssyncset.done $0x0  }
0xa4: {  	s25 =	simm.s32 $0x1B8E;
	s24 =	sld [smem:$0x3FFE];
	[sflag:s23] =	ssyncadd.s32 $0xFFFFFFFF  }
0xa5: {  	s26 =	simm.s32 $execute0_lowered;
	[smem:$0x3FD2] =	sst s25  }
0xa6: {  	s5 =	sshll.u32 s26, $0x1;
	_ =	strace $0x8000004F;
	[dreg:$0x1] =	wrdreg $0xFFFFFFFF  }
0xa7: {  	s28 =	simm.s32 $_size_execute0_lowered;
	s3 =	sadd.s32 s3, s5;
	[dreg:$0x0] =	wrdreg $0x0  }
0xa8: {  	s5 =	sshll.u32 s28, $0x1;
	[dreg:$0x2] =	wrdreg s3  }
0xa9: {  	[dreg:$0x3] =	wrdreg s5  }
0xaa: {  	[dreg:$0x4] =	wrdreg $0xC0  }
0xab: {  	_ =	task [dreg:s7], $0x5FFFF  }
0xac: {  	[dreg:$0x1] =	wrdreg $0xFFFFFFFF  }
0xad: {  	[dreg:$0x0] =	wrdreg $0x60  }
0xae: {  	[dreg:$0x2] =	wrdreg s24  }
0xaf: {  	[dreg:$0x3] =	wrdreg s2  }
0xb0: {  	[dreg:$0x4] =	wrdreg $0x0  }
0xb1: {  	[dreg:$0x5] =	wrdreg $0x9  }
0xb2: {  	_ =	task.clear_ibuf [dreg:s7], $0x6FFFF;
	_ =	strace $0x9000004F  }
0xb3: {  	s29 =	simm.s32 $0x9;
	_ =	strace $0x80000051  }
0xb4: {  	_ =	swait.ge [sflag:s29], $0x1  }
0xb5: {  	[sflag:s29] =	ssyncadd.s32 $0xFFFFFFFF  }
0xb6: {  	_ =	strace $0x90000051  }
0xb7: {  	_ =	sfence  }
0xb8: {  	s30 =	sld [smem:$0x0];
	_ =	sdelay $0x2  }
0xb9: {  	s31 =	sshll.u32 s1, $0xD;
	s1 =	sshrl.u32 s1, $0x2  }
0xba: {  	s3 =	sand.u32 $0x4000, s31;
	s1 =	sadd.s32 s1, s30  }
0xbb: {  	s0 =	sor.u32 s3, s0;
	s1 =	sshll.u32 s1, $0x11  }
0xbc: {  	s0 =	sor.u32 s1, s0  }
0xbd: {  	s0 =	sadd.s32 $0x8F2B, s0  }
0xbe: {  	[sflag:s0] =	ssyncadd.remote.s32 $0x1  }
0xbf: {  	_ =	sfence.sel $0xFFFF  }
0xc0: {  	[dreg:$0x0] =	wrdreg $0xFFFFFFFF;
	(pc) =	sbr.abs _section_cstart, $3  }
0xc1: {  	[dreg:$0x1] =	wrdreg $0xFFFFFFFF  }
0xc2: {  	_ =	task.clear_ibuf [dreg:s7], $0x2FFFF;
	_ =	strace $0x9FFFFFFF  }
0xc3: {  	(tm) =	ssettm $0x7FFFFFFF  }
tec
execute0_lowered:
.L_overlay_start_1:
0x0: {  	(tag) =	ssettag $0x1  }
0x1: {  	s6 =	rddreg [dreg:$0x0]  }
0x2: {  	s11 =	rddreg [dreg:$0x1]  }
0x3: {  	s0 =	srdreg.scid;
	s2 =	rddreg [dreg:$0x2]  }
0x4: {  	s3 =	simm.s32 $0x0;
	s16 =	simm.s32 $0x2;
	s17 =	simm.s32 $0x14000  }
0x5: {  	s18 =	simm.s32 $0x16C00;
	s19 =	simm.s32 $0x78;
	s5 =	sand.u32 $0x1, s0  }
0x6: {  	s20 =	simm.s32 $0x1;
	s0 =	stileid.u32;
	s7 =	smul.u32 $0x140000, s5  }
0x7: {  	[smem:$0x7FF] =	sst s3;
	s4 =	sadd.s32 $0x3000, s6;
	s8 =	smul.u32 $0x14000, s0  }
0x8: {  	s1 =	sshll.u32 s5, $0x4;
	s9 =	smul.u32 $0x50000, s0;
	s29 =	ssub.s32 $0x2, s5  }
0x9: {  	s21 =	sshll.u32 s0, $0x6;
	s1 =	sor.u32 s0, s1;
	s31 =	sshrl.u32 s29, $0x1  }
0xa: {  	s21 =	sor.u32 $0x1C02, s21;
	s12 =	smul.u32 $0x580, s1;
	s1 =	rddreg [dreg:$0x3]  }
0xb: {  	_ =	strace $0x80000050;
	s7 =	sadd.s32 s8, s7;
	s30 =	sshrl.u32 s9, $0x2  }
0xc: {  	s15 =	ssub.s32 s29, s31;
	s7 =	sshrl.u32 s7, $0x3;
	s5 =	sadd.s32 s30, s2  }
0xd: {  	s13 =	sadd.s32 s12, s6;
	s14 =	sadd.s32 s7, s6;
	s6 =	sadd.s32 $0x3C00, s5  }
0xe: {  	s7 =	sadd.s32 $0x7800, s5;
	s8 =	sadd.s32 $0xB400, s5;
	s9 =	sadd.s32 $0xF000, s5  }
0xf: {  	s10 =	sadd.s32 $0x12C00, s5;
	s11 =	sadd.s32 s11, s12;
	s12 =	sadd.s32 $0x53000, s13  }
0x10: {  	v0 =	vimm.f32 $0.0e+00;
	s13 =	sadd.s32 $0x5E000, s14;
	s14 =	smax.u32 s15, $0x1;
	s15 =	simm.s32 $0x19800  }
.LBB2_1:
0x11: {  	s22 =	simm.s32 $0x0;
	s23 =	simm.s32 $0x200  }
.LBB2_2:
0x12: {  	p0 =	sne.s32 s23, $0xEE00;
	[tilespmem:s22+$0x19870] =	vst v0  }
0x13: {  	[tilespmem:s22+$0x19800] =	vst v0  }
0x14: {  	[tilespmem:s22+$0x19810] =	vst v0  }
.Ltmp0:
0x15: {  	[tilespmem:s22+$0x19820] =	vst v0;
	(pc) =	sbr.rel @p0 .LBB2_2-.Ltmp0, $4  }
0x16: {  	[tilespmem:s22+$0x19830] =	vst v0  }
0x17: {  	[tilespmem:s22+$0x19840] =	vst v0  }
0x18: {  	[tilespmem:s22+$0x19850] =	vst v0  }
0x19: {  	[tilespmem:s22+$0x19860] =	vst v0;
	s22 =	sshra.s32 s23, $0x2;
	s23 =	sadd.s32 $0x200, s23  }
0x1a: {  	[tilespmem:s22+$0x19870] =	vst v0  }
0x1b: {  	[tilespmem:s22+$0x19800] =	vst v0  }
0x1c: {  	[tilespmem:s22+$0x19810] =	vst v0  }
0x1d: {  	[tilespmem:s22+$0x19820] =	vst v0  }
0x1e: {  	[tilespmem:s22+$0x19830] =	vst v0  }
0x1f: {  	[tilespmem:s22+$0x19840] =	vst v0  }
0x20: {  	[tilespmem:s22+$0x19850] =	vst v0  }
0x21: {  	[tilespmem:s22+$0x19860] =	vst v0  }
0x22: {  	[spmem:s5] =	stream.linear.scatter [tilespmem:s15], [sflag:$0x2], $0x3C00, $0x38;
	[tilespmem:$0x1D400] =	vst v63  }
0x23: {  	_ =	swait.ge [sflag:s16], $0x3C00  }
0x24: {  	[sflag:s16] =	ssyncset.done $0x0  }
0x25: {  	[sflag:s16] =	ssyncadd.s32 $0xFFFFC400  }
0x26: {  	[spmem:s6] =	stream.linear.scatter [tilespmem:s15], [sflag:$0x2], $0x3C00, $0x38;
	[tilespmem:$0x1D400] =	vst v63  }
0x27: {  	_ =	swait.ge [sflag:s16], $0x3C00  }
0x28: {  	[sflag:s16] =	ssyncset.done $0x0  }
0x29: {  	[sflag:s16] =	ssyncadd.s32 $0xFFFFC400  }
0x2a: {  	[spmem:s7] =	stream.linear.scatter [tilespmem:s15], [sflag:$0x2], $0x3C00, $0x38;
	[tilespmem:$0x1D400] =	vst v63  }
0x2b: {  	_ =	swait.ge [sflag:s16], $0x3C00  }
0x2c: {  	[sflag:s16] =	ssyncset.done $0x0  }
0x2d: {  	[sflag:s16] =	ssyncadd.s32 $0xFFFFC400  }
0x2e: {  	[spmem:s8] =	stream.linear.scatter [tilespmem:s15], [sflag:$0x2], $0x3C00, $0x38;
	[tilespmem:$0x1D400] =	vst v63  }
0x2f: {  	_ =	swait.ge [sflag:s16], $0x3C00  }
0x30: {  	[sflag:s16] =	ssyncset.done $0x0  }
0x31: {  	[sflag:s16] =	ssyncadd.s32 $0xFFFFC400  }
0x32: {  	[spmem:s9] =	stream.linear.scatter [tilespmem:s15], [sflag:$0x2], $0x3C00, $0x38;
	[tilespmem:$0x1D400] =	vst v63  }
0x33: {  	_ =	swait.ge [sflag:s16], $0x3C00  }
0x34: {  	[sflag:s16] =	ssyncset.done $0x0  }
0x35: {  	[sflag:s16] =	ssyncadd.s32 $0xFFFFC400  }
0x36: {  	[spmem:s10] =	stream.linear.scatter [tilespmem:s15], [sflag:$0x2], $0x1400, $0x38;
	[tilespmem:$0x1D400] =	vst v63  }
0x37: {  	_ =	swait.ge [sflag:s16], $0x1400  }
0x38: {  	[sflag:s16] =	ssyncset.done $0x0  }
0x39: {  	s29 =	simm.s32 $0x0;
	[sflag:s16] =	ssyncadd.s32 $0xFFFFEC00  }
0x3a: {  	[tilespmem:s17], [sflag:$0x2] =	stream.linear.gather [hbm4b:s11+s29], $0x2A00, $0x38;
	[tilespmem:$0x1D400] =	vst v63  }
0x3b: {  	_ =	swait.ge [sflag:s16], $0x2A00  }
0x3c: {  	[sflag:s16] =	ssyncset.done $0x0  }
0x3d: {  	[sflag:s16] =	ssyncadd.s32 $0xFFFFD600  }
0x3e: {  	[tilespmem:s18], [sflag:$0x2] =	stream.linear.gather [hbm4b:s12+s29], $0x2A00, $0x38;
	[tilespmem:$0x1D400] =	vst v63  }
0x3f: {  	_ =	swait.ge [sflag:s16], $0x2A00  }
0x40: {  	[sflag:s16] =	ssyncset.done $0x0  }
0x41: {  	[sflag:s16] =	ssyncadd.s32 $0xFFFFD600  }
0x42: {  	s30 =	simm.s32 $0x14000;
	[bflag:$0x0] =	sbarrier.arrive $0xFFFF  }
0x43: {  	[tilespmem:s15], [sflag:$0x1] =	stream.indirect.gather [hbm4b:s4+s19], $0x80, s30, s19, $0xb8;
	[tilespmem:$0x1D400] =	vst v63  }
0x44: {  	_ =	swait.ge [sflag:s20], $0x3C00  }
0x45: {  	[sflag:s20] =	ssyncset.done $0x0  }
0x46: {  	s31 =	simm.s32 $0x16C00;
	[sflag:s20] =	ssyncadd.s32 $0xFFFFC400  }
0x47: {  	[spmem:s2] =	stream.indirect.scatter.add.f32 [tilespmem:s15], [sflag:$0x2], $0x80, s31, s19, $0xb8;
	[tilespmem:$0x1D400] =	vst v63  }
0x48: {  	_ =	swait.ge [sflag:s16], $0x3C00  }
0x49: {  	s23 =	simm.s32 $0x400;
	s22 =	simm.s32 $0x80;
	[sflag:s16] =	ssyncset.done $0x0  }
.LBB2_4:
0x4a: {  	s24 =	sadd.s32 $0x14000, s22  }
0x4b: {  	[sflag:s16] =	ssyncadd.s32 $0xFFFFC400;
	s25 =	smov.u32 s23;
	s26 =	sadd.s32 $0x200, s23  }
0x4c: {  	[tilespmem:s15], [sflag:$0x1] =	stream.indirect.gather [hbm4b:s4+s19], $0x80, s24, s19, $0xb8;
	[tilespmem:$0x1D400] =	vst v63  }
0x4d: {  	p0 =	sne.s32 s23, $0xA600;
	_ =	swait.ge [sflag:s20], $0x3C00  }
.Ltmp1:
0x4e: {  	[sflag:s20] =	ssyncset.done $0x0;
	(pc) =	sbr.rel @p0 .LBB2_4-.Ltmp1, $4  }
0x4f: {  	s22 =	sadd.s32 $0x16C00, s22;
	[sflag:s20] =	ssyncadd.s32 $0xFFFFC400  }
0x50: {  	[spmem:s2] =	stream.indirect.scatter.add.f32 [tilespmem:s15], [sflag:$0x2], $0x80, s22, s19, $0xb8;
	[tilespmem:$0x1D400] =	vst v63  }
0x51: {  	_ =	swait.ge [sflag:s16], $0x3C00  }
0x52: {  	s23 =	smov.u32 s26;
	s22 =	sshra.s32 s25, $0x2;
	[sflag:s16] =	ssyncset.done $0x0  }
0x53: {  	s23 =	sadd.s32 $0x14000, s22;
	[sflag:s16] =	ssyncadd.s32 $0xFFFFC400  }
0x54: {  	[tilespmem:s15], [sflag:$0x1] =	stream.indirect.gather [hbm4b:s4+s19], $0x80, s23, s19, $0xb8;
	[tilespmem:$0x1D400] =	vst v63  }
0x55: {  	_ =	swait.ge [sflag:s20], $0x3C00  }
0x56: {  	[sflag:s20] =	ssyncset.done $0x0  }
0x57: {  	s30 =	sadd.s32 $0x16C00, s22;
	[sflag:s20] =	ssyncadd.s32 $0xFFFFC400  }
0x58: {  	[spmem:s2] =	stream.indirect.scatter.add.f32 [tilespmem:s15], [sflag:$0x2], $0x80, s30, s19, $0xb8;
	[tilespmem:$0x1D400] =	vst v63  }
0x59: {  	_ =	swait.ge [sflag:s16], $0x3C00  }
0x5a: {  	s3 =	sadd.s32 $0x1, s3;
	[sflag:s16] =	ssyncset.done $0x0  }
0x5b: {  	p0 =	sne.s32 s3, s14;
	[sflag:s16] =	ssyncadd.s32 $0xFFFFC400  }
.Ltmp2:
0x5c: {  	s31 =	sshrl.u32 s5, $0x3;
	[bflag:$0x0] =	sbarrier.arrive $0xFFFF;
	(pc) =	sbr.rel @p0 .LBB2_1-.Ltmp2, $4  }
0x5d: {  	[hbm:s13], [sflag:s21] =	dma.local [spmem:s31], $0x2800  }
0x5e: {  	_ =	swait.ge [sflag:s16], $0x2800  }
0x5f: {  	[sflag:s16] =	ssyncset.done $0x0  }
0x60: {  	[sflag:s16] =	ssyncadd.s32 $0xFFFFD800  }
0x61: {  	_ =	sfence.sel $0x180000  }
0x62: {  	[bflag:$0x0] =	sbarrier.arrive $0xFFFF  }
0x63: {  	p0 =	sne.s32 s0, $0x0;
	_ =	strace $0x90000050  }
0x64: {  	s0 =	sadd.s32 @!p0 $0x100000, s1;
	[bflag:$0x2] =	sbarrier.arrive $0xFFFF  }
0x65: {  	[sflag:s0] =	ssyncadd.tile.s32 @!p0 $0x1;
	_ =	shalt  }
.Lfunc_end2:
_tile_overlayer_lowered:
.L_overlay_start_2:
0x66: {  	(tag) =	ssettag $0x2  }
0x67: {  	s0 =	rddreg [dreg:$0x0];
	s2 =	stileid.u32  }
0x68: {  	s1 =	rddreg [dreg:$0x1];
	p0 =	sne.s32 s2, $0x0  }
0x69: {  	s3 =	rddreg [dreg:$0x2];
	[bflag:$0x3] =	sbarrier.arrive $0xFFFF;
	s2 =	simm.s32 @!p0 $0x1C02  }
0x6a: {  	[timem:s3], [sflag:s2] =	dma.local @!p0 [hbm:s0], s1  }
0x6b: {  	s0 =	simm.s32 @!p0 $0x2  }
0x6c: {  	_ =	swait.ge @!p0 [sflag:s0], s1  }
0x6d: {  	s1 =	ssub.s32 @!p0 $0x0, s1;
	[sflag:s0] =	ssyncset.done @!p0 $0x0  }
0x6e: {  	[sflag:s0] =	ssyncadd.s32 @!p0 s1  }
0x6f: {  	[bflag:$0x3] =	sbarrier.arrive $0xFFFF  }
0x70: {  	_ =	shalt  }

// kernel: kernel.24.cloned.1.call-start
scs
__scs_entry_jumppad:
0x0: {  	(pc) =	sbr.rel $0x88, $3  }
0x1: {  	(tag) =	ssettag $0x0;
	lr =	simm.s32 $0x1  }
0x2: {  	[smem:$0x3F99] =	sst lr;
	_ =	strace $0xD0000000  }
0x3: {  	_ = 	snop  }
0x4: {  	_ = 	snop  }
0x5: {  	_ = 	snop  }
0x6: {  	_ = 	snop  }
0x7: {  	_ = 	snop  }
__scs_overlays_trampoline_lowered:
0x8: {  	[smem:$0x3FA8] =	sst s0  }
0x9: {  	[smem:$0x3FA9] =	sst s1  }
0xa: {  	[smem:$0x3FAA] =	sst s2  }
0xb: {  	[smem:$0x3FAB] =	sst s3  }
0xc: {  	[smem:$0x3FAC] =	sst s4  }
0xd: {  	[smem:$0x3FAD] =	sst s5  }
0xe: {  	[smem:$0x3FAE] =	sst s6  }
0xf: {  	[smem:$0x3FAF] =	sst s7  }
0x10: {  	[smem:$0x3FB0] =	sst s8  }
0x11: {  	[smem:$0x3FB1] =	sst s9;
	s0 =	simm.s32 @!p0 $0x0  }
0x12: {  	s1 =	sld [smem:$0x3F97];
	s0 =	simm.s32 @p0 $0x1  }
0x13: {  	[smem:$0x3FB2] =	sst s0;
	s0 =	simm.s32 @!p1 $0x0  }
0x14: {  	s2 =	sld [smem:$0x3F96];
	s0 =	simm.s32 @p1 $0x1  }
0x15: {  	[smem:$0x3FB3] =	sst s0;
	s0 =	simm.s32 @!p2 $0x0  }
0x16: {  	s3 =	sld [smem:$0x3FDB];
	s0 =	simm.s32 @p2 $0x1  }
0x17: {  	s4 =	simm.s32 $0x1BF5;
	[smem:$0x3FB5] =	sst s0  }
0x18: {  	s0 =	sld [smem:$0x3F98];
	_ =	swait.ge [sflag:s4], $0x0  }
0x19: {  	s7 =	sld [smem:$0x3F99]  }
0x1a: {  	s8 =	sadd.s32 $0xFFFFE003, lr  }
0x1b: {  	s9 =	sadd.s32 $0xFFFFFEF7, lr;
	s5 =	simm.s32 $0xFFFFFFFF;
	p2 =	slt.u32 s8, $0xFFFFF086  }
0x1c: {  	p1 =	slt.u32 s9, $0xF7A;
	s5 =	simm.s32 @!p2 $0x0  }
0x1d: {  	s5 =	simm.s32 @p1 $0x1;
	p0 =	seq.s32 s7, s2  }
0x1e: {  	s7 =	smul.u32 @!p0 $0xF7A, s2;
	p2 =	seq.s32 @!p0 s5, $0x0  }
0x1f: {  	s9 =	smul.u32 $0xF7A, s1;
	s8 =	simm.s32 @!p0 $0x1BF5;
	p2 =	por !p2, p0  }
0x20: {  	[sflag:s8] =	ssyncset.s32 @!p0 $0xFFFFF086;
	s6 =	sadd.s32 @!p0 s3, s7;
	s7 =	simm.s32 @!p0 $0x108  }
0x21: {  	s3 =	sadd.s32 s3, s9;
	s6 =	sadd.s32 @!p0 $0x88, s6;
	s7 =	simm.s32 @p2 $0x1082  }
0x22: {  	[simem:s7], [sflag:s8] =	dma.local @!p0 [hbm:s6], $0xF7A  }
0x23: {  	s9 =	sor.u32 $0xD0000000, s2;
	s6 =	simm.s32 $0x108;
	_ =	swait.ge @!p0 [sflag:s8], $0x0  }
0x24: {  	s3 =	sadd.s32 $0x88, s3;
	s6 =	simm.s32 @!p1 $0x1082;
	[sflag:s4] =	ssyncset.s32 $0xFFFFF086  }
0x25: {  	[simem:s6], [sflag:s4] =	dma.local [hbm:s3], $0xF7A  }
0x26: {  	[smem:$0x3F99] =	sst s1;
	(tag) =	ssettag s2;
	_ =	strace s9  }
0x27: {  	s1 =	sld [smem:$0x3FA9]  }
0x28: {  	s2 =	sld [smem:$0x3FAA]  }
0x29: {  	s4 =	sld [smem:$0x3FAC]  }
0x2a: {  	p0 =	seq.s32 s5, $0x0;
	s5 =	sld [smem:$0x3FAD]  }
0x2b: {  	s6 =	sld [smem:$0x3FAE]  }
0x2c: {  	s7 =	sld [smem:$0x3FAF]  }
0x2d: {  	s3 =	simm.s32 $0x108;
	s8 =	sld [smem:$0x3FB0]  }
0x2e: {  	s3 =	simm.s32 @!p0 $0x1082;
	s9 =	sld [smem:$0x3FB1]  }
0x2f: {  	lr =	sadd.s32 s0, s3;
	s0 =	sld [smem:$0x3FA8]  }
0x30: {  	s3 =	sld [smem:$0x3FAB]  }
0x31: {  	[smem:$0x3FB4] =	sst s10  }
0x32: {  	s10 =	sld [smem:$0x3FB2];
	_ =	sdelay $0x3  }
0x33: {  	p0 =	seq.s32 s10, $0x1;
	s10 =	sld [smem:$0x3FB4];
	_ =	sdelay $0x3  }
0x34: {  	[smem:$0x3FB4] =	sst s10  }
0x35: {  	s10 =	sld [smem:$0x3FB3];
	_ =	sdelay $0x3  }
0x36: {  	p1 =	seq.s32 s10, $0x1;
	s10 =	sld [smem:$0x3FB4];
	_ =	sdelay $0x3  }
0x37: {  	[smem:$0x3FB4] =	sst s10  }
0x38: {  	s10 =	sld [smem:$0x3FB5]  }
0x39: {  	_ = 	snop;
	(pc) =	sbr.ind lr, $3  }
0x3a: {  	_ = 	snop  }
0x3b: {  	_ = 	snop  }
0x3c: {  	p2 =	seq.s32 s10, $0x1;
	s10 =	sld [smem:$0x3FB4]  }
0x3d: {  	_ =	shalt  }
0x3e: {  	_ =	shalt  }
0x3f: {  	_ =	shalt  }
0x40: {  	_ =	shalt  }
0x41: {  	_ =	shalt  }
0x42: {  	_ =	shalt  }
0x43: {  	_ =	shalt  }
0x44: {  	_ =	shalt  }
0x45: {  	_ =	shalt  }
0x46: {  	_ =	shalt  }
0x47: {  	_ =	shalt  }
0x48: {  	_ =	shalt  }
0x49: {  	_ =	shalt  }
0x4a: {  	_ =	shalt  }
0x4b: {  	_ =	shalt  }
0x4c: {  	_ =	shalt  }
0x4d: {  	_ =	shalt  }
0x4e: {  	_ =	shalt  }
0x4f: {  	_ =	shalt  }
0x50: {  	_ =	shalt  }
0x51: {  	_ =	shalt  }
0x52: {  	_ =	shalt  }
0x53: {  	_ =	shalt  }
0x54: {  	_ =	shalt  }
0x55: {  	_ =	shalt  }
0x56: {  	_ =	shalt  }
0x57: {  	_ =	shalt  }
0x58: {  	_ =	shalt  }
0x59: {  	_ =	shalt  }
0x5a: {  	_ =	shalt  }
0x5b: {  	_ =	shalt  }
0x5c: {  	_ =	shalt  }
0x5d: {  	_ =	shalt  }
0x5e: {  	_ =	shalt  }
0x5f: {  	_ =	shalt  }
0x60: {  	_ =	shalt  }
0x61: {  	_ =	shalt  }
0x62: {  	_ =	shalt  }
0x63: {  	_ =	shalt  }
0x64: {  	_ =	shalt  }
0x65: {  	_ =	shalt  }
0x66: {  	_ =	shalt  }
0x67: {  	_ =	shalt  }
0x68: {  	_ =	shalt  }
0x69: {  	_ =	shalt  }
0x6a: {  	_ =	shalt  }
0x6b: {  	_ =	shalt  }
0x6c: {  	_ =	shalt  }
0x6d: {  	_ =	shalt  }
0x6e: {  	_ =	shalt  }
0x6f: {  	_ =	shalt  }
0x70: {  	_ =	shalt  }
0x71: {  	_ =	shalt  }
0x72: {  	_ =	shalt  }
0x73: {  	_ =	shalt  }
0x74: {  	_ =	shalt  }
0x75: {  	_ =	shalt  }
0x76: {  	_ =	shalt  }
0x77: {  	_ =	shalt  }
0x78: {  	_ =	shalt  }
0x79: {  	_ =	shalt  }
0x7a: {  	_ =	shalt  }
0x7b: {  	_ =	shalt  }
0x7c: {  	_ =	shalt  }
0x7d: {  	_ =	shalt  }
0x7e: {  	_ =	shalt  }
0x7f: {  	_ =	shalt  }
0x80: {  	_ =	shalt  }
0x81: {  	_ =	shalt  }
0x82: {  	_ =	shalt  }
0x83: {  	_ =	shalt  }
0x84: {  	_ =	shalt  }
0x85: {  	_ =	shalt  }
0x86: {  	_ =	shalt  }
0x87: {  	_ =	shalt  }
.Lfunc_end0:
.L_simem_size_0:
called_computation.4_lowered:
.L_overlay_start_0:
0x88: {  	s2 =	sld [smem:$0x3FD9]  }
0x89: {  	s3 =	sld [smem:$0x3FFE];
	_ =	sdelay $0x1  }
0x8a: {  	s1 =	srdreg.scid  }
0x8b: {  	s0 =	sand.u32 $0x1, s1  }
0x8c: {  	s17 =	sshll.u32 s0, $0xA;
	s2 =	sadd.s32 s3, s2  }
0x8d: {  	s2 =	sadd.s32 s2, s17  }
0x8e: {  	[smem:$0x3FC0] =	sst s2  }
0x8f: {  	_ = 	snop  }
0x90: {  	s2 =	sld [smem:$0x3FD0];
	(tm) =	ssettm $0x1  }
0x91: {  	s18 =	sld [smem:$0x3FFB];
	_ =	sdelay $0x3  }
0x92: {  	_ =	strace s18  }
0x93: {  	s3 =	sld [smem:$0x3FFC];
	_ =	sdelay $0x3  }
0x94: {  	_ =	strace s3  }
0x95: {  	s3 =	sld [smem:$0x3FFD];
	_ =	sdelay $0x3  }
0x96: {  	_ =	strace s3  }
0x97: {  	_ =	strace $0x8FFFFFFF  }
0x98: {  	s19 =	sld [smem:$0x3FDB];
	_ =	sdelay $0x1  }
0x99: {  	s4 =	simm.s32 $_scs_section_size  }
0x9a: {  	s5 =	simm.s32 $_size__tile_overlayer_lowered;
	s6 =	simm.s32 $_tile_overlayer_lowered  }
0x9b: {  	s22 =	simm.s32 $0x1BFF;
	s21 =	sshll.u32 s6, $0x1;
	s3 =	sadd.s32 s4, s19  }
0x9c: {  	s7 =	simm.s32 $0x0;
	s20 =	sshll.u32 s5, $0x1;
	s5 =	sadd.s32 s21, s3  }
0x9d: {  	[timem:s7], [sflag:s22] =	dma.local [hbm:s5], s20  }
0x9e: {  	_ =	swait.ge [sflag:s22], s20  }
0x9f: {  	s4 =	ssub.s32 $0x0, s20;
	[sflag:s22] =	ssyncset.done $0x0  }
0xa0: {  	[sflag:s22] =	ssyncadd.s32 s4;
	_ =	sdelay $0x1  }
0xa1: {  	s23 =	simm.s32 $0x1B8B  }
0xa2: {  	_ =	swait.ge [sflag:s23], $0x1  }
0xa3: {  	[sflag:s23] =	ssyncset.done $0x0  }
0xa4: {  	s25 =	simm.s32 $0x1B8E;
	s24 =	sld [smem:$0x3FFE];
	[sflag:s23] =	ssyncadd.s32 $0xFFFFFFFF  }
0xa5: {  	s26 =	simm.s32 $execute0_lowered;
	[smem:$0x3FD2] =	sst s25  }
0xa6: {  	s5 =	sshll.u32 s26, $0x1;
	_ =	strace $0x80000052;
	[dreg:$0x1] =	wrdreg $0xFFFFFFFF  }
0xa7: {  	s28 =	simm.s32 $_size_execute0_lowered;
	s3 =	sadd.s32 s3, s5;
	[dreg:$0x0] =	wrdreg $0x0  }
0xa8: {  	s5 =	sshll.u32 s28, $0x1;
	[dreg:$0x2] =	wrdreg s3  }
0xa9: {  	[dreg:$0x3] =	wrdreg s5  }
0xaa: {  	[dreg:$0x4] =	wrdreg $0xC0  }
0xab: {  	_ =	task [dreg:s7], $0x5FFFF  }
0xac: {  	[dreg:$0x1] =	wrdreg $0xFFFFFFFF  }
0xad: {  	[dreg:$0x0] =	wrdreg $0x60  }
0xae: {  	[dreg:$0x2] =	wrdreg s24  }
0xaf: {  	[dreg:$0x3] =	wrdreg s2  }
0xb0: {  	[dreg:$0x4] =	wrdreg $0x0  }
0xb1: {  	[dreg:$0x5] =	wrdreg $0x9  }
0xb2: {  	_ =	task.clear_ibuf [dreg:s7], $0x6FFFF;
	_ =	strace $0x90000052  }
0xb3: {  	s29 =	simm.s32 $0x9;
	_ =	strace $0x80000054  }
0xb4: {  	_ =	swait.ge [sflag:s29], $0x1  }
0xb5: {  	[sflag:s29] =	ssyncadd.s32 $0xFFFFFFFF  }
0xb6: {  	_ =	strace $0x90000054  }
0xb7: {  	_ =	sfence  }
0xb8: {  	s30 =	sld [smem:$0x0];
	_ =	sdelay $0x2  }
0xb9: {  	s31 =	sshll.u32 s1, $0xD;
	s1 =	sshrl.u32 s1, $0x2  }
0xba: {  	s3 =	sand.u32 $0x4000, s31;
	s1 =	sadd.s32 s1, s30  }
0xbb: {  	s0 =	sor.u32 s3, s0;
	s1 =	sshll.u32 s1, $0x11  }
0xbc: {  	s0 =	sor.u32 s1, s0  }
0xbd: {  	s0 =	sadd.s32 $0x8F2B, s0  }
0xbe: {  	[sflag:s0] =	ssyncadd.remote.s32 $0x1  }
0xbf: {  	_ =	sfence.sel $0xFFFF  }
0xc0: {  	[dreg:$0x0] =	wrdreg $0xFFFFFFFF;
	(pc) =	sbr.abs _section_cstart, $3  }
0xc1: {  	[dreg:$0x1] =	wrdreg $0xFFFFFFFF  }
0xc2: {  	_ =	task.clear_ibuf [dreg:s7], $0x2FFFF;
	_ =	strace $0x9FFFFFFF  }
0xc3: {  	(tm) =	ssettm $0x7FFFFFFF  }
tec
execute0_lowered:
.L_overlay_start_1:
0x0: {  	(tag) =	ssettag $0x1  }
0x1: {  	s6 =	rddreg [dreg:$0x0]  }
0x2: {  	s11 =	rddreg [dreg:$0x1]  }
0x3: {  	s0 =	srdreg.scid;
	s2 =	rddreg [dreg:$0x2]  }
0x4: {  	s3 =	simm.s32 $0x0;
	s16 =	simm.s32 $0x2;
	s17 =	simm.s32 $0x14000  }
0x5: {  	s18 =	simm.s32 $0x16C00;
	s19 =	simm.s32 $0x78;
	s5 =	sand.u32 $0x1, s0  }
0x6: {  	s20 =	simm.s32 $0x1;
	s0 =	stileid.u32;
	s7 =	smul.u32 $0x140000, s5  }
0x7: {  	[smem:$0x7FF] =	sst s3;
	s4 =	sadd.s32 $0x3000, s6;
	s8 =	smul.u32 $0x14000, s0  }
0x8: {  	s1 =	sshll.u32 s5, $0x4;
	s9 =	smul.u32 $0x50000, s0;
	s29 =	ssub.s32 $0x2, s5  }
0x9: {  	s21 =	sshll.u32 s0, $0x6;
	s1 =	sor.u32 s0, s1;
	s31 =	sshrl.u32 s29, $0x1  }
0xa: {  	s21 =	sor.u32 $0x1C02, s21;
	s12 =	smul.u32 $0x580, s1;
	s1 =	rddreg [dreg:$0x3]  }
0xb: {  	_ =	strace $0x80000053;
	s7 =	sadd.s32 s8, s7;
	s30 =	sshrl.u32 s9, $0x2  }
0xc: {  	s15 =	ssub.s32 s29, s31;
	s7 =	sshrl.u32 s7, $0x3;
	s5 =	sadd.s32 s30, s2  }
0xd: {  	s13 =	sadd.s32 s12, s6;
	s14 =	sadd.s32 s7, s6;
	s6 =	sadd.s32 $0x3C00, s5  }
0xe: {  	s7 =	sadd.s32 $0x7800, s5;
	s8 =	sadd.s32 $0xB400, s5;
	s9 =	sadd.s32 $0xF000, s5  }
0xf: {  	s10 =	sadd.s32 $0x12C00, s5;
	s11 =	sadd.s32 s11, s12;
	s12 =	sadd.s32 $0x53000, s13  }
0x10: {  	v0 =	vimm.f32 $0.0e+00;
	s13 =	sadd.s32 $0x5E000, s14;
	s14 =	smax.u32 s15, $0x1;
	s15 =	simm.s32 $0x19800  }
.LBB2_1:
0x11: {  	s22 =	simm.s32 $0x0;
	s23 =	simm.s32 $0x200  }
.LBB2_2:
0x12: {  	p0 =	sne.s32 s23, $0xEE00;
	[tilespmem:s22+$0x19870] =	vst v0  }
0x13: {  	[tilespmem:s22+$0x19800] =	vst v0  }
0x14: {  	[tilespmem:s22+$0x19810] =	vst v0  }
.Ltmp0:
0x15: {  	[tilespmem:s22+$0x19820] =	vst v0;
	(pc) =	sbr.rel @p0 .LBB2_2-.Ltmp0, $4  }
0x16: {  	[tilespmem:s22+$0x19830] =	vst v0  }
0x17: {  	[tilespmem:s22+$0x19840] =	vst v0  }
0x18: {  	[tilespmem:s22+$0x19850] =	vst v0  }
0x19: {  	[tilespmem:s22+$0x19860] =	vst v0;
	s22 =	sshra.s32 s23, $0x2;
	s23 =	sadd.s32 $0x200, s23  }
0x1a: {  	[tilespmem:s22+$0x19870] =	vst v0  }
0x1b: {  	[tilespmem:s22+$0x19800] =	vst v0  }
0x1c: {  	[tilespmem:s22+$0x19810] =	vst v0  }
0x1d: {  	[tilespmem:s22+$0x19820] =	vst v0  }
0x1e: {  	[tilespmem:s22+$0x19830] =	vst v0  }
0x1f: {  	[tilespmem:s22+$0x19840] =	vst v0  }
0x20: {  	[tilespmem:s22+$0x19850] =	vst v0  }
0x21: {  	[tilespmem:s22+$0x19860] =	vst v0  }
0x22: {  	[spmem:s5] =	stream.linear.scatter [tilespmem:s15], [sflag:$0x2], $0x3C00, $0x38;
	[tilespmem:$0x1D400] =	vst v63  }
0x23: {  	_ =	swait.ge [sflag:s16], $0x3C00  }
0x24: {  	[sflag:s16] =	ssyncset.done $0x0  }
0x25: {  	[sflag:s16] =	ssyncadd.s32 $0xFFFFC400  }
0x26: {  	[spmem:s6] =	stream.linear.scatter [tilespmem:s15], [sflag:$0x2], $0x3C00, $0x38;
	[tilespmem:$0x1D400] =	vst v63  }
0x27: {  	_ =	swait.ge [sflag:s16], $0x3C00  }
0x28: {  	[sflag:s16] =	ssyncset.done $0x0  }
0x29: {  	[sflag:s16] =	ssyncadd.s32 $0xFFFFC400  }
0x2a: {  	[spmem:s7] =	stream.linear.scatter [tilespmem:s15], [sflag:$0x2], $0x3C00, $0x38;
	[tilespmem:$0x1D400] =	vst v63  }
0x2b: {  	_ =	swait.ge [sflag:s16], $0x3C00  }
0x2c: {  	[sflag:s16] =	ssyncset.done $0x0  }
0x2d: {  	[sflag:s16] =	ssyncadd.s32 $0xFFFFC400  }
0x2e: {  	[spmem:s8] =	stream.linear.scatter [tilespmem:s15], [sflag:$0x2], $0x3C00, $0x38;
	[tilespmem:$0x1D400] =	vst v63  }
0x2f: {  	_ =	swait.ge [sflag:s16], $0x3C00  }
0x30: {  	[sflag:s16] =	ssyncset.done $0x0  }
0x31: {  	[sflag:s16] =	ssyncadd.s32 $0xFFFFC400  }
0x32: {  	[spmem:s9] =	stream.linear.scatter [tilespmem:s15], [sflag:$0x2], $0x3C00, $0x38;
	[tilespmem:$0x1D400] =	vst v63  }
0x33: {  	_ =	swait.ge [sflag:s16], $0x3C00  }
0x34: {  	[sflag:s16] =	ssyncset.done $0x0  }
0x35: {  	[sflag:s16] =	ssyncadd.s32 $0xFFFFC400  }
0x36: {  	[spmem:s10] =	stream.linear.scatter [tilespmem:s15], [sflag:$0x2], $0x1400, $0x38;
	[tilespmem:$0x1D400] =	vst v63  }
0x37: {  	_ =	swait.ge [sflag:s16], $0x1400  }
0x38: {  	[sflag:s16] =	ssyncset.done $0x0  }
0x39: {  	s29 =	simm.s32 $0x0;
	[sflag:s16] =	ssyncadd.s32 $0xFFFFEC00  }
0x3a: {  	[tilespmem:s17], [sflag:$0x2] =	stream.linear.gather [hbm4b:s11+s29], $0x2A00, $0x38;
	[tilespmem:$0x1D400] =	vst v63  }
0x3b: {  	_ =	swait.ge [sflag:s16], $0x2A00  }
0x3c: {  	[sflag:s16] =	ssyncset.done $0x0  }
0x3d: {  	[sflag:s16] =	ssyncadd.s32 $0xFFFFD600  }
0x3e: {  	[tilespmem:s18], [sflag:$0x2] =	stream.linear.gather [hbm4b:s12+s29], $0x2A00, $0x38;
	[tilespmem:$0x1D400] =	vst v63  }
0x3f: {  	_ =	swait.ge [sflag:s16], $0x2A00  }
0x40: {  	[sflag:s16] =	ssyncset.done $0x0  }
0x41: {  	[sflag:s16] =	ssyncadd.s32 $0xFFFFD600  }
0x42: {  	s30 =	simm.s32 $0x14000;
	[bflag:$0x0] =	sbarrier.arrive $0xFFFF  }
0x43: {  	[tilespmem:s15], [sflag:$0x1] =	stream.indirect.gather [hbm4b:s4+s19], $0x80, s30, s19, $0xb8;
	[tilespmem:$0x1D400] =	vst v63  }
0x44: {  	_ =	swait.ge [sflag:s20], $0x3C00  }
0x45: {  	[sflag:s20] =	ssyncset.done $0x0  }
0x46: {  	s31 =	simm.s32 $0x16C00;
	[sflag:s20] =	ssyncadd.s32 $0xFFFFC400  }
0x47: {  	[spmem:s2] =	stream.indirect.scatter.add.f32 [tilespmem:s15], [sflag:$0x2], $0x80, s31, s19, $0xb8;
	[tilespmem:$0x1D400] =	vst v63  }
0x48: {  	_ =	swait.ge [sflag:s16], $0x3C00  }
0x49: {  	s23 =	simm.s32 $0x400;
	s22 =	simm.s32 $0x80;
	[sflag:s16] =	ssyncset.done $0x0  }
.LBB2_4:
0x4a: {  	s24 =	sadd.s32 $0x14000, s22  }
0x4b: {  	[sflag:s16] =	ssyncadd.s32 $0xFFFFC400;
	s25 =	smov.u32 s23;
	s26 =	sadd.s32 $0x200, s23  }
0x4c: {  	[tilespmem:s15], [sflag:$0x1] =	stream.indirect.gather [hbm4b:s4+s19], $0x80, s24, s19, $0xb8;
	[tilespmem:$0x1D400] =	vst v63  }
0x4d: {  	p0 =	sne.s32 s23, $0xA600;
	_ =	swait.ge [sflag:s20], $0x3C00  }
.Ltmp1:
0x4e: {  	[sflag:s20] =	ssyncset.done $0x0;
	(pc) =	sbr.rel @p0 .LBB2_4-.Ltmp1, $4  }
0x4f: {  	s22 =	sadd.s32 $0x16C00, s22;
	[sflag:s20] =	ssyncadd.s32 $0xFFFFC400  }
0x50: {  	[spmem:s2] =	stream.indirect.scatter.add.f32 [tilespmem:s15], [sflag:$0x2], $0x80, s22, s19, $0xb8;
	[tilespmem:$0x1D400] =	vst v63  }
0x51: {  	_ =	swait.ge [sflag:s16], $0x3C00  }
0x52: {  	s23 =	smov.u32 s26;
	s22 =	sshra.s32 s25, $0x2;
	[sflag:s16] =	ssyncset.done $0x0  }
0x53: {  	s23 =	sadd.s32 $0x14000, s22;
	[sflag:s16] =	ssyncadd.s32 $0xFFFFC400  }
0x54: {  	[tilespmem:s15], [sflag:$0x1] =	stream.indirect.gather [hbm4b:s4+s19], $0x80, s23, s19, $0xb8;
	[tilespmem:$0x1D400] =	vst v63  }
0x55: {  	_ =	swait.ge [sflag:s20], $0x3C00  }
0x56: {  	[sflag:s20] =	ssyncset.done $0x0  }
0x57: {  	s30 =	sadd.s32 $0x16C00, s22;
	[sflag:s20] =	ssyncadd.s32 $0xFFFFC400  }
0x58: {  	[spmem:s2] =	stream.indirect.scatter.add.f32 [tilespmem:s15], [sflag:$0x2], $0x80, s30, s19, $0xb8;
	[tilespmem:$0x1D400] =	vst v63  }
0x59: {  	_ =	swait.ge [sflag:s16], $0x3C00  }
0x5a: {  	s3 =	sadd.s32 $0x1, s3;
	[sflag:s16] =	ssyncset.done $0x0  }
0x5b: {  	p0 =	sne.s32 s3, s14;
	[sflag:s16] =	ssyncadd.s32 $0xFFFFC400  }
.Ltmp2:
0x5c: {  	s31 =	sshrl.u32 s5, $0x3;
	[bflag:$0x0] =	sbarrier.arrive $0xFFFF;
	(pc) =	sbr.rel @p0 .LBB2_1-.Ltmp2, $4  }
0x5d: {  	[hbm:s13], [sflag:s21] =	dma.local [spmem:s31], $0x2800  }
0x5e: {  	_ =	swait.ge [sflag:s16], $0x2800  }
0x5f: {  	[sflag:s16] =	ssyncset.done $0x0  }
0x60: {  	[sflag:s16] =	ssyncadd.s32 $0xFFFFD800  }
0x61: {  	_ =	sfence.sel $0x180000  }
0x62: {  	[bflag:$0x0] =	sbarrier.arrive $0xFFFF  }
0x63: {  	p0 =	sne.s32 s0, $0x0;
	_ =	strace $0x90000053  }
0x64: {  	s0 =	sadd.s32 @!p0 $0x100000, s1;
	[bflag:$0x2] =	sbarrier.arrive $0xFFFF  }
0x65: {  	[sflag:s0] =	ssyncadd.tile.s32 @!p0 $0x1;
	_ =	shalt  }
.Lfunc_end2:
_tile_overlayer_lowered:
.L_overlay_start_2:
0x66: {  	(tag) =	ssettag $0x2  }
0x67: {  	s0 =	rddreg [dreg:$0x0];
	s2 =	stileid.u32  }
0x68: {  	s1 =	rddreg [dreg:$0x1];
	p0 =	sne.s32 s2, $0x0  }
0x69: {  	s3 =	rddreg [dreg:$0x2];
	[bflag:$0x3] =	sbarrier.arrive $0xFFFF;
	s2 =	simm.s32 @!p0 $0x1C02  }
0x6a: {  	[timem:s3], [sflag:s2] =	dma.local @!p0 [hbm:s0], s1  }
0x6b: {  	s0 =	simm.s32 @!p0 $0x2  }
0x6c: {  	_ =	swait.ge @!p0 [sflag:s0], s1  }
0x6d: {  	s1 =	ssub.s32 @!p0 $0x0, s1;
	[sflag:s0] =	ssyncset.done @!p0 $0x0  }
0x6e: {  	[sflag:s0] =	ssyncadd.s32 @!p0 s1  }
0x6f: {  	[bflag:$0x3] =	sbarrier.arrive $0xFFFF  }
0x70: {  	_ =	shalt  }

</sc_bundles>
